<compile_context>
chip_gen: v7x
topology: tpu7x:2x2x1
jax: 0.10.2.dev20260603
libtpu: 0.0.44.dev20260713+nightly
codegen_flags: <defaults>
</compile_context>

<pallas_src>
import functools

import jax
import jax.numpy as jnp
from jax import lax
from jax.experimental import pallas as pl
from jax.experimental.pallas import tpu as pltpu
from jax.experimental.pallas import tpu_sc as plsc

N = 10000
E = 320000
NC = 2
NS = 16
NW = NC * NS
EW = E // NW
RPT = N // NS


@functools.lru_cache(maxsize=None)
def _make_sc_agg(D: int):
    mesh = plsc.VectorSubcoreMesh(core_axis_name="c", subcore_axis_name="s")
    CH = 40 if D == 128 else 80
    NCH = EW // CH
    NB = 6 if D == 128 else 8
    via_spmem = False
    scratch = [
        pltpu.VMEM((EW,), jnp.int32),
        pltpu.VMEM((EW,), jnp.int32),
        [pltpu.VMEM((CH, D), jnp.float32) for _ in range(NB)],
        pltpu.VMEM_SHARED((N, D), jnp.float32),
        [pltpu.SemaphoreType.DMA for _ in range(NB)],
        pltpu.SemaphoreType.DMA,
    ]
    if via_spmem:
        scratch.append(pltpu.VMEM_SHARED((N, D), jnp.float32))

    @functools.partial(
        pl.kernel,
        mesh=mesh,
        out_type=jax.ShapeDtypeStruct((NC, N, D), jnp.float32),
        scratch_types=scratch,
        compiler_params=pltpu.CompilerParams(use_tc_tiling_on_sc=False),
    )
    def k(x_hbm, ei_hbm, out_hbm, idxs, idxd, bufs, acc, sems, semi,
          *maybe_xsp):
        c = lax.axis_index("c")
        s = lax.axis_index("s")
        wid = s * NC + c
        ebase = wid * EW
        gsrc = maybe_xsp[0] if via_spmem else x_hbm
        pltpu.async_copy(ei_hbm.at[pl.ds(ebase, EW)], idxs, semi)
        pltpu.async_copy(ei_hbm.at[pl.ds(E + ebase, EW)], idxd, semi)
        pltpu.sync_copy(x_hbm.at[pl.ds(s * RPT, RPT)], acc.at[pl.ds(s * RPT, RPT)])
        if via_spmem:
            pltpu.sync_copy(x_hbm.at[pl.ds(s * RPT, RPT)],
                            gsrc.at[pl.ds(s * RPT, RPT)])
        pltpu.make_async_copy(ei_hbm.at[pl.ds(ebase, EW)], idxs, semi).wait()
        pltpu.make_async_copy(ei_hbm.at[pl.ds(E + ebase, EW)], idxd, semi).wait()
        plsc.subcore_barrier()

        def gstart(j, rb, sem):
            pltpu.async_copy(gsrc.at[idxs.at[pl.ds(j * CH, CH)]], rb, sem)

        def gwait(j, rb, sem):
            pltpu.make_async_copy(gsrc.at[idxs.at[pl.ds(j * CH, CH)]], rb,
                                  sem).wait()

        def sstart(j, rb, sem):
            pltpu.async_copy(rb, acc.at[idxd.at[pl.ds(j * CH, CH)]], sem,
                             add=True)

        def swait(j, rb, sem):
            pltpu.make_async_copy(rb, acc.at[idxd.at[pl.ds(j * CH, CH)]],
                                  sem).wait()

        NRND = NCH // NB
        TAIL = NCH % NB
        for t in range(NB):
            gstart(t, bufs[t], sems[t])

        def rnd(q, carry):
            jb = q * NB
            for t in range(NB):
                gwait(jb + t, bufs[t], sems[t])
                sstart(jb + t, bufs[t], sems[t])
            for t in range(NB):
                swait(jb + t, bufs[t], sems[t])
                gstart(jb + NB + t, bufs[t], sems[t])
            return carry

        lax.fori_loop(0, NRND - 1, rnd, 0)
        jb = (NRND - 1) * NB
        for t in range(NB):
            gwait(jb + t, bufs[t], sems[t])
            sstart(jb + t, bufs[t], sems[t])
        for t in range(TAIL):
            swait(jb + t, bufs[t], sems[t])
            gstart(jb + NB + t, bufs[t], sems[t])
        for t in range(TAIL):
            gwait(jb + NB + t, bufs[t], sems[t])
            sstart(jb + NB + t, bufs[t], sems[t])
        for t in range(TAIL):
            swait(jb + NB + t, bufs[t], sems[t])
        for t in range(TAIL, NB):
            swait(jb + t, bufs[t], sems[t])
        plsc.subcore_barrier()
        pltpu.sync_copy(acc.at[pl.ds(s * RPT, RPT)],
                        out_hbm.at[c, pl.ds(s * RPT, RPT)])

    return k


BN = 2000


N4 = N // 4


def _tc1_body(eps_ref, x_ref, agg_ref, W1a_ref, b1a_ref, W1b_ref, b1b_ref,
              W2a_ref, u2_ref):
    z1 = agg_ref[0] + agg_ref[1] + (eps_ref[0, 0] - 1.0) * x_ref[...]
    t = jax.nn.relu(jnp.dot(z1, W1a_ref[...], preferred_element_type=jnp.float32, precision=jax.lax.Precision.HIGHEST)
                    + b1a_ref[...])
    h1 = jax.nn.relu(jnp.dot(t, W1b_ref[...], preferred_element_type=jnp.float32, precision=jax.lax.Precision.HIGHEST)
                     + b1b_ref[...])
    u2_ref[...] = jnp.dot(h1, W2a_ref[...], preferred_element_type=jnp.float32, precision=jax.lax.Precision.HIGHEST)


def _tc1(eps1, x, agg1, W1a, b1a, W1b, b1b, W2a):
    grid = (N // BN,)
    return pl.pallas_call(
        _tc1_body,
        grid=grid,
        in_specs=[
            pl.BlockSpec(memory_space=pltpu.SMEM),
            pl.BlockSpec((BN, 128), lambda i: (i, 0)),
            pl.BlockSpec((NC, BN, 128), lambda i: (0, i, 0)),
            pl.BlockSpec((128, 128), lambda i: (0, 0)),
            pl.BlockSpec((1, 128), lambda i: (0, 0)),
            pl.BlockSpec((128, 128), lambda i: (0, 0)),
            pl.BlockSpec((1, 128), lambda i: (0, 0)),
            pl.BlockSpec((128, 32), lambda i: (0, 0)),
        ],
        out_specs=pl.BlockSpec((BN, 32), lambda i: (i, 0)),
        out_shape=jax.ShapeDtypeStruct((N, 32), jnp.float32),
    )(eps1, x, agg1, W1a, b1a, W1b, b1b, W2a)


def _tc2_body(eps_ref, u2_ref, agg_ref, b2a_ref, W2b_ref, b2b_ref, Wh_ref,
              bh_ref, out_ref):
    z = agg_ref[0] + agg_ref[1] + (eps_ref[0, 0] - 1.0) * u2_ref[...] + b2a_ref[...]
    t = jax.nn.relu(z)
    h2 = jax.nn.relu(jnp.dot(t, W2b_ref[...], preferred_element_type=jnp.float32, precision=jax.lax.Precision.HIGHEST)
                     + b2b_ref[...])
    out_ref[...] = jnp.dot(h2, Wh_ref[...], preferred_element_type=jnp.float32, precision=jax.lax.Precision.HIGHEST) \
        + bh_ref[...]


def _tc2(eps2, u2p, agg2p, b2a4, W2b_bd, b2b4, Wh_bd, bh4):
    grid = (1,)
    return pl.pallas_call(
        _tc2_body,
        grid=grid,
        in_specs=[
            pl.BlockSpec(memory_space=pltpu.SMEM),
            pl.BlockSpec((N4, 128), lambda i: (0, 0)),
            pl.BlockSpec((NC, N4, 128), lambda i: (0, 0, 0)),
            pl.BlockSpec((1, 128), lambda i: (0, 0)),
            pl.BlockSpec((128, 128), lambda i: (0, 0)),
            pl.BlockSpec((1, 128), lambda i: (0, 0)),
            pl.BlockSpec((128, 16), lambda i: (0, 0)),
            pl.BlockSpec((1, 16), lambda i: (0, 0)),
        ],
        out_specs=pl.BlockSpec((N4, 16), lambda i: (0, 0)),
        out_shape=jax.ShapeDtypeStruct((N4, 16), jnp.float32),
    )(eps2, u2p, agg2p, b2a4, W2b_bd, b2b4, Wh_bd, bh4)


def kernel(x, edge_index, eps1, W1a, b1a, W1b, b1b, eps2, W2a, b2a, W2b, b2b,
           Wh, bh):
    ei = jnp.reshape(edge_index, (2 * E,))
    eps1_s = jnp.reshape(eps1, (1, 1))
    eps2_s = jnp.reshape(eps2, (1, 1))
    agg1 = _make_sc_agg(128)(x, ei)
    u2 = _tc1(eps1_s, x, agg1,
              W1a, jnp.reshape(b1a, (1, 128)),
              W1b, jnp.reshape(b1b, (1, 128)), W2a)
    u2p = jnp.reshape(u2, (N4, 128))
    agg2 = _make_sc_agg(32)(u2, ei)
    agg2p = jnp.reshape(agg2, (NC, N4, 128))
    W2b_bd = jnp.concatenate(
        [jnp.pad(W2b, ((32 * j, 96 - 32 * j), (0, 0))) for j in range(4)],
        axis=1)
    Wh_bd = jnp.concatenate(
        [jnp.pad(Wh, ((32 * j, 96 - 32 * j), (0, 0))) for j in range(4)],
        axis=1)
    outp = _tc2(eps2_s, u2p, agg2p,
                jnp.reshape(jnp.tile(b2a, 4), (1, 128)),
                W2b_bd,
                jnp.reshape(jnp.tile(b2b, 4), (1, 128)),
                Wh_bd,
                jnp.reshape(jnp.tile(bh, 4), (1, 16)))
    return jnp.reshape(outp, (N, 4))

# --- scband reference (transcript-rebuilt; emitter-appended) ---
"""Pipeline reference for scband-ginnet-7713761263893 (READ-ONLY COPY).

The authoritative reference and input builder live on the scoring server;
editing this copy changes nothing except your own understanding.
"""

import jax, jax.numpy as jnp
import numpy as np

N = 10000
E = 320000
D = 128

def setup_inputs(seed: int = 0) -> dict:
    key = jax.random.key(seed)
    ks = jax.random.split(key, 8)
    x = jax.random.normal(ks[0], (N, D), dtype=jnp.float32)
    edge_index = jax.random.randint(ks[1], (2, E), 0, N, dtype=jnp.int32)
    W1a = jax.random.normal(ks[2], (D, D), dtype=jnp.float32) / np.sqrt(D)
    b1a = jnp.zeros((D,), dtype=jnp.float32)
    W1b = jax.random.normal(ks[3], (D, D), dtype=jnp.float32) / np.sqrt(D)
    b1b = jnp.zeros((D,), dtype=jnp.float32)
    W2a = jax.random.normal(ks[4], (D, 32), dtype=jnp.float32) / np.sqrt(D)
    b2a = jnp.zeros((32,), dtype=jnp.float32)
    W2b = jax.random.normal(ks[5], (32, 32), dtype=jnp.float32) / np.sqrt(32)
    b2b = jnp.zeros((32,), dtype=jnp.float32)
    Wh = jax.random.normal(ks[6], (32, 4), dtype=jnp.float32) / np.sqrt(32)
    bh = jnp.zeros((4,), dtype=jnp.float32)
    eps1 = jnp.zeros((), dtype=jnp.float32)
    eps2 = jnp.zeros((), dtype=jnp.float32)
    return {"x": x, "edge_index": edge_index, "eps1": eps1, "W1a": W1a, "b1a": b1a, "W1b": W1b, "b1b": b1b, "eps2": eps2, "W2a": W2a, "b2a": b2a, "W2b": W2b, "b2b": b2b, "Wh": Wh, "bh": bh}

def _gin_conv(h, edge_index, eps, Wa, ba, Wb, bb):
    src = edge_index[0]
    dst = edge_index[1]
    # GIN aggregation: sum messages x_j from src nodes into dst nodes
    agg = jnp.zeros_like(h).at[dst].add(h[src])
    z = (1.0 + eps) * h + agg
    z = jax.nn.relu(z @ Wa + ba)
    return z @ Wb + bb

def reference(x, edge_index, eps1, W1a, b1a, W1b, b1b, eps2, W2a, b2a, W2b, b2b, Wh, bh):
    h = jax.nn.relu(_gin_conv(x, edge_index, eps1, W1a, b1a, W1b, b1b))
    # dropout is identity in eval mode (training=False)
    h = jax.nn.relu(_gin_conv(h, edge_index, eps2, W2a, b2a, W2b, b2b))
    return h @ Wh + bh

if __name__ == "__main__":
    import jax
    _d = setup_inputs()
    print(jax.jit(kernel)(*tuple(_d.values())))

</pallas_src>

<mosaic_0001>
#map = affine_map<(d0, d1) -> (0, 0)>
#map1 = affine_map<(d0, d1) -> (0)>
#map2 = affine_map<(d0, d1) -> (0, 0, 0)>
module attributes {stable_mosaic.version = 14 : i64} {
  func.func @k(%arg0: i32, %arg1: i32, %arg2: memref<10000x128xf32, #tpu.memory_space<hbm>>, %arg3: memref<640000xi32, #tpu.memory_space<hbm>>, %arg4: memref<2x10000x128xf32, #tpu.memory_space<hbm>>, %arg5: memref<10000xi32, #tpu.memory_space<vmem>>, %arg6: memref<10000xi32, #tpu.memory_space<vmem>>, %arg7: memref<40x128xf32, #tpu.memory_space<vmem>>, %arg8: memref<40x128xf32, #tpu.memory_space<vmem>>, %arg9: memref<40x128xf32, #tpu.memory_space<vmem>>, %arg10: memref<40x128xf32, #tpu.memory_space<vmem>>, %arg11: memref<40x128xf32, #tpu.memory_space<vmem>>, %arg12: memref<40x128xf32, #tpu.memory_space<vmem>>, %arg13: memref<10000x128xf32, #tpu.memory_space<vmem_shared>>, %arg14: memref<!tpu.dma_semaphore, #tpu.memory_space<semaphore_mem>>, %arg15: memref<!tpu.dma_semaphore, #tpu.memory_space<semaphore_mem>>, %arg16: memref<!tpu.dma_semaphore, #tpu.memory_space<semaphore_mem>>, %arg17: memref<!tpu.dma_semaphore, #tpu.memory_space<semaphore_mem>>, %arg18: memref<!tpu.dma_semaphore, #tpu.memory_space<semaphore_mem>>, %arg19: memref<!tpu.dma_semaphore, #tpu.memory_space<semaphore_mem>>, %arg20: memref<!tpu.dma_semaphore, #tpu.memory_space<semaphore_mem>>) attributes {dimension_semantics = [#tpu.dimension_semantics<core_parallel>, #tpu.dimension_semantics<subcore_parallel>], iteration_bounds = array<i64: 2, 16>, scalar_prefetch = 0 : i64, scratch_operands = 16 : i64, tpu.core_type = #tpu.core_type<sc_vector_subcore>, window_params = [{transform_indices = #map}, {transform_indices = #map1}, {transform_indices = #map2}]} {
    %mul3A = arith.constant 2 : i32
    %mul3A_0 = arith.muli %arg1, %mul3A : i32
    %add3A = arith.addi %mul3A_0, %arg0 : i32
    %mul3A_1 = arith.constant 10000 : i32
    %mul3A_2 = arith.muli %add3A, %mul3A_1 : i32
    %dma_start3A = tpu.memref_slice %arg3[%mul3A_2] : memref<640000xi32, #tpu.memory_space<hbm>> -> memref<10000xi32, #tpu.memory_space<hbm>>
    %dma_start3A_3 = tpu.memref_slice %arg3[%mul3A_2] : memref<640000xi32, #tpu.memory_space<hbm>> -> memref<10000xi32, #tpu.memory_space<hbm>>
    tpu.enqueue_dma source(%dma_start3A_3 : memref<10000xi32, #tpu.memory_space<hbm>>) target(%arg5 : memref<10000xi32, #tpu.memory_space<vmem>>) target_semaphore(%arg20 : memref<!tpu.dma_semaphore, #tpu.memory_space<semaphore_mem>>)
    %add3A_4 = arith.constant 320000 : i32
    %add3A_5 = arith.addi %add3A_4, %mul3A_2 : i32
    %dma_start3A_6 = tpu.memref_slice %arg3[%add3A_5] : memref<640000xi32, #tpu.memory_space<hbm>> -> memref<10000xi32, #tpu.memory_space<hbm>>
    %dma_start3A_7 = tpu.memref_slice %arg3[%add3A_5] : memref<640000xi32, #tpu.memory_space<hbm>> -> memref<10000xi32, #tpu.memory_space<hbm>>
    tpu.enqueue_dma source(%dma_start3A_7 : memref<10000xi32, #tpu.memory_space<hbm>>) target(%arg6 : memref<10000xi32, #tpu.memory_space<vmem>>) target_semaphore(%arg20 : memref<!tpu.dma_semaphore, #tpu.memory_space<semaphore_mem>>)
    %mul3A_8 = arith.constant 625 : i32
    %mul3A_9 = arith.muli %arg1, %mul3A_8 : i32
    %mul3A_10 = arith.constant 625 : i32
    %mul3A_11 = arith.muli %arg1, %mul3A_10 : i32
    "tpu.region"() ({
      %run_scoped3A = tpu.sem_alloc : memref<!tpu.dma_semaphore, #tpu.memory_space<semaphore_mem>>
      %dma_start3A_227 = arith.constant 0 : i32
      %dma_start3A_228 = tpu.memref_slice %arg13[%mul3A_11, %dma_start3A_227] : memref<10000x128xf32, #tpu.memory_space<vmem_shared>> -> memref<625x128xf32, #tpu.memory_space<vmem_shared>>
      %dma_start3A_229 = arith.constant 0 : i32
      %dma_start3A_230 = tpu.memref_slice %arg2[%mul3A_9, %dma_start3A_229] : memref<10000x128xf32, #tpu.memory_space<hbm>> -> memref<625x128xf32, #tpu.memory_space<hbm>>
      tpu.enqueue_dma source(%dma_start3A_230 : memref<625x128xf32, #tpu.memory_space<hbm>>) target(%dma_start3A_228 : memref<625x128xf32, #tpu.memory_space<vmem_shared>>) target_semaphore(%run_scoped3A : memref<!tpu.dma_semaphore, #tpu.memory_space<semaphore_mem>>)
      %dma_wait3A_231 = arith.constant 0 : i32
      %dma_wait3A_232 = tpu.memref_slice %arg13[%mul3A_11, %dma_wait3A_231] : memref<10000x128xf32, #tpu.memory_space<vmem_shared>> -> memref<625x128xf32, #tpu.memory_space<vmem_shared>>
      %dma_wait3A_233 = arith.constant 0 : i32
      %dma_wait3A_234 = tpu.memref_slice %arg2[%mul3A_9, %dma_wait3A_233] : memref<10000x128xf32, #tpu.memory_space<hbm>> -> memref<625x128xf32, #tpu.memory_space<hbm>>
      tpu.wait_dma2 semaphore(%run_scoped3A : memref<!tpu.dma_semaphore, #tpu.memory_space<semaphore_mem>>) src(%dma_wait3A_234 : memref<625x128xf32, #tpu.memory_space<hbm>>) dst(%dma_wait3A_232 : memref<625x128xf32, #tpu.memory_space<vmem_shared>>)
      tpu.yield
    }) : () -> ()
    %dma_wait3A = tpu.memref_slice %arg3[%mul3A_2] : memref<640000xi32, #tpu.memory_space<hbm>> -> memref<10000xi32, #tpu.memory_space<hbm>>
    %dma_wait3A_12 = tpu.memref_slice %arg3[%mul3A_2] : memref<640000xi32, #tpu.memory_space<hbm>> -> memref<10000xi32, #tpu.memory_space<hbm>>
    tpu.wait_dma2 semaphore(%arg20 : memref<!tpu.dma_semaphore, #tpu.memory_space<semaphore_mem>>) src(%dma_wait3A_12 : memref<10000xi32, #tpu.memory_space<hbm>>) dst(%arg5 : memref<10000xi32, #tpu.memory_space<vmem>>)
    %add3A_13 = arith.constant 320000 : i32
    %add3A_14 = arith.addi %add3A_13, %mul3A_2 : i32
    %dma_wait3A_15 = tpu.memref_slice %arg3[%add3A_14] : memref<640000xi32, #tpu.memory_space<hbm>> -> memref<10000xi32, #tpu.memory_space<hbm>>
    %dma_wait3A_16 = tpu.memref_slice %arg3[%add3A_14] : memref<640000xi32, #tpu.memory_space<hbm>> -> memref<10000xi32, #tpu.memory_space<hbm>>
    tpu.wait_dma2 semaphore(%arg20 : memref<!tpu.dma_semaphore, #tpu.memory_space<semaphore_mem>>) src(%dma_wait3A_16 : memref<10000xi32, #tpu.memory_space<hbm>>) dst(%arg6 : memref<10000xi32, #tpu.memory_space<vmem>>)
    %barrier3A = arith.constant 0 : index
    tpu.barrier barrier_id(%barrier3A)
    %dma_start3A_17 = arith.constant 0 : i32
    %dma_start3A_18 = tpu.memref_slice %arg5[%dma_start3A_17] : memref<10000xi32, #tpu.memory_space<vmem>> -> memref<40xi32, #tpu.memory_space<vmem>>
    %dma_start3A_19 = arith.constant 0 : i32
    %dma_start3A_20 = arith.constant 0 : i32
    %dma_start3A_21 = tpu.memref_slice %arg2[%dma_start3A_19, %dma_start3A_20] : memref<10000x128xf32, #tpu.memory_space<hbm>> -> memref<10000x128xf32, #tpu.memory_space<hbm>>
    tpu.enqueue_indirect_dma source(%dma_start3A_21 : memref<10000x128xf32, #tpu.memory_space<hbm>>) target(%arg7 : memref<40x128xf32, #tpu.memory_space<vmem>>) offsets(%dma_start3A_18 : memref<40xi32, #tpu.memory_space<vmem>>) semaphore(%arg14 : memref<!tpu.dma_semaphore, #tpu.memory_space<semaphore_mem>>)
    %dma_start3A_22 = arith.constant 40 : i32
    %dma_start3A_23 = tpu.memref_slice %arg5[%dma_start3A_22] : memref<10000xi32, #tpu.memory_space<vmem>> -> memref<40xi32, #tpu.memory_space<vmem>>
    %dma_start3A_24 = arith.constant 0 : i32
    %dma_start3A_25 = arith.constant 0 : i32
    %dma_start3A_26 = tpu.memref_slice %arg2[%dma_start3A_24, %dma_start3A_25] : memref<10000x128xf32, #tpu.memory_space<hbm>> -> memref<10000x128xf32, #tpu.memory_space<hbm>>
    tpu.enqueue_indirect_dma source(%dma_start3A_26 : memref<10000x128xf32, #tpu.memory_space<hbm>>) target(%arg8 : memref<40x128xf32, #tpu.memory_space<vmem>>) offsets(%dma_start3A_23 : memref<40xi32, #tpu.memory_space<vmem>>) semaphore(%arg15 : memref<!tpu.dma_semaphore, #tpu.memory_space<semaphore_mem>>)
    %dma_start3A_27 = arith.constant 80 : i32
    %dma_start3A_28 = tpu.memref_slice %arg5[%dma_start3A_27] : memref<10000xi32, #tpu.memory_space<vmem>> -> memref<40xi32, #tpu.memory_space<vmem>>
    %dma_start3A_29 = arith.constant 0 : i32
    %dma_start3A_30 = arith.constant 0 : i32
    %dma_start3A_31 = tpu.memref_slice %arg2[%dma_start3A_29, %dma_start3A_30] : memref<10000x128xf32, #tpu.memory_space<hbm>> -> memref<10000x128xf32, #tpu.memory_space<hbm>>
    tpu.enqueue_indirect_dma source(%dma_start3A_31 : memref<10000x128xf32, #tpu.memory_space<hbm>>) target(%arg9 : memref<40x128xf32, #tpu.memory_space<vmem>>) offsets(%dma_start3A_28 : memref<40xi32, #tpu.memory_space<vmem>>) semaphore(%arg16 : memref<!tpu.dma_semaphore, #tpu.memory_space<semaphore_mem>>)
    %dma_start3A_32 = arith.constant 120 : i32
    %dma_start3A_33 = tpu.memref_slice %arg5[%dma_start3A_32] : memref<10000xi32, #tpu.memory_space<vmem>> -> memref<40xi32, #tpu.memory_space<vmem>>
    %dma_start3A_34 = arith.constant 0 : i32
    %dma_start3A_35 = arith.constant 0 : i32
    %dma_start3A_36 = tpu.memref_slice %arg2[%dma_start3A_34, %dma_start3A_35] : memref<10000x128xf32, #tpu.memory_space<hbm>> -> memref<10000x128xf32, #tpu.memory_space<hbm>>
    tpu.enqueue_indirect_dma source(%dma_start3A_36 : memref<10000x128xf32, #tpu.memory_space<hbm>>) target(%arg10 : memref<40x128xf32, #tpu.memory_space<vmem>>) offsets(%dma_start3A_33 : memref<40xi32, #tpu.memory_space<vmem>>) semaphore(%arg17 : memref<!tpu.dma_semaphore, #tpu.memory_space<semaphore_mem>>)
    %dma_start3A_37 = arith.constant 160 : i32
    %dma_start3A_38 = tpu.memref_slice %arg5[%dma_start3A_37] : memref<10000xi32, #tpu.memory_space<vmem>> -> memref<40xi32, #tpu.memory_space<vmem>>
    %dma_start3A_39 = arith.constant 0 : i32
    %dma_start3A_40 = arith.constant 0 : i32
    %dma_start3A_41 = tpu.memref_slice %arg2[%dma_start3A_39, %dma_start3A_40] : memref<10000x128xf32, #tpu.memory_space<hbm>> -> memref<10000x128xf32, #tpu.memory_space<hbm>>
    tpu.enqueue_indirect_dma source(%dma_start3A_41 : memref<10000x128xf32, #tpu.memory_space<hbm>>) target(%arg11 : memref<40x128xf32, #tpu.memory_space<vmem>>) offsets(%dma_start3A_38 : memref<40xi32, #tpu.memory_space<vmem>>) semaphore(%arg18 : memref<!tpu.dma_semaphore, #tpu.memory_space<semaphore_mem>>)
    %dma_start3A_42 = arith.constant 200 : i32
    %dma_start3A_43 = tpu.memref_slice %arg5[%dma_start3A_42] : memref<10000xi32, #tpu.memory_space<vmem>> -> memref<40xi32, #tpu.memory_space<vmem>>
    %dma_start3A_44 = arith.constant 0 : i32
    %dma_start3A_45 = arith.constant 0 : i32
    %dma_start3A_46 = tpu.memref_slice %arg2[%dma_start3A_44, %dma_start3A_45] : memref<10000x128xf32, #tpu.memory_space<hbm>> -> memref<10000x128xf32, #tpu.memory_space<hbm>>
    tpu.enqueue_indirect_dma source(%dma_start3A_46 : memref<10000x128xf32, #tpu.memory_space<hbm>>) target(%arg12 : memref<40x128xf32, #tpu.memory_space<vmem>>) offsets(%dma_start3A_43 : memref<40xi32, #tpu.memory_space<vmem>>) semaphore(%arg19 : memref<!tpu.dma_semaphore, #tpu.memory_space<semaphore_mem>>)
    %scan3A = arith.constant 0 : i32
    %scan3A_47 = arith.constant 0 : i32
    %scan3A_48 = arith.constant 40 : i32
    %scan3A_49 = arith.addi %scan3A_47, %scan3A_48 : i32
    %scan3A_50 = arith.constant 1 : i32
    scf.for %scan3A_227 = %scan3A_47 to %scan3A_49 step %scan3A_50  : i32 {
      %mul3A_228 = arith.constant 6 : i32
      %mul3A_229 = arith.muli %scan3A_227, %mul3A_228 : i32
      %add3A_230 = arith.constant 0 : i32
      %add3A_231 = arith.addi %mul3A_229, %add3A_230 : i32
      %mul3A_232 = arith.constant 40 : i32
      %mul3A_233 = arith.muli %add3A_231, %mul3A_232 : i32
      %dma_wait3A_234 = tpu.memref_slice %arg5[%mul3A_233] : memref<10000xi32, #tpu.memory_space<vmem>> -> memref<40xi32, #tpu.memory_space<vmem>>
      %dma_wait3A_235 = arith.constant 0 : i32
      %dma_wait3A_236 = arith.constant 0 : i32
      %dma_wait3A_237 = tpu.memref_slice %arg2[%dma_wait3A_235, %dma_wait3A_236] : memref<10000x128xf32, #tpu.memory_space<hbm>> -> memref<10000x128xf32, #tpu.memory_space<hbm>>
      tpu.wait_indirect_dma semaphore(%arg14 : memref<!tpu.dma_semaphore, #tpu.memory_space<semaphore_mem>>) src(%dma_wait3A_237 : memref<10000x128xf32, #tpu.memory_space<hbm>>) dst(%arg7 : memref<40x128xf32, #tpu.memory_space<vmem>>)
      %add3A_238 = arith.constant 0 : i32
      %add3A_239 = arith.addi %mul3A_229, %add3A_238 : i32
      %mul3A_240 = arith.constant 40 : i32
      %mul3A_241 = arith.muli %add3A_239, %mul3A_240 : i32
      %dma_start3A_242 = tpu.memref_slice %arg6[%mul3A_241] : memref<10000xi32, #tpu.memory_space<vmem>> -> memref<40xi32, #tpu.memory_space<vmem>>
      %dma_start3A_243 = arith.constant 0 : i32
      %dma_start3A_244 = arith.constant 0 : i32
      %dma_start3A_245 = tpu.memref_slice %arg13[%dma_start3A_243, %dma_start3A_244] : memref<10000x128xf32, #tpu.memory_space<vmem_shared>> -> memref<10000x128xf32, #tpu.memory_space<vmem_shared>>
      tpu.enqueue_indirect_dma source(%arg7 : memref<40x128xf32, #tpu.memory_space<vmem>>) target(%dma_start3A_245 : memref<10000x128xf32, #tpu.memory_space<vmem_shared>>) offsets(%dma_start3A_242 : memref<40xi32, #tpu.memory_space<vmem>>) semaphore(%arg14 : memref<!tpu.dma_semaphore, #tpu.memory_space<semaphore_mem>>) {add = true}
      %add3A_246 = arith.constant 1 : i32
      %add3A_247 = arith.addi %mul3A_229, %add3A_246 : i32
      %mul3A_248 = arith.constant 40 : i32
      %mul3A_249 = arith.muli %add3A_247, %mul3A_248 : i32
      %dma_wait3A_250 = tpu.memref_slice %arg5[%mul3A_249] : memref<10000xi32, #tpu.memory_space<vmem>> -> memref<40xi32, #tpu.memory_space<vmem>>
      %dma_wait3A_251 = arith.constant 0 : i32
      %dma_wait3A_252 = arith.constant 0 : i32
      %dma_wait3A_253 = tpu.memref_slice %arg2[%dma_wait3A_251, %dma_wait3A_252] : memref<10000x128xf32, #tpu.memory_space<hbm>> -> memref<10000x128xf32, #tpu.memory_space<hbm>>
      tpu.wait_indirect_dma semaphore(%arg15 : memref<!tpu.dma_semaphore, #tpu.memory_space<semaphore_mem>>) src(%dma_wait3A_253 : memref<10000x128xf32, #tpu.memory_space<hbm>>) dst(%arg8 : memref<40x128xf32, #tpu.memory_space<vmem>>)
      %add3A_254 = arith.constant 1 : i32
      %add3A_255 = arith.addi %mul3A_229, %add3A_254 : i32
      %mul3A_256 = arith.constant 40 : i32
      %mul3A_257 = arith.muli %add3A_255, %mul3A_256 : i32
      %dma_start3A_258 = tpu.memref_slice %arg6[%mul3A_257] : memref<10000xi32, #tpu.memory_space<vmem>> -> memref<40xi32, #tpu.memory_space<vmem>>
      %dma_start3A_259 = arith.constant 0 : i32
      %dma_start3A_260 = arith.constant 0 : i32
      %dma_start3A_261 = tpu.memref_slice %arg13[%dma_start3A_259, %dma_start3A_260] : memref<10000x128xf32, #tpu.memory_space<vmem_shared>> -> memref<10000x128xf32, #tpu.memory_space<vmem_shared>>
      tpu.enqueue_indirect_dma source(%arg8 : memref<40x128xf32, #tpu.memory_space<vmem>>) target(%dma_start3A_261 : memref<10000x128xf32, #tpu.memory_space<vmem_shared>>) offsets(%dma_start3A_258 : memref<40xi32, #tpu.memory_space<vmem>>) semaphore(%arg15 : memref<!tpu.dma_semaphore, #tpu.memory_space<semaphore_mem>>) {add = true}
      %add3A_262 = arith.constant 2 : i32
      %add3A_263 = arith.addi %mul3A_229, %add3A_262 : i32
      %mul3A_264 = arith.constant 40 : i32
      %mul3A_265 = arith.muli %add3A_263, %mul3A_264 : i32
      %dma_wait3A_266 = tpu.memref_slice %arg5[%mul3A_265] : memref<10000xi32, #tpu.memory_space<vmem>> -> memref<40xi32, #tpu.memory_space<vmem>>
      %dma_wait3A_267 = arith.constant 0 : i32
      %dma_wait3A_268 = arith.constant 0 : i32
      %dma_wait3A_269 = tpu.memref_slice %arg2[%dma_wait3A_267, %dma_wait3A_268] : memref<10000x128xf32, #tpu.memory_space<hbm>> -> memref<10000x128xf32, #tpu.memory_space<hbm>>
      tpu.wait_indirect_dma semaphore(%arg16 : memref<!tpu.dma_semaphore, #tpu.memory_space<semaphore_mem>>) src(%dma_wait3A_269 : memref<10000x128xf32, #tpu.memory_space<hbm>>) dst(%arg9 : memref<40x128xf32, #tpu.memory_space<vmem>>)
      %add3A_270 = arith.constant 2 : i32
      %add3A_271 = arith.addi %mul3A_229, %add3A_270 : i32
      %mul3A_272 = arith.constant 40 : i32
      %mul3A_273 = arith.muli %add3A_271, %mul3A_272 : i32
      %dma_start3A_274 = tpu.memref_slice %arg6[%mul3A_273] : memref<10000xi32, #tpu.memory_space<vmem>> -> memref<40xi32, #tpu.memory_space<vmem>>
      %dma_start3A_275 = arith.constant 0 : i32
      %dma_start3A_276 = arith.constant 0 : i32
      %dma_start3A_277 = tpu.memref_slice %arg13[%dma_start3A_275, %dma_start3A_276] : memref<10000x128xf32, #tpu.memory_space<vmem_shared>> -> memref<10000x128xf32, #tpu.memory_space<vmem_shared>>
      tpu.enqueue_indirect_dma source(%arg9 : memref<40x128xf32, #tpu.memory_space<vmem>>) target(%dma_start3A_277 : memref<10000x128xf32, #tpu.memory_space<vmem_shared>>) offsets(%dma_start3A_274 : memref<40xi32, #tpu.memory_space<vmem>>) semaphore(%arg16 : memref<!tpu.dma_semaphore, #tpu.memory_space<semaphore_mem>>) {add = true}
      %add3A_278 = arith.constant 3 : i32
      %add3A_279 = arith.addi %mul3A_229, %add3A_278 : i32
      %mul3A_280 = arith.constant 40 : i32
      %mul3A_281 = arith.muli %add3A_279, %mul3A_280 : i32
      %dma_wait3A_282 = tpu.memref_slice %arg5[%mul3A_281] : memref<10000xi32, #tpu.memory_space<vmem>> -> memref<40xi32, #tpu.memory_space<vmem>>
      %dma_wait3A_283 = arith.constant 0 : i32
      %dma_wait3A_284 = arith.constant 0 : i32
      %dma_wait3A_285 = tpu.memref_slice %arg2[%dma_wait3A_283, %dma_wait3A_284] : memref<10000x128xf32, #tpu.memory_space<hbm>> -> memref<10000x128xf32, #tpu.memory_space<hbm>>
      tpu.wait_indirect_dma semaphore(%arg17 : memref<!tpu.dma_semaphore, #tpu.memory_space<semaphore_mem>>) src(%dma_wait3A_285 : memref<10000x128xf32, #tpu.memory_space<hbm>>) dst(%arg10 : memref<40x128xf32, #tpu.memory_space<vmem>>)
      %add3A_286 = arith.constant 3 : i32
      %add3A_287 = arith.addi %mul3A_229, %add3A_286 : i32
      %mul3A_288 = arith.constant 40 : i32
      %mul3A_289 = arith.muli %add3A_287, %mul3A_288 : i32
      %dma_start3A_290 = tpu.memref_slice %arg6[%mul3A_289] : memref<10000xi32, #tpu.memory_space<vmem>> -> memref<40xi32, #tpu.memory_space<vmem>>
      %dma_start3A_291 = arith.constant 0 : i32
      %dma_start3A_292 = arith.constant 0 : i32
      %dma_start3A_293 = tpu.memref_slice %arg13[%dma_start3A_291, %dma_start3A_292] : memref<10000x128xf32, #tpu.memory_space<vmem_shared>> -> memref<10000x128xf32, #tpu.memory_space<vmem_shared>>
      tpu.enqueue_indirect_dma source(%arg10 : memref<40x128xf32, #tpu.memory_space<vmem>>) target(%dma_start3A_293 : memref<10000x128xf32, #tpu.memory_space<vmem_shared>>) offsets(%dma_start3A_290 : memref<40xi32, #tpu.memory_space<vmem>>) semaphore(%arg17 : memref<!tpu.dma_semaphore, #tpu.memory_space<semaphore_mem>>) {add = true}
      %add3A_294 = arith.constant 4 : i32
      %add3A_295 = arith.addi %mul3A_229, %add3A_294 : i32
      %mul3A_296 = arith.constant 40 : i32
      %mul3A_297 = arith.muli %add3A_295, %mul3A_296 : i32
      %dma_wait3A_298 = tpu.memref_slice %arg5[%mul3A_297] : memref<10000xi32, #tpu.memory_space<vmem>> -> memref<40xi32, #tpu.memory_space<vmem>>
      %dma_wait3A_299 = arith.constant 0 : i32
      %dma_wait3A_300 = arith.constant 0 : i32
      %dma_wait3A_301 = tpu.memref_slice %arg2[%dma_wait3A_299, %dma_wait3A_300] : memref<10000x128xf32, #tpu.memory_space<hbm>> -> memref<10000x128xf32, #tpu.memory_space<hbm>>
      tpu.wait_indirect_dma semaphore(%arg18 : memref<!tpu.dma_semaphore, #tpu.memory_space<semaphore_mem>>) src(%dma_wait3A_301 : memref<10000x128xf32, #tpu.memory_space<hbm>>) dst(%arg11 : memref<40x128xf32, #tpu.memory_space<vmem>>)
      %add3A_302 = arith.constant 4 : i32
      %add3A_303 = arith.addi %mul3A_229, %add3A_302 : i32
      %mul3A_304 = arith.constant 40 : i32
      %mul3A_305 = arith.muli %add3A_303, %mul3A_304 : i32
      %dma_start3A_306 = tpu.memref_slice %arg6[%mul3A_305] : memref<10000xi32, #tpu.memory_space<vmem>> -> memref<40xi32, #tpu.memory_space<vmem>>
      %dma_start3A_307 = arith.constant 0 : i32
      %dma_start3A_308 = arith.constant 0 : i32
      %dma_start3A_309 = tpu.memref_slice %arg13[%dma_start3A_307, %dma_start3A_308] : memref<10000x128xf32, #tpu.memory_space<vmem_shared>> -> memref<10000x128xf32, #tpu.memory_space<vmem_shared>>
      tpu.enqueue_indirect_dma source(%arg11 : memref<40x128xf32, #tpu.memory_space<vmem>>) target(%dma_start3A_309 : memref<10000x128xf32, #tpu.memory_space<vmem_shared>>) offsets(%dma_start3A_306 : memref<40xi32, #tpu.memory_space<vmem>>) semaphore(%arg18 : memref<!tpu.dma_semaphore, #tpu.memory_space<semaphore_mem>>) {add = true}
      %add3A_310 = arith.constant 5 : i32
      %add3A_311 = arith.addi %mul3A_229, %add3A_310 : i32
      %mul3A_312 = arith.constant 40 : i32
      %mul3A_313 = arith.muli %add3A_311, %mul3A_312 : i32
      %dma_wait3A_314 = tpu.memref_slice %arg5[%mul3A_313] : memref<10000xi32, #tpu.memory_space<vmem>> -> memref<40xi32, #tpu.memory_space<vmem>>
      %dma_wait3A_315 = arith.constant 0 : i32
      %dma_wait3A_316 = arith.constant 0 : i32
      %dma_wait3A_317 = tpu.memref_slice %arg2[%dma_wait3A_315, %dma_wait3A_316] : memref<10000x128xf32, #tpu.memory_space<hbm>> -> memref<10000x128xf32, #tpu.memory_space<hbm>>
      tpu.wait_indirect_dma semaphore(%arg19 : memref<!tpu.dma_semaphore, #tpu.memory_space<semaphore_mem>>) src(%dma_wait3A_317 : memref<10000x128xf32, #tpu.memory_space<hbm>>) dst(%arg12 : memref<40x128xf32, #tpu.memory_space<vmem>>)
      %add3A_318 = arith.constant 5 : i32
      %add3A_319 = arith.addi %mul3A_229, %add3A_318 : i32
      %mul3A_320 = arith.constant 40 : i32
      %mul3A_321 = arith.muli %add3A_319, %mul3A_320 : i32
      %dma_start3A_322 = tpu.memref_slice %arg6[%mul3A_321] : memref<10000xi32, #tpu.memory_space<vmem>> -> memref<40xi32, #tpu.memory_space<vmem>>
      %dma_start3A_323 = arith.constant 0 : i32
      %dma_start3A_324 = arith.constant 0 : i32
      %dma_start3A_325 = tpu.memref_slice %arg13[%dma_start3A_323, %dma_start3A_324] : memref<10000x128xf32, #tpu.memory_space<vmem_shared>> -> memref<10000x128xf32, #tpu.memory_space<vmem_shared>>
      tpu.enqueue_indirect_dma source(%arg12 : memref<40x128xf32, #tpu.memory_space<vmem>>) target(%dma_start3A_325 : memref<10000x128xf32, #tpu.memory_space<vmem_shared>>) offsets(%dma_start3A_322 : memref<40xi32, #tpu.memory_space<vmem>>) semaphore(%arg19 : memref<!tpu.dma_semaphore, #tpu.memory_space<semaphore_mem>>) {add = true}
      %add3A_326 = arith.constant 0 : i32
      %add3A_327 = arith.addi %mul3A_229, %add3A_326 : i32
      %mul3A_328 = arith.constant 40 : i32
      %mul3A_329 = arith.muli %add3A_327, %mul3A_328 : i32
      %dma_wait3A_330 = tpu.memref_slice %arg6[%mul3A_329] : memref<10000xi32, #tpu.memory_space<vmem>> -> memref<40xi32, #tpu.memory_space<vmem>>
      %dma_wait3A_331 = arith.constant 0 : i32
      %dma_wait3A_332 = arith.constant 0 : i32
      %dma_wait3A_333 = tpu.memref_slice %arg13[%dma_wait3A_331, %dma_wait3A_332] : memref<10000x128xf32, #tpu.memory_space<vmem_shared>> -> memref<10000x128xf32, #tpu.memory_space<vmem_shared>>
      tpu.wait_indirect_dma semaphore(%arg14 : memref<!tpu.dma_semaphore, #tpu.memory_space<semaphore_mem>>) src(%arg7 : memref<40x128xf32, #tpu.memory_space<vmem>>) dst(%dma_wait3A_333 : memref<10000x128xf32, #tpu.memory_space<vmem_shared>>)
      %add3A_334 = arith.constant 6 : i32
      %add3A_335 = arith.addi %mul3A_229, %add3A_334 : i32
      %add3A_336 = arith.constant 0 : i32
      %add3A_337 = arith.addi %add3A_335, %add3A_336 : i32
      %mul3A_338 = arith.constant 40 : i32
      %mul3A_339 = arith.muli %add3A_337, %mul3A_338 : i32
      %dma_start3A_340 = tpu.memref_slice %arg5[%mul3A_339] : memref<10000xi32, #tpu.memory_space<vmem>> -> memref<40xi32, #tpu.memory_space<vmem>>
      %dma_start3A_341 = arith.constant 0 : i32
      %dma_start3A_342 = arith.constant 0 : i32
      %dma_start3A_343 = tpu.memref_slice %arg2[%dma_start3A_341, %dma_start3A_342] : memref<10000x128xf32, #tpu.memory_space<hbm>> -> memref<10000x128xf32, #tpu.memory_space<hbm>>
      tpu.enqueue_indirect_dma source(%dma_start3A_343 : memref<10000x128xf32, #tpu.memory_space<hbm>>) target(%arg7 : memref<40x128xf32, #tpu.memory_space<vmem>>) offsets(%dma_start3A_340 : memref<40xi32, #tpu.memory_space<vmem>>) semaphore(%arg14 : memref<!tpu.dma_semaphore, #tpu.memory_space<semaphore_mem>>)
      %add3A_344 = arith.constant 1 : i32
      %add3A_345 = arith.addi %mul3A_229, %add3A_344 : i32
      %mul3A_346 = arith.constant 40 : i32
      %mul3A_347 = arith.muli %add3A_345, %mul3A_346 : i32
      %dma_wait3A_348 = tpu.memref_slice %arg6[%mul3A_347] : memref<10000xi32, #tpu.memory_space<vmem>> -> memref<40xi32, #tpu.memory_space<vmem>>
      %dma_wait3A_349 = arith.constant 0 : i32
      %dma_wait3A_350 = arith.constant 0 : i32
      %dma_wait3A_351 = tpu.memref_slice %arg13[%dma_wait3A_349, %dma_wait3A_350] : memref<10000x128xf32, #tpu.memory_space<vmem_shared>> -> memref<10000x128xf32, #tpu.memory_space<vmem_shared>>
      tpu.wait_indirect_dma semaphore(%arg15 : memref<!tpu.dma_semaphore, #tpu.memory_space<semaphore_mem>>) src(%arg8 : memref<40x128xf32, #tpu.memory_space<vmem>>) dst(%dma_wait3A_351 : memref<10000x128xf32, #tpu.memory_space<vmem_shared>>)
      %add3A_352 = arith.constant 6 : i32
      %add3A_353 = arith.addi %mul3A_229, %add3A_352 : i32
      %add3A_354 = arith.constant 1 : i32
      %add3A_355 = arith.addi %add3A_353, %add3A_354 : i32
      %mul3A_356 = arith.constant 40 : i32
      %mul3A_357 = arith.muli %add3A_355, %mul3A_356 : i32
      %dma_start3A_358 = tpu.memref_slice %arg5[%mul3A_357] : memref<10000xi32, #tpu.memory_space<vmem>> -> memref<40xi32, #tpu.memory_space<vmem>>
      %dma_start3A_359 = arith.constant 0 : i32
      %dma_start3A_360 = arith.constant 0 : i32
      %dma_start3A_361 = tpu.memref_slice %arg2[%dma_start3A_359, %dma_start3A_360] : memref<10000x128xf32, #tpu.memory_space<hbm>> -> memref<10000x128xf32, #tpu.memory_space<hbm>>
      tpu.enqueue_indirect_dma source(%dma_start3A_361 : memref<10000x128xf32, #tpu.memory_space<hbm>>) target(%arg8 : memref<40x128xf32, #tpu.memory_space<vmem>>) offsets(%dma_start3A_358 : memref<40xi32, #tpu.memory_space<vmem>>) semaphore(%arg15 : memref<!tpu.dma_semaphore, #tpu.memory_space<semaphore_mem>>)
      %add3A_362 = arith.constant 2 : i32
      %add3A_363 = arith.addi %mul3A_229, %add3A_362 : i32
      %mul3A_364 = arith.constant 40 : i32
      %mul3A_365 = arith.muli %add3A_363, %mul3A_364 : i32
      %dma_wait3A_366 = tpu.memref_slice %arg6[%mul3A_365] : memref<10000xi32, #tpu.memory_space<vmem>> -> memref<40xi32, #tpu.memory_space<vmem>>
      %dma_wait3A_367 = arith.constant 0 : i32
      %dma_wait3A_368 = arith.constant 0 : i32
      %dma_wait3A_369 = tpu.memref_slice %arg13[%dma_wait3A_367, %dma_wait3A_368] : memref<10000x128xf32, #tpu.memory_space<vmem_shared>> -> memref<10000x128xf32, #tpu.memory_space<vmem_shared>>
      tpu.wait_indirect_dma semaphore(%arg16 : memref<!tpu.dma_semaphore, #tpu.memory_space<semaphore_mem>>) src(%arg9 : memref<40x128xf32, #tpu.memory_space<vmem>>) dst(%dma_wait3A_369 : memref<10000x128xf32, #tpu.memory_space<vmem_shared>>)
      %add3A_370 = arith.constant 6 : i32
      %add3A_371 = arith.addi %mul3A_229, %add3A_370 : i32
      %add3A_372 = arith.constant 2 : i32
      %add3A_373 = arith.addi %add3A_371, %add3A_372 : i32
      %mul3A_374 = arith.constant 40 : i32
      %mul3A_375 = arith.muli %add3A_373, %mul3A_374 : i32
      %dma_start3A_376 = tpu.memref_slice %arg5[%mul3A_375] : memref<10000xi32, #tpu.memory_space<vmem>> -> memref<40xi32, #tpu.memory_space<vmem>>
      %dma_start3A_377 = arith.constant 0 : i32
      %dma_start3A_378 = arith.constant 0 : i32
      %dma_start3A_379 = tpu.memref_slice %arg2[%dma_start3A_377, %dma_start3A_378] : memref<10000x128xf32, #tpu.memory_space<hbm>> -> memref<10000x128xf32, #tpu.memory_space<hbm>>
      tpu.enqueue_indirect_dma source(%dma_start3A_379 : memref<10000x128xf32, #tpu.memory_space<hbm>>) target(%arg9 : memref<40x128xf32, #tpu.memory_space<vmem>>) offsets(%dma_start3A_376 : memref<40xi32, #tpu.memory_space<vmem>>) semaphore(%arg16 : memref<!tpu.dma_semaphore, #tpu.memory_space<semaphore_mem>>)
      %add3A_380 = arith.constant 3 : i32
      %add3A_381 = arith.addi %mul3A_229, %add3A_380 : i32
      %mul3A_382 = arith.constant 40 : i32
      %mul3A_383 = arith.muli %add3A_381, %mul3A_382 : i32
      %dma_wait3A_384 = tpu.memref_slice %arg6[%mul3A_383] : memref<10000xi32, #tpu.memory_space<vmem>> -> memref<40xi32, #tpu.memory_space<vmem>>
      %dma_wait3A_385 = arith.constant 0 : i32
      %dma_wait3A_386 = arith.constant 0 : i32
      %dma_wait3A_387 = tpu.memref_slice %arg13[%dma_wait3A_385, %dma_wait3A_386] : memref<10000x128xf32, #tpu.memory_space<vmem_shared>> -> memref<10000x128xf32, #tpu.memory_space<vmem_shared>>
      tpu.wait_indirect_dma semaphore(%arg17 : memref<!tpu.dma_semaphore, #tpu.memory_space<semaphore_mem>>) src(%arg10 : memref<40x128xf32, #tpu.memory_space<vmem>>) dst(%dma_wait3A_387 : memref<10000x128xf32, #tpu.memory_space<vmem_shared>>)
      %add3A_388 = arith.constant 6 : i32
      %add3A_389 = arith.addi %mul3A_229, %add3A_388 : i32
      %add3A_390 = arith.constant 3 : i32
      %add3A_391 = arith.addi %add3A_389, %add3A_390 : i32
      %mul3A_392 = arith.constant 40 : i32
      %mul3A_393 = arith.muli %add3A_391, %mul3A_392 : i32
      %dma_start3A_394 = tpu.memref_slice %arg5[%mul3A_393] : memref<10000xi32, #tpu.memory_space<vmem>> -> memref<40xi32, #tpu.memory_space<vmem>>
      %dma_start3A_395 = arith.constant 0 : i32
      %dma_start3A_396 = arith.constant 0 : i32
      %dma_start3A_397 = tpu.memref_slice %arg2[%dma_start3A_395, %dma_start3A_396] : memref<10000x128xf32, #tpu.memory_space<hbm>> -> memref<10000x128xf32, #tpu.memory_space<hbm>>
      tpu.enqueue_indirect_dma source(%dma_start3A_397 : memref<10000x128xf32, #tpu.memory_space<hbm>>) target(%arg10 : memref<40x128xf32, #tpu.memory_space<vmem>>) offsets(%dma_start3A_394 : memref<40xi32, #tpu.memory_space<vmem>>) semaphore(%arg17 : memref<!tpu.dma_semaphore, #tpu.memory_space<semaphore_mem>>)
      %add3A_398 = arith.constant 4 : i32
      %add3A_399 = arith.addi %mul3A_229, %add3A_398 : i32
      %mul3A_400 = arith.constant 40 : i32
      %mul3A_401 = arith.muli %add3A_399, %mul3A_400 : i32
      %dma_wait3A_402 = tpu.memref_slice %arg6[%mul3A_401] : memref<10000xi32, #tpu.memory_space<vmem>> -> memref<40xi32, #tpu.memory_space<vmem>>
      %dma_wait3A_403 = arith.constant 0 : i32
      %dma_wait3A_404 = arith.constant 0 : i32
      %dma_wait3A_405 = tpu.memref_slice %arg13[%dma_wait3A_403, %dma_wait3A_404] : memref<10000x128xf32, #tpu.memory_space<vmem_shared>> -> memref<10000x128xf32, #tpu.memory_space<vmem_shared>>
      tpu.wait_indirect_dma semaphore(%arg18 : memref<!tpu.dma_semaphore, #tpu.memory_space<semaphore_mem>>) src(%arg11 : memref<40x128xf32, #tpu.memory_space<vmem>>) dst(%dma_wait3A_405 : memref<10000x128xf32, #tpu.memory_space<vmem_shared>>)
      %add3A_406 = arith.constant 6 : i32
      %add3A_407 = arith.addi %mul3A_229, %add3A_406 : i32
      %add3A_408 = arith.constant 4 : i32
      %add3A_409 = arith.addi %add3A_407, %add3A_408 : i32
      %mul3A_410 = arith.constant 40 : i32
      %mul3A_411 = arith.muli %add3A_409, %mul3A_410 : i32
      %dma_start3A_412 = tpu.memref_slice %arg5[%mul3A_411] : memref<10000xi32, #tpu.memory_space<vmem>> -> memref<40xi32, #tpu.memory_space<vmem>>
      %dma_start3A_413 = arith.constant 0 : i32
      %dma_start3A_414 = arith.constant 0 : i32
      %dma_start3A_415 = tpu.memref_slice %arg2[%dma_start3A_413, %dma_start3A_414] : memref<10000x128xf32, #tpu.memory_space<hbm>> -> memref<10000x128xf32, #tpu.memory_space<hbm>>
      tpu.enqueue_indirect_dma source(%dma_start3A_415 : memref<10000x128xf32, #tpu.memory_space<hbm>>) target(%arg11 : memref<40x128xf32, #tpu.memory_space<vmem>>) offsets(%dma_start3A_412 : memref<40xi32, #tpu.memory_space<vmem>>) semaphore(%arg18 : memref<!tpu.dma_semaphore, #tpu.memory_space<semaphore_mem>>)
      %add3A_416 = arith.constant 5 : i32
      %add3A_417 = arith.addi %mul3A_229, %add3A_416 : i32
      %mul3A_418 = arith.constant 40 : i32
      %mul3A_419 = arith.muli %add3A_417, %mul3A_418 : i32
      %dma_wait3A_420 = tpu.memref_slice %arg6[%mul3A_419] : memref<10000xi32, #tpu.memory_space<vmem>> -> memref<40xi32, #tpu.memory_space<vmem>>
      %dma_wait3A_421 = arith.constant 0 : i32
      %dma_wait3A_422 = arith.constant 0 : i32
      %dma_wait3A_423 = tpu.memref_slice %arg13[%dma_wait3A_421, %dma_wait3A_422] : memref<10000x128xf32, #tpu.memory_space<vmem_shared>> -> memref<10000x128xf32, #tpu.memory_space<vmem_shared>>
      tpu.wait_indirect_dma semaphore(%arg19 : memref<!tpu.dma_semaphore, #tpu.memory_space<semaphore_mem>>) src(%arg12 : memref<40x128xf32, #tpu.memory_space<vmem>>) dst(%dma_wait3A_423 : memref<10000x128xf32, #tpu.memory_space<vmem_shared>>)
      %add3A_424 = arith.constant 6 : i32
      %add3A_425 = arith.addi %mul3A_229, %add3A_424 : i32
      %add3A_426 = arith.constant 5 : i32
      %add3A_427 = arith.addi %add3A_425, %add3A_426 : i32
      %mul3A_428 = arith.constant 40 : i32
      %mul3A_429 = arith.muli %add3A_427, %mul3A_428 : i32
      %dma_start3A_430 = tpu.memref_slice %arg5[%mul3A_429] : memref<10000xi32, #tpu.memory_space<vmem>> -> memref<40xi32, #tpu.memory_space<vmem>>
      %dma_start3A_431 = arith.constant 0 : i32
      %dma_start3A_432 = arith.constant 0 : i32
      %dma_start3A_433 = tpu.memref_slice %arg2[%dma_start3A_431, %dma_start3A_432] : memref<10000x128xf32, #tpu.memory_space<hbm>> -> memref<10000x128xf32, #tpu.memory_space<hbm>>
      tpu.enqueue_indirect_dma source(%dma_start3A_433 : memref<10000x128xf32, #tpu.memory_space<hbm>>) target(%arg12 : memref<40x128xf32, #tpu.memory_space<vmem>>) offsets(%dma_start3A_430 : memref<40xi32, #tpu.memory_space<vmem>>) semaphore(%arg19 : memref<!tpu.dma_semaphore, #tpu.memory_space<semaphore_mem>>)
    }
    %scan3A_51 = arith.constant 40 : i32
    %dma_wait3A_52 = arith.constant 9600 : i32
    %dma_wait3A_53 = tpu.memref_slice %arg5[%dma_wait3A_52] : memref<10000xi32, #tpu.memory_space<vmem>> -> memref<40xi32, #tpu.memory_space<vmem>>
    %dma_wait3A_54 = arith.constant 0 : i32
    %dma_wait3A_55 = arith.constant 0 : i32
    %dma_wait3A_56 = tpu.memref_slice %arg2[%dma_wait3A_54, %dma_wait3A_55] : memref<10000x128xf32, #tpu.memory_space<hbm>> -> memref<10000x128xf32, #tpu.memory_space<hbm>>
    tpu.wait_indirect_dma semaphore(%arg14 : memref<!tpu.dma_semaphore, #tpu.memory_space<semaphore_mem>>) src(%dma_wait3A_56 : memref<10000x128xf32, #tpu.memory_space<hbm>>) dst(%arg7 : memref<40x128xf32, #tpu.memory_space<vmem>>)
    %dma_start3A_57 = arith.constant 9600 : i32
    %dma_start3A_58 = tpu.memref_slice %arg6[%dma_start3A_57] : memref<10000xi32, #tpu.memory_space<vmem>> -> memref<40xi32, #tpu.memory_space<vmem>>
    %dma_start3A_59 = arith.constant 0 : i32
    %dma_start3A_60 = arith.constant 0 : i32
    %dma_start3A_61 = tpu.memref_slice %arg13[%dma_start3A_59, %dma_start3A_60] : memref<10000x128xf32, #tpu.memory_space<vmem_shared>> -> memref<10000x128xf32, #tpu.memory_space<vmem_shared>>
    tpu.enqueue_indirect_dma source(%arg7 : memref<40x128xf32, #tpu.memory_space<vmem>>) target(%dma_start3A_61 : memref<10000x128xf32, #tpu.memory_space<vmem_shared>>) offsets(%dma_start3A_58 : memref<40xi32, #tpu.memory_space<vmem>>) semaphore(%arg14 : memref<!tpu.dma_semaphore, #tpu.memory_space<semaphore_mem>>) {add = true}
    %dma_wait3A_62 = arith.constant 9640 : i32
    %dma_wait3A_63 = tpu.memref_slice %arg5[%dma_wait3A_62] : memref<10000xi32, #tpu.memory_space<vmem>> -> memref<40xi32, #tpu.memory_space<vmem>>
    %dma_wait3A_64 = arith.constant 0 : i32
    %dma_wait3A_65 = arith.constant 0 : i32
    %dma_wait3A_66 = tpu.memref_slice %arg2[%dma_wait3A_64, %dma_wait3A_65] : memref<10000x128xf32, #tpu.memory_space<hbm>> -> memref<10000x128xf32, #tpu.memory_space<hbm>>
    tpu.wait_indirect_dma semaphore(%arg15 : memref<!tpu.dma_semaphore, #tpu.memory_space<semaphore_mem>>) src(%dma_wait3A_66 : memref<10000x128xf32, #tpu.memory_space<hbm>>) dst(%arg8 : memref<40x128xf32, #tpu.memory_space<vmem>>)
    %dma_start3A_67 = arith.constant 9640 : i32
    %dma_start3A_68 = tpu.memref_slice %arg6[%dma_start3A_67] : memref<10000xi32, #tpu.memory_space<vmem>> -> memref<40xi32, #tpu.memory_space<vmem>>
    %dma_start3A_69 = arith.constant 0 : i32
    %dma_start3A_70 = arith.constant 0 : i32
    %dma_start3A_71 = tpu.memref_slice %arg13[%dma_start3A_69, %dma_start3A_70] : memref<10000x128xf32, #tpu.memory_space<vmem_shared>> -> memref<10000x128xf32, #tpu.memory_space<vmem_shared>>
    tpu.enqueue_indirect_dma source(%arg8 : memref<40x128xf32, #tpu.memory_space<vmem>>) target(%dma_start3A_71 : memref<10000x128xf32, #tpu.memory_space<vmem_shared>>) offsets(%dma_start3A_68 : memref<40xi32, #tpu.memory_space<vmem>>) semaphore(%arg15 : memref<!tpu.dma_semaphore, #tpu.memory_space<semaphore_mem>>) {add = true}
    %dma_wait3A_72 = arith.constant 9680 : i32
    %dma_wait3A_73 = tpu.memref_slice %arg5[%dma_wait3A_72] : memref<10000xi32, #tpu.memory_space<vmem>> -> memref<40xi32, #tpu.memory_space<vmem>>
    %dma_wait3A_74 = arith.constant 0 : i32
    %dma_wait3A_75 = arith.constant 0 : i32
    %dma_wait3A_76 = tpu.memref_slice %arg2[%dma_wait3A_74, %dma_wait3A_75] : memref<10000x128xf32, #tpu.memory_space<hbm>> -> memref<10000x128xf32, #tpu.memory_space<hbm>>
    tpu.wait_indirect_dma semaphore(%arg16 : memref<!tpu.dma_semaphore, #tpu.memory_space<semaphore_mem>>) src(%dma_wait3A_76 : memref<10000x128xf32, #tpu.memory_space<hbm>>) dst(%arg9 : memref<40x128xf32, #tpu.memory_space<vmem>>)
    %dma_start3A_77 = arith.constant 9680 : i32
    %dma_start3A_78 = tpu.memref_slice %arg6[%dma_start3A_77] : memref<10000xi32, #tpu.memory_space<vmem>> -> memref<40xi32, #tpu.memory_space<vmem>>
    %dma_start3A_79 = arith.constant 0 : i32
    %dma_start3A_80 = arith.constant 0 : i32
    %dma_start3A_81 = tpu.memref_slice %arg13[%dma_start3A_79, %dma_start3A_80] : memref<10000x128xf32, #tpu.memory_space<vmem_shared>> -> memref<10000x128xf32, #tpu.memory_space<vmem_shared>>
    tpu.enqueue_indirect_dma source(%arg9 : memref<40x128xf32, #tpu.memory_space<vmem>>) target(%dma_start3A_81 : memref<10000x128xf32, #tpu.memory_space<vmem_shared>>) offsets(%dma_start3A_78 : memref<40xi32, #tpu.memory_space<vmem>>) semaphore(%arg16 : memref<!tpu.dma_semaphore, #tpu.memory_space<semaphore_mem>>) {add = true}
    %dma_wait3A_82 = arith.constant 9720 : i32
    %dma_wait3A_83 = tpu.memref_slice %arg5[%dma_wait3A_82] : memref<10000xi32, #tpu.memory_space<vmem>> -> memref<40xi32, #tpu.memory_space<vmem>>
    %dma_wait3A_84 = arith.constant 0 : i32
    %dma_wait3A_85 = arith.constant 0 : i32
    %dma_wait3A_86 = tpu.memref_slice %arg2[%dma_wait3A_84, %dma_wait3A_85] : memref<10000x128xf32, #tpu.memory_space<hbm>> -> memref<10000x128xf32, #tpu.memory_space<hbm>>
    tpu.wait_indirect_dma semaphore(%arg17 : memref<!tpu.dma_semaphore, #tpu.memory_space<semaphore_mem>>) src(%dma_wait3A_86 : memref<10000x128xf32, #tpu.memory_space<hbm>>) dst(%arg10 : memref<40x128xf32, #tpu.memory_space<vmem>>)
    %dma_start3A_87 = arith.constant 9720 : i32
    %dma_start3A_88 = tpu.memref_slice %arg6[%dma_start3A_87] : memref<10000xi32, #tpu.memory_space<vmem>> -> memref<40xi32, #tpu.memory_space<vmem>>
    %dma_start3A_89 = arith.constant 0 : i32
    %dma_start3A_90 = arith.constant 0 : i32
    %dma_start3A_91 = tpu.memref_slice %arg13[%dma_start3A_89, %dma_start3A_90] : memref<10000x128xf32, #tpu.memory_space<vmem_shared>> -> memref<10000x128xf32, #tpu.memory_space<vmem_shared>>
    tpu.enqueue_indirect_dma source(%arg10 : memref<40x128xf32, #tpu.memory_space<vmem>>) target(%dma_start3A_91 : memref<10000x128xf32, #tpu.memory_space<vmem_shared>>) offsets(%dma_start3A_88 : memref<40xi32, #tpu.memory_space<vmem>>) semaphore(%arg17 : memref<!tpu.dma_semaphore, #tpu.memory_space<semaphore_mem>>) {add = true}
    %dma_wait3A_92 = arith.constant 9760 : i32
    %dma_wait3A_93 = tpu.memref_slice %arg5[%dma_wait3A_92] : memref<10000xi32, #tpu.memory_space<vmem>> -> memref<40xi32, #tpu.memory_space<vmem>>
    %dma_wait3A_94 = arith.constant 0 : i32
    %dma_wait3A_95 = arith.constant 0 : i32
    %dma_wait3A_96 = tpu.memref_slice %arg2[%dma_wait3A_94, %dma_wait3A_95] : memref<10000x128xf32, #tpu.memory_space<hbm>> -> memref<10000x128xf32, #tpu.memory_space<hbm>>
    tpu.wait_indirect_dma semaphore(%arg18 : memref<!tpu.dma_semaphore, #tpu.memory_space<semaphore_mem>>) src(%dma_wait3A_96 : memref<10000x128xf32, #tpu.memory_space<hbm>>) dst(%arg11 : memref<40x128xf32, #tpu.memory_space<vmem>>)
    %dma_start3A_97 = arith.constant 9760 : i32
    %dma_start3A_98 = tpu.memref_slice %arg6[%dma_start3A_97] : memref<10000xi32, #tpu.memory_space<vmem>> -> memref<40xi32, #tpu.memory_space<vmem>>
    %dma_start3A_99 = arith.constant 0 : i32
    %dma_start3A_100 = arith.constant 0 : i32
    %dma_start3A_101 = tpu.memref_slice %arg13[%dma_start3A_99, %dma_start3A_100] : memref<10000x128xf32, #tpu.memory_space<vmem_shared>> -> memref<10000x128xf32, #tpu.memory_space<vmem_shared>>
    tpu.enqueue_indirect_dma source(%arg11 : memref<40x128xf32, #tpu.memory_space<vmem>>) target(%dma_start3A_101 : memref<10000x128xf32, #tpu.memory_space<vmem_shared>>) offsets(%dma_start3A_98 : memref<40xi32, #tpu.memory_space<vmem>>) semaphore(%arg18 : memref<!tpu.dma_semaphore, #tpu.memory_space<semaphore_mem>>) {add = true}
    %dma_wait3A_102 = arith.constant 9800 : i32
    %dma_wait3A_103 = tpu.memref_slice %arg5[%dma_wait3A_102] : memref<10000xi32, #tpu.memory_space<vmem>> -> memref<40xi32, #tpu.memory_space<vmem>>
    %dma_wait3A_104 = arith.constant 0 : i32
    %dma_wait3A_105 = arith.constant 0 : i32
    %dma_wait3A_106 = tpu.memref_slice %arg2[%dma_wait3A_104, %dma_wait3A_105] : memref<10000x128xf32, #tpu.memory_space<hbm>> -> memref<10000x128xf32, #tpu.memory_space<hbm>>
    tpu.wait_indirect_dma semaphore(%arg19 : memref<!tpu.dma_semaphore, #tpu.memory_space<semaphore_mem>>) src(%dma_wait3A_106 : memref<10000x128xf32, #tpu.memory_space<hbm>>) dst(%arg12 : memref<40x128xf32, #tpu.memory_space<vmem>>)
    %dma_start3A_107 = arith.constant 9800 : i32
    %dma_start3A_108 = tpu.memref_slice %arg6[%dma_start3A_107] : memref<10000xi32, #tpu.memory_space<vmem>> -> memref<40xi32, #tpu.memory_space<vmem>>
    %dma_start3A_109 = arith.constant 0 : i32
    %dma_start3A_110 = arith.constant 0 : i32
    %dma_start3A_111 = tpu.memref_slice %arg13[%dma_start3A_109, %dma_start3A_110] : memref<10000x128xf32, #tpu.memory_space<vmem_shared>> -> memref<10000x128xf32, #tpu.memory_space<vmem_shared>>
    tpu.enqueue_indirect_dma source(%arg12 : memref<40x128xf32, #tpu.memory_space<vmem>>) target(%dma_start3A_111 : memref<10000x128xf32, #tpu.memory_space<vmem_shared>>) offsets(%dma_start3A_108 : memref<40xi32, #tpu.memory_space<vmem>>) semaphore(%arg19 : memref<!tpu.dma_semaphore, #tpu.memory_space<semaphore_mem>>) {add = true}
    %dma_wait3A_112 = arith.constant 9600 : i32
    %dma_wait3A_113 = tpu.memref_slice %arg6[%dma_wait3A_112] : memref<10000xi32, #tpu.memory_space<vmem>> -> memref<40xi32, #tpu.memory_space<vmem>>
    %dma_wait3A_114 = arith.constant 0 : i32
    %dma_wait3A_115 = arith.constant 0 : i32
    %dma_wait3A_116 = tpu.memref_slice %arg13[%dma_wait3A_114, %dma_wait3A_115] : memref<10000x128xf32, #tpu.memory_space<vmem_shared>> -> memref<10000x128xf32, #tpu.memory_space<vmem_shared>>
    tpu.wait_indirect_dma semaphore(%arg14 : memref<!tpu.dma_semaphore, #tpu.memory_space<semaphore_mem>>) src(%arg7 : memref<40x128xf32, #tpu.memory_space<vmem>>) dst(%dma_wait3A_116 : memref<10000x128xf32, #tpu.memory_space<vmem_shared>>)
    %dma_start3A_117 = arith.constant 9840 : i32
    %dma_start3A_118 = tpu.memref_slice %arg5[%dma_start3A_117] : memref<10000xi32, #tpu.memory_space<vmem>> -> memref<40xi32, #tpu.memory_space<vmem>>
    %dma_start3A_119 = arith.constant 0 : i32
    %dma_start3A_120 = arith.constant 0 : i32
    %dma_start3A_121 = tpu.memref_slice %arg2[%dma_start3A_119, %dma_start3A_120] : memref<10000x128xf32, #tpu.memory_space<hbm>> -> memref<10000x128xf32, #tpu.memory_space<hbm>>
    tpu.enqueue_indirect_dma source(%dma_start3A_121 : memref<10000x128xf32, #tpu.memory_space<hbm>>) target(%arg7 : memref<40x128xf32, #tpu.memory_space<vmem>>) offsets(%dma_start3A_118 : memref<40xi32, #tpu.memory_space<vmem>>) semaphore(%arg14 : memref<!tpu.dma_semaphore, #tpu.memory_space<semaphore_mem>>)
    %dma_wait3A_122 = arith.constant 9640 : i32
    %dma_wait3A_123 = tpu.memref_slice %arg6[%dma_wait3A_122] : memref<10000xi32, #tpu.memory_space<vmem>> -> memref<40xi32, #tpu.memory_space<vmem>>
    %dma_wait3A_124 = arith.constant 0 : i32
    %dma_wait3A_125 = arith.constant 0 : i32
    %dma_wait3A_126 = tpu.memref_slice %arg13[%dma_wait3A_124, %dma_wait3A_125] : memref<10000x128xf32, #tpu.memory_space<vmem_shared>> -> memref<10000x128xf32, #tpu.memory_space<vmem_shared>>
    tpu.wait_indirect_dma semaphore(%arg15 : memref<!tpu.dma_semaphore, #tpu.memory_space<semaphore_mem>>) src(%arg8 : memref<40x128xf32, #tpu.memory_space<vmem>>) dst(%dma_wait3A_126 : memref<10000x128xf32, #tpu.memory_space<vmem_shared>>)
    %dma_start3A_127 = arith.constant 9880 : i32
    %dma_start3A_128 = tpu.memref_slice %arg5[%dma_start3A_127] : memref<10000xi32, #tpu.memory_space<vmem>> -> memref<40xi32, #tpu.memory_space<vmem>>
    %dma_start3A_129 = arith.constant 0 : i32
    %dma_start3A_130 = arith.constant 0 : i32
    %dma_start3A_131 = tpu.memref_slice %arg2[%dma_start3A_129, %dma_start3A_130] : memref<10000x128xf32, #tpu.memory_space<hbm>> -> memref<10000x128xf32, #tpu.memory_space<hbm>>
    tpu.enqueue_indirect_dma source(%dma_start3A_131 : memref<10000x128xf32, #tpu.memory_space<hbm>>) target(%arg8 : memref<40x128xf32, #tpu.memory_space<vmem>>) offsets(%dma_start3A_128 : memref<40xi32, #tpu.memory_space<vmem>>) semaphore(%arg15 : memref<!tpu.dma_semaphore, #tpu.memory_space<semaphore_mem>>)
    %dma_wait3A_132 = arith.constant 9680 : i32
    %dma_wait3A_133 = tpu.memref_slice %arg6[%dma_wait3A_132] : memref<10000xi32, #tpu.memory_space<vmem>> -> memref<40xi32, #tpu.memory_space<vmem>>
    %dma_wait3A_134 = arith.constant 0 : i32
    %dma_wait3A_135 = arith.constant 0 : i32
    %dma_wait3A_136 = tpu.memref_slice %arg13[%dma_wait3A_134, %dma_wait3A_135] : memref<10000x128xf32, #tpu.memory_space<vmem_shared>> -> memref<10000x128xf32, #tpu.memory_space<vmem_shared>>
    tpu.wait_indirect_dma semaphore(%arg16 : memref<!tpu.dma_semaphore, #tpu.memory_space<semaphore_mem>>) src(%arg9 : memref<40x128xf32, #tpu.memory_space<vmem>>) dst(%dma_wait3A_136 : memref<10000x128xf32, #tpu.memory_space<vmem_shared>>)
    %dma_start3A_137 = arith.constant 9920 : i32
    %dma_start3A_138 = tpu.memref_slice %arg5[%dma_start3A_137] : memref<10000xi32, #tpu.memory_space<vmem>> -> memref<40xi32, #tpu.memory_space<vmem>>
    %dma_start3A_139 = arith.constant 0 : i32
    %dma_start3A_140 = arith.constant 0 : i32
    %dma_start3A_141 = tpu.memref_slice %arg2[%dma_start3A_139, %dma_start3A_140] : memref<10000x128xf32, #tpu.memory_space<hbm>> -> memref<10000x128xf32, #tpu.memory_space<hbm>>
    tpu.enqueue_indirect_dma source(%dma_start3A_141 : memref<10000x128xf32, #tpu.memory_space<hbm>>) target(%arg9 : memref<40x128xf32, #tpu.memory_space<vmem>>) offsets(%dma_start3A_138 : memref<40xi32, #tpu.memory_space<vmem>>) semaphore(%arg16 : memref<!tpu.dma_semaphore, #tpu.memory_space<semaphore_mem>>)
    %dma_wait3A_142 = arith.constant 9720 : i32
    %dma_wait3A_143 = tpu.memref_slice %arg6[%dma_wait3A_142] : memref<10000xi32, #tpu.memory_space<vmem>> -> memref<40xi32, #tpu.memory_space<vmem>>
    %dma_wait3A_144 = arith.constant 0 : i32
    %dma_wait3A_145 = arith.constant 0 : i32
    %dma_wait3A_146 = tpu.memref_slice %arg13[%dma_wait3A_144, %dma_wait3A_145] : memref<10000x128xf32, #tpu.memory_space<vmem_shared>> -> memref<10000x128xf32, #tpu.memory_space<vmem_shared>>
    tpu.wait_indirect_dma semaphore(%arg17 : memref<!tpu.dma_semaphore, #tpu.memory_space<semaphore_mem>>) src(%arg10 : memref<40x128xf32, #tpu.memory_space<vmem>>) dst(%dma_wait3A_146 : memref<10000x128xf32, #tpu.memory_space<vmem_shared>>)
    %dma_start3A_147 = arith.constant 9960 : i32
    %dma_start3A_148 = tpu.memref_slice %arg5[%dma_start3A_147] : memref<10000xi32, #tpu.memory_space<vmem>> -> memref<40xi32, #tpu.memory_space<vmem>>
    %dma_start3A_149 = arith.constant 0 : i32
    %dma_start3A_150 = arith.constant 0 : i32
    %dma_start3A_151 = tpu.memref_slice %arg2[%dma_start3A_149, %dma_start3A_150] : memref<10000x128xf32, #tpu.memory_space<hbm>> -> memref<10000x128xf32, #tpu.memory_space<hbm>>
    tpu.enqueue_indirect_dma source(%dma_start3A_151 : memref<10000x128xf32, #tpu.memory_space<hbm>>) target(%arg10 : memref<40x128xf32, #tpu.memory_space<vmem>>) offsets(%dma_start3A_148 : memref<40xi32, #tpu.memory_space<vmem>>) semaphore(%arg17 : memref<!tpu.dma_semaphore, #tpu.memory_space<semaphore_mem>>)
    %dma_wait3A_152 = arith.constant 9840 : i32
    %dma_wait3A_153 = tpu.memref_slice %arg5[%dma_wait3A_152] : memref<10000xi32, #tpu.memory_space<vmem>> -> memref<40xi32, #tpu.memory_space<vmem>>
    %dma_wait3A_154 = arith.constant 0 : i32
    %dma_wait3A_155 = arith.constant 0 : i32
    %dma_wait3A_156 = tpu.memref_slice %arg2[%dma_wait3A_154, %dma_wait3A_155] : memref<10000x128xf32, #tpu.memory_space<hbm>> -> memref<10000x128xf32, #tpu.memory_space<hbm>>
    tpu.wait_indirect_dma semaphore(%arg14 : memref<!tpu.dma_semaphore, #tpu.memory_space<semaphore_mem>>) src(%dma_wait3A_156 : memref<10000x128xf32, #tpu.memory_space<hbm>>) dst(%arg7 : memref<40x128xf32, #tpu.memory_space<vmem>>)
    %dma_start3A_157 = arith.constant 9840 : i32
    %dma_start3A_158 = tpu.memref_slice %arg6[%dma_start3A_157] : memref<10000xi32, #tpu.memory_space<vmem>> -> memref<40xi32, #tpu.memory_space<vmem>>
    %dma_start3A_159 = arith.constant 0 : i32
    %dma_start3A_160 = arith.constant 0 : i32
    %dma_start3A_161 = tpu.memref_slice %arg13[%dma_start3A_159, %dma_start3A_160] : memref<10000x128xf32, #tpu.memory_space<vmem_shared>> -> memref<10000x128xf32, #tpu.memory_space<vmem_shared>>
    tpu.enqueue_indirect_dma source(%arg7 : memref<40x128xf32, #tpu.memory_space<vmem>>) target(%dma_start3A_161 : memref<10000x128xf32, #tpu.memory_space<vmem_shared>>) offsets(%dma_start3A_158 : memref<40xi32, #tpu.memory_space<vmem>>) semaphore(%arg14 : memref<!tpu.dma_semaphore, #tpu.memory_space<semaphore_mem>>) {add = true}
    %dma_wait3A_162 = arith.constant 9880 : i32
    %dma_wait3A_163 = tpu.memref_slice %arg5[%dma_wait3A_162] : memref<10000xi32, #tpu.memory_space<vmem>> -> memref<40xi32, #tpu.memory_space<vmem>>
    %dma_wait3A_164 = arith.constant 0 : i32
    %dma_wait3A_165 = arith.constant 0 : i32
    %dma_wait3A_166 = tpu.memref_slice %arg2[%dma_wait3A_164, %dma_wait3A_165] : memref<10000x128xf32, #tpu.memory_space<hbm>> -> memref<10000x128xf32, #tpu.memory_space<hbm>>
    tpu.wait_indirect_dma semaphore(%arg15 : memref<!tpu.dma_semaphore, #tpu.memory_space<semaphore_mem>>) src(%dma_wait3A_166 : memref<10000x128xf32, #tpu.memory_space<hbm>>) dst(%arg8 : memref<40x128xf32, #tpu.memory_space<vmem>>)
    %dma_start3A_167 = arith.constant 9880 : i32
    %dma_start3A_168 = tpu.memref_slice %arg6[%dma_start3A_167] : memref<10000xi32, #tpu.memory_space<vmem>> -> memref<40xi32, #tpu.memory_space<vmem>>
    %dma_start3A_169 = arith.constant 0 : i32
    %dma_start3A_170 = arith.constant 0 : i32
    %dma_start3A_171 = tpu.memref_slice %arg13[%dma_start3A_169, %dma_start3A_170] : memref<10000x128xf32, #tpu.memory_space<vmem_shared>> -> memref<10000x128xf32, #tpu.memory_space<vmem_shared>>
    tpu.enqueue_indirect_dma source(%arg8 : memref<40x128xf32, #tpu.memory_space<vmem>>) target(%dma_start3A_171 : memref<10000x128xf32, #tpu.memory_space<vmem_shared>>) offsets(%dma_start3A_168 : memref<40xi32, #tpu.memory_space<vmem>>) semaphore(%arg15 : memref<!tpu.dma_semaphore, #tpu.memory_space<semaphore_mem>>) {add = true}
    %dma_wait3A_172 = arith.constant 9920 : i32
    %dma_wait3A_173 = tpu.memref_slice %arg5[%dma_wait3A_172] : memref<10000xi32, #tpu.memory_space<vmem>> -> memref<40xi32, #tpu.memory_space<vmem>>
    %dma_wait3A_174 = arith.constant 0 : i32
    %dma_wait3A_175 = arith.constant 0 : i32
    %dma_wait3A_176 = tpu.memref_slice %arg2[%dma_wait3A_174, %dma_wait3A_175] : memref<10000x128xf32, #tpu.memory_space<hbm>> -> memref<10000x128xf32, #tpu.memory_space<hbm>>
    tpu.wait_indirect_dma semaphore(%arg16 : memref<!tpu.dma_semaphore, #tpu.memory_space<semaphore_mem>>) src(%dma_wait3A_176 : memref<10000x128xf32, #tpu.memory_space<hbm>>) dst(%arg9 : memref<40x128xf32, #tpu.memory_space<vmem>>)
    %dma_start3A_177 = arith.constant 9920 : i32
    %dma_start3A_178 = tpu.memref_slice %arg6[%dma_start3A_177] : memref<10000xi32, #tpu.memory_space<vmem>> -> memref<40xi32, #tpu.memory_space<vmem>>
    %dma_start3A_179 = arith.constant 0 : i32
    %dma_start3A_180 = arith.constant 0 : i32
    %dma_start3A_181 = tpu.memref_slice %arg13[%dma_start3A_179, %dma_start3A_180] : memref<10000x128xf32, #tpu.memory_space<vmem_shared>> -> memref<10000x128xf32, #tpu.memory_space<vmem_shared>>
    tpu.enqueue_indirect_dma source(%arg9 : memref<40x128xf32, #tpu.memory_space<vmem>>) target(%dma_start3A_181 : memref<10000x128xf32, #tpu.memory_space<vmem_shared>>) offsets(%dma_start3A_178 : memref<40xi32, #tpu.memory_space<vmem>>) semaphore(%arg16 : memref<!tpu.dma_semaphore, #tpu.memory_space<semaphore_mem>>) {add = true}
    %dma_wait3A_182 = arith.constant 9960 : i32
    %dma_wait3A_183 = tpu.memref_slice %arg5[%dma_wait3A_182] : memref<10000xi32, #tpu.memory_space<vmem>> -> memref<40xi32, #tpu.memory_space<vmem>>
    %dma_wait3A_184 = arith.constant 0 : i32
    %dma_wait3A_185 = arith.constant 0 : i32
    %dma_wait3A_186 = tpu.memref_slice %arg2[%dma_wait3A_184, %dma_wait3A_185] : memref<10000x128xf32, #tpu.memory_space<hbm>> -> memref<10000x128xf32, #tpu.memory_space<hbm>>
    tpu.wait_indirect_dma semaphore(%arg17 : memref<!tpu.dma_semaphore, #tpu.memory_space<semaphore_mem>>) src(%dma_wait3A_186 : memref<10000x128xf32, #tpu.memory_space<hbm>>) dst(%arg10 : memref<40x128xf32, #tpu.memory_space<vmem>>)
    %dma_start3A_187 = arith.constant 9960 : i32
    %dma_start3A_188 = tpu.memref_slice %arg6[%dma_start3A_187] : memref<10000xi32, #tpu.memory_space<vmem>> -> memref<40xi32, #tpu.memory_space<vmem>>
    %dma_start3A_189 = arith.constant 0 : i32
    %dma_start3A_190 = arith.constant 0 : i32
    %dma_start3A_191 = tpu.memref_slice %arg13[%dma_start3A_189, %dma_start3A_190] : memref<10000x128xf32, #tpu.memory_space<vmem_shared>> -> memref<10000x128xf32, #tpu.memory_space<vmem_shared>>
    tpu.enqueue_indirect_dma source(%arg10 : memref<40x128xf32, #tpu.memory_space<vmem>>) target(%dma_start3A_191 : memref<10000x128xf32, #tpu.memory_space<vmem_shared>>) offsets(%dma_start3A_188 : memref<40xi32, #tpu.memory_space<vmem>>) semaphore(%arg17 : memref<!tpu.dma_semaphore, #tpu.memory_space<semaphore_mem>>) {add = true}
    %dma_wait3A_192 = arith.constant 9840 : i32
    %dma_wait3A_193 = tpu.memref_slice %arg6[%dma_wait3A_192] : memref<10000xi32, #tpu.memory_space<vmem>> -> memref<40xi32, #tpu.memory_space<vmem>>
    %dma_wait3A_194 = arith.constant 0 : i32
    %dma_wait3A_195 = arith.constant 0 : i32
    %dma_wait3A_196 = tpu.memref_slice %arg13[%dma_wait3A_194, %dma_wait3A_195] : memref<10000x128xf32, #tpu.memory_space<vmem_shared>> -> memref<10000x128xf32, #tpu.memory_space<vmem_shared>>
    tpu.wait_indirect_dma semaphore(%arg14 : memref<!tpu.dma_semaphore, #tpu.memory_space<semaphore_mem>>) src(%arg7 : memref<40x128xf32, #tpu.memory_space<vmem>>) dst(%dma_wait3A_196 : memref<10000x128xf32, #tpu.memory_space<vmem_shared>>)
    %dma_wait3A_197 = arith.constant 9880 : i32
    %dma_wait3A_198 = tpu.memref_slice %arg6[%dma_wait3A_197] : memref<10000xi32, #tpu.memory_space<vmem>> -> memref<40xi32, #tpu.memory_space<vmem>>
    %dma_wait3A_199 = arith.constant 0 : i32
    %dma_wait3A_200 = arith.constant 0 : i32
    %dma_wait3A_201 = tpu.memref_slice %arg13[%dma_wait3A_199, %dma_wait3A_200] : memref<10000x128xf32, #tpu.memory_space<vmem_shared>> -> memref<10000x128xf32, #tpu.memory_space<vmem_shared>>
    tpu.wait_indirect_dma semaphore(%arg15 : memref<!tpu.dma_semaphore, #tpu.memory_space<semaphore_mem>>) src(%arg8 : memref<40x128xf32, #tpu.memory_space<vmem>>) dst(%dma_wait3A_201 : memref<10000x128xf32, #tpu.memory_space<vmem_shared>>)
    %dma_wait3A_202 = arith.constant 9920 : i32
    %dma_wait3A_203 = tpu.memref_slice %arg6[%dma_wait3A_202] : memref<10000xi32, #tpu.memory_space<vmem>> -> memref<40xi32, #tpu.memory_space<vmem>>
    %dma_wait3A_204 = arith.constant 0 : i32
    %dma_wait3A_205 = arith.constant 0 : i32
    %dma_wait3A_206 = tpu.memref_slice %arg13[%dma_wait3A_204, %dma_wait3A_205] : memref<10000x128xf32, #tpu.memory_space<vmem_shared>> -> memref<10000x128xf32, #tpu.memory_space<vmem_shared>>
    tpu.wait_indirect_dma semaphore(%arg16 : memref<!tpu.dma_semaphore, #tpu.memory_space<semaphore_mem>>) src(%arg9 : memref<40x128xf32, #tpu.memory_space<vmem>>) dst(%dma_wait3A_206 : memref<10000x128xf32, #tpu.memory_space<vmem_shared>>)
    %dma_wait3A_207 = arith.constant 9960 : i32
    %dma_wait3A_208 = tpu.memref_slice %arg6[%dma_wait3A_207] : memref<10000xi32, #tpu.memory_space<vmem>> -> memref<40xi32, #tpu.memory_space<vmem>>
    %dma_wait3A_209 = arith.constant 0 : i32
    %dma_wait3A_210 = arith.constant 0 : i32
    %dma_wait3A_211 = tpu.memref_slice %arg13[%dma_wait3A_209, %dma_wait3A_210] : memref<10000x128xf32, #tpu.memory_space<vmem_shared>> -> memref<10000x128xf32, #tpu.memory_space<vmem_shared>>
    tpu.wait_indirect_dma semaphore(%arg17 : memref<!tpu.dma_semaphore, #tpu.memory_space<semaphore_mem>>) src(%arg10 : memref<40x128xf32, #tpu.memory_space<vmem>>) dst(%dma_wait3A_211 : memref<10000x128xf32, #tpu.memory_space<vmem_shared>>)
    %dma_wait3A_212 = arith.constant 9760 : i32
    %dma_wait3A_213 = tpu.memref_slice %arg6[%dma_wait3A_212] : memref<10000xi32, #tpu.memory_space<vmem>> -> memref<40xi32, #tpu.memory_space<vmem>>
    %dma_wait3A_214 = arith.constant 0 : i32
    %dma_wait3A_215 = arith.constant 0 : i32
    %dma_wait3A_216 = tpu.memref_slice %arg13[%dma_wait3A_214, %dma_wait3A_215] : memref<10000x128xf32, #tpu.memory_space<vmem_shared>> -> memref<10000x128xf32, #tpu.memory_space<vmem_shared>>
    tpu.wait_indirect_dma semaphore(%arg18 : memref<!tpu.dma_semaphore, #tpu.memory_space<semaphore_mem>>) src(%arg11 : memref<40x128xf32, #tpu.memory_space<vmem>>) dst(%dma_wait3A_216 : memref<10000x128xf32, #tpu.memory_space<vmem_shared>>)
    %dma_wait3A_217 = arith.constant 9800 : i32
    %dma_wait3A_218 = tpu.memref_slice %arg6[%dma_wait3A_217] : memref<10000xi32, #tpu.memory_space<vmem>> -> memref<40xi32, #tpu.memory_space<vmem>>
    %dma_wait3A_219 = arith.constant 0 : i32
    %dma_wait3A_220 = arith.constant 0 : i32
    %dma_wait3A_221 = tpu.memref_slice %arg13[%dma_wait3A_219, %dma_wait3A_220] : memref<10000x128xf32, #tpu.memory_space<vmem_shared>> -> memref<10000x128xf32, #tpu.memory_space<vmem_shared>>
    tpu.wait_indirect_dma semaphore(%arg19 : memref<!tpu.dma_semaphore, #tpu.memory_space<semaphore_mem>>) src(%arg12 : memref<40x128xf32, #tpu.memory_space<vmem>>) dst(%dma_wait3A_221 : memref<10000x128xf32, #tpu.memory_space<vmem_shared>>)
    %barrier3A_222 = arith.constant 0 : index
    tpu.barrier barrier_id(%barrier3A_222)
    %mul3A_223 = arith.constant 625 : i32
    %mul3A_224 = arith.muli %arg1, %mul3A_223 : i32
    %mul3A_225 = arith.constant 625 : i32
    %mul3A_226 = arith.muli %arg1, %mul3A_225 : i32
    "tpu.region"() ({
      %run_scoped3A = tpu.sem_alloc : memref<!tpu.dma_semaphore, #tpu.memory_space<semaphore_mem>>
      %dma_start3A_227 = arith.constant 0 : i32
      %dma_start3A_228 = tpu.memref_slice %arg4[%arg0, %mul3A_226, %dma_start3A_227] : memref<2x10000x128xf32, #tpu.memory_space<hbm>> -> memref<1x625x128xf32, #tpu.memory_space<hbm>>
      %dma_start3A_229 = tpu.memref_squeeze %dma_start3A_228 : memref<1x625x128xf32, #tpu.memory_space<hbm>> -> memref<625x128xf32, #tpu.memory_space<hbm>>
      %dma_start3A_230 = arith.constant 0 : i32
      %dma_start3A_231 = tpu.memref_slice %arg13[%mul3A_224, %dma_start3A_230] : memref<10000x128xf32, #tpu.memory_space<vmem_shared>> -> memref<625x128xf32, #tpu.memory_space<vmem_shared>>
      tpu.enqueue_dma source(%dma_start3A_231 : memref<625x128xf32, #tpu.memory_space<vmem_shared>>) target(%dma_start3A_229 : memref<625x128xf32, #tpu.memory_space<hbm>>) target_semaphore(%run_scoped3A : memref<!tpu.dma_semaphore, #tpu.memory_space<semaphore_mem>>)
      %dma_wait3A_232 = arith.constant 0 : i32
      %dma_wait3A_233 = tpu.memref_slice %arg4[%arg0, %mul3A_226, %dma_wait3A_232] : memref<2x10000x128xf32, #tpu.memory_space<hbm>> -> memref<1x625x128xf32, #tpu.memory_space<hbm>>
      %dma_wait3A_234 = tpu.memref_squeeze %dma_wait3A_233 : memref<1x625x128xf32, #tpu.memory_space<hbm>> -> memref<625x128xf32, #tpu.memory_space<hbm>>
      %dma_wait3A_235 = arith.constant 0 : i32
      %dma_wait3A_236 = tpu.memref_slice %arg13[%mul3A_224, %dma_wait3A_235] : memref<10000x128xf32, #tpu.memory_space<vmem_shared>> -> memref<625x128xf32, #tpu.memory_space<vmem_shared>>
      tpu.wait_dma2 semaphore(%run_scoped3A : memref<!tpu.dma_semaphore, #tpu.memory_space<semaphore_mem>>) src(%dma_wait3A_236 : memref<625x128xf32, #tpu.memory_space<vmem_shared>>) dst(%dma_wait3A_234 : memref<625x128xf32, #tpu.memory_space<hbm>>)
      tpu.yield
    }) : () -> ()
    return
  }
}

#map = affine_map<(d0, d1) -> (0, 0)>
#map1 = affine_map<(d0, d1) -> (0)>
#map2 = affine_map<(d0, d1) -> (0, 0, 0)>
module attributes {stable_mosaic.version = 14 : i64} {
  func.func @k(%arg0: i32, %arg1: i32, %arg2: memref<10000x32xf32, #tpu.memory_space<hbm>>, %arg3: memref<640000xi32, #tpu.memory_space<hbm>>, %arg4: memref<2x10000x32xf32, #tpu.memory_space<hbm>>, %arg5: memref<10000xi32, #tpu.memory_space<vmem>>, %arg6: memref<10000xi32, #tpu.memory_space<vmem>>, %arg7: memref<80x32xf32, #tpu.memory_space<vmem>>, %arg8: memref<80x32xf32, #tpu.memory_space<vmem>>, %arg9: memref<80x32xf32, #tpu.memory_space<vmem>>, %arg10: memref<80x32xf32, #tpu.memory_space<vmem>>, %arg11: memref<80x32xf32, #tpu.memory_space<vmem>>, %arg12: memref<80x32xf32, #tpu.memory_space<vmem>>, %arg13: memref<80x32xf32, #tpu.memory_space<vmem>>, %arg14: memref<80x32xf32, #tpu.memory_space<vmem>>, %arg15: memref<10000x32xf32, #tpu.memory_space<vmem_shared>>, %arg16: memref<!tpu.dma_semaphore, #tpu.memory_space<semaphore_mem>>, %arg17: memref<!tpu.dma_semaphore, #tpu.memory_space<semaphore_mem>>, %arg18: memref<!tpu.dma_semaphore, #tpu.memory_space<semaphore_mem>>, %arg19: memref<!tpu.dma_semaphore, #tpu.memory_space<semaphore_mem>>, %arg20: memref<!tpu.dma_semaphore, #tpu.memory_space<semaphore_mem>>, %arg21: memref<!tpu.dma_semaphore, #tpu.memory_space<semaphore_mem>>, %arg22: memref<!tpu.dma_semaphore, #tpu.memory_space<semaphore_mem>>, %arg23: memref<!tpu.dma_semaphore, #tpu.memory_space<semaphore_mem>>, %arg24: memref<!tpu.dma_semaphore, #tpu.memory_space<semaphore_mem>>) attributes {dimension_semantics = [#tpu.dimension_semantics<core_parallel>, #tpu.dimension_semantics<subcore_parallel>], iteration_bounds = array<i64: 2, 16>, scalar_prefetch = 0 : i64, scratch_operands = 20 : i64, tpu.core_type = #tpu.core_type<sc_vector_subcore>, window_params = [{transform_indices = #map}, {transform_indices = #map1}, {transform_indices = #map2}]} {
    %mul3A = arith.constant 2 : i32
    %mul3A_0 = arith.muli %arg1, %mul3A : i32
    %add3A = arith.addi %mul3A_0, %arg0 : i32
    %mul3A_1 = arith.constant 10000 : i32
    %mul3A_2 = arith.muli %add3A, %mul3A_1 : i32
    %dma_start3A = tpu.memref_slice %arg3[%mul3A_2] : memref<640000xi32, #tpu.memory_space<hbm>> -> memref<10000xi32, #tpu.memory_space<hbm>>
    %dma_start3A_3 = tpu.memref_slice %arg3[%mul3A_2] : memref<640000xi32, #tpu.memory_space<hbm>> -> memref<10000xi32, #tpu.memory_space<hbm>>
    tpu.enqueue_dma source(%dma_start3A_3 : memref<10000xi32, #tpu.memory_space<hbm>>) target(%arg5 : memref<10000xi32, #tpu.memory_space<vmem>>) target_semaphore(%arg24 : memref<!tpu.dma_semaphore, #tpu.memory_space<semaphore_mem>>)
    %add3A_4 = arith.constant 320000 : i32
    %add3A_5 = arith.addi %add3A_4, %mul3A_2 : i32
    %dma_start3A_6 = tpu.memref_slice %arg3[%add3A_5] : memref<640000xi32, #tpu.memory_space<hbm>> -> memref<10000xi32, #tpu.memory_space<hbm>>
    %dma_start3A_7 = tpu.memref_slice %arg3[%add3A_5] : memref<640000xi32, #tpu.memory_space<hbm>> -> memref<10000xi32, #tpu.memory_space<hbm>>
    tpu.enqueue_dma source(%dma_start3A_7 : memref<10000xi32, #tpu.memory_space<hbm>>) target(%arg6 : memref<10000xi32, #tpu.memory_space<vmem>>) target_semaphore(%arg24 : memref<!tpu.dma_semaphore, #tpu.memory_space<semaphore_mem>>)
    %mul3A_8 = arith.constant 625 : i32
    %mul3A_9 = arith.muli %arg1, %mul3A_8 : i32
    %mul3A_10 = arith.constant 625 : i32
    %mul3A_11 = arith.muli %arg1, %mul3A_10 : i32
    "tpu.region"() ({
      %run_scoped3A = tpu.sem_alloc : memref<!tpu.dma_semaphore, #tpu.memory_space<semaphore_mem>>
      %dma_start3A_287 = arith.constant 0 : i32
      %dma_start3A_288 = tpu.memref_slice %arg15[%mul3A_11, %dma_start3A_287] : memref<10000x32xf32, #tpu.memory_space<vmem_shared>> -> memref<625x32xf32, #tpu.memory_space<vmem_shared>>
      %dma_start3A_289 = arith.constant 0 : i32
      %dma_start3A_290 = tpu.memref_slice %arg2[%mul3A_9, %dma_start3A_289] : memref<10000x32xf32, #tpu.memory_space<hbm>> -> memref<625x32xf32, #tpu.memory_space<hbm>>
      tpu.enqueue_dma source(%dma_start3A_290 : memref<625x32xf32, #tpu.memory_space<hbm>>) target(%dma_start3A_288 : memref<625x32xf32, #tpu.memory_space<vmem_shared>>) target_semaphore(%run_scoped3A : memref<!tpu.dma_semaphore, #tpu.memory_space<semaphore_mem>>)
      %dma_wait3A_291 = arith.constant 0 : i32
      %dma_wait3A_292 = tpu.memref_slice %arg15[%mul3A_11, %dma_wait3A_291] : memref<10000x32xf32, #tpu.memory_space<vmem_shared>> -> memref<625x32xf32, #tpu.memory_space<vmem_shared>>
      %dma_wait3A_293 = arith.constant 0 : i32
      %dma_wait3A_294 = tpu.memref_slice %arg2[%mul3A_9, %dma_wait3A_293] : memref<10000x32xf32, #tpu.memory_space<hbm>> -> memref<625x32xf32, #tpu.memory_space<hbm>>
      tpu.wait_dma2 semaphore(%run_scoped3A : memref<!tpu.dma_semaphore, #tpu.memory_space<semaphore_mem>>) src(%dma_wait3A_294 : memref<625x32xf32, #tpu.memory_space<hbm>>) dst(%dma_wait3A_292 : memref<625x32xf32, #tpu.memory_space<vmem_shared>>)
      tpu.yield
    }) : () -> ()
    %dma_wait3A = tpu.memref_slice %arg3[%mul3A_2] : memref<640000xi32, #tpu.memory_space<hbm>> -> memref<10000xi32, #tpu.memory_space<hbm>>
    %dma_wait3A_12 = tpu.memref_slice %arg3[%mul3A_2] : memref<640000xi32, #tpu.memory_space<hbm>> -> memref<10000xi32, #tpu.memory_space<hbm>>
    tpu.wait_dma2 semaphore(%arg24 : memref<!tpu.dma_semaphore, #tpu.memory_space<semaphore_mem>>) src(%dma_wait3A_12 : memref<10000xi32, #tpu.memory_space<hbm>>) dst(%arg5 : memref<10000xi32, #tpu.memory_space<vmem>>)
    %add3A_13 = arith.constant 320000 : i32
    %add3A_14 = arith.addi %add3A_13, %mul3A_2 : i32
    %dma_wait3A_15 = tpu.memref_slice %arg3[%add3A_14] : memref<640000xi32, #tpu.memory_space<hbm>> -> memref<10000xi32, #tpu.memory_space<hbm>>
    %dma_wait3A_16 = tpu.memref_slice %arg3[%add3A_14] : memref<640000xi32, #tpu.memory_space<hbm>> -> memref<10000xi32, #tpu.memory_space<hbm>>
    tpu.wait_dma2 semaphore(%arg24 : memref<!tpu.dma_semaphore, #tpu.memory_space<semaphore_mem>>) src(%dma_wait3A_16 : memref<10000xi32, #tpu.memory_space<hbm>>) dst(%arg6 : memref<10000xi32, #tpu.memory_space<vmem>>)
    %barrier3A = arith.constant 0 : index
    tpu.barrier barrier_id(%barrier3A)
    %dma_start3A_17 = arith.constant 0 : i32
    %dma_start3A_18 = tpu.memref_slice %arg5[%dma_start3A_17] : memref<10000xi32, #tpu.memory_space<vmem>> -> memref<80xi32, #tpu.memory_space<vmem>>
    %dma_start3A_19 = arith.constant 0 : i32
    %dma_start3A_20 = arith.constant 0 : i32
    %dma_start3A_21 = tpu.memref_slice %arg2[%dma_start3A_19, %dma_start3A_20] : memref<10000x32xf32, #tpu.memory_space<hbm>> -> memref<10000x32xf32, #tpu.memory_space<hbm>>
    tpu.enqueue_indirect_dma source(%dma_start3A_21 : memref<10000x32xf32, #tpu.memory_space<hbm>>) target(%arg7 : memref<80x32xf32, #tpu.memory_space<vmem>>) offsets(%dma_start3A_18 : memref<80xi32, #tpu.memory_space<vmem>>) semaphore(%arg16 : memref<!tpu.dma_semaphore, #tpu.memory_space<semaphore_mem>>)
    %dma_start3A_22 = arith.constant 80 : i32
    %dma_start3A_23 = tpu.memref_slice %arg5[%dma_start3A_22] : memref<10000xi32, #tpu.memory_space<vmem>> -> memref<80xi32, #tpu.memory_space<vmem>>
    %dma_start3A_24 = arith.constant 0 : i32
    %dma_start3A_25 = arith.constant 0 : i32
    %dma_start3A_26 = tpu.memref_slice %arg2[%dma_start3A_24, %dma_start3A_25] : memref<10000x32xf32, #tpu.memory_space<hbm>> -> memref<10000x32xf32, #tpu.memory_space<hbm>>
    tpu.enqueue_indirect_dma source(%dma_start3A_26 : memref<10000x32xf32, #tpu.memory_space<hbm>>) target(%arg8 : memref<80x32xf32, #tpu.memory_space<vmem>>) offsets(%dma_start3A_23 : memref<80xi32, #tpu.memory_space<vmem>>) semaphore(%arg17 : memref<!tpu.dma_semaphore, #tpu.memory_space<semaphore_mem>>)
    %dma_start3A_27 = arith.constant 160 : i32
    %dma_start3A_28 = tpu.memref_slice %arg5[%dma_start3A_27] : memref<10000xi32, #tpu.memory_space<vmem>> -> memref<80xi32, #tpu.memory_space<vmem>>
    %dma_start3A_29 = arith.constant 0 : i32
    %dma_start3A_30 = arith.constant 0 : i32
    %dma_start3A_31 = tpu.memref_slice %arg2[%dma_start3A_29, %dma_start3A_30] : memref<10000x32xf32, #tpu.memory_space<hbm>> -> memref<10000x32xf32, #tpu.memory_space<hbm>>
    tpu.enqueue_indirect_dma source(%dma_start3A_31 : memref<10000x32xf32, #tpu.memory_space<hbm>>) target(%arg9 : memref<80x32xf32, #tpu.memory_space<vmem>>) offsets(%dma_start3A_28 : memref<80xi32, #tpu.memory_space<vmem>>) semaphore(%arg18 : memref<!tpu.dma_semaphore, #tpu.memory_space<semaphore_mem>>)
    %dma_start3A_32 = arith.constant 240 : i32
    %dma_start3A_33 = tpu.memref_slice %arg5[%dma_start3A_32] : memref<10000xi32, #tpu.memory_space<vmem>> -> memref<80xi32, #tpu.memory_space<vmem>>
    %dma_start3A_34 = arith.constant 0 : i32
    %dma_start3A_35 = arith.constant 0 : i32
    %dma_start3A_36 = tpu.memref_slice %arg2[%dma_start3A_34, %dma_start3A_35] : memref<10000x32xf32, #tpu.memory_space<hbm>> -> memref<10000x32xf32, #tpu.memory_space<hbm>>
    tpu.enqueue_indirect_dma source(%dma_start3A_36 : memref<10000x32xf32, #tpu.memory_space<hbm>>) target(%arg10 : memref<80x32xf32, #tpu.memory_space<vmem>>) offsets(%dma_start3A_33 : memref<80xi32, #tpu.memory_space<vmem>>) semaphore(%arg19 : memref<!tpu.dma_semaphore, #tpu.memory_space<semaphore_mem>>)
    %dma_start3A_37 = arith.constant 320 : i32
    %dma_start3A_38 = tpu.memref_slice %arg5[%dma_start3A_37] : memref<10000xi32, #tpu.memory_space<vmem>> -> memref<80xi32, #tpu.memory_space<vmem>>
    %dma_start3A_39 = arith.constant 0 : i32
    %dma_start3A_40 = arith.constant 0 : i32
    %dma_start3A_41 = tpu.memref_slice %arg2[%dma_start3A_39, %dma_start3A_40] : memref<10000x32xf32, #tpu.memory_space<hbm>> -> memref<10000x32xf32, #tpu.memory_space<hbm>>
    tpu.enqueue_indirect_dma source(%dma_start3A_41 : memref<10000x32xf32, #tpu.memory_space<hbm>>) target(%arg11 : memref<80x32xf32, #tpu.memory_space<vmem>>) offsets(%dma_start3A_38 : memref<80xi32, #tpu.memory_space<vmem>>) semaphore(%arg20 : memref<!tpu.dma_semaphore, #tpu.memory_space<semaphore_mem>>)
    %dma_start3A_42 = arith.constant 400 : i32
    %dma_start3A_43 = tpu.memref_slice %arg5[%dma_start3A_42] : memref<10000xi32, #tpu.memory_space<vmem>> -> memref<80xi32, #tpu.memory_space<vmem>>
    %dma_start3A_44 = arith.constant 0 : i32
    %dma_start3A_45 = arith.constant 0 : i32
    %dma_start3A_46 = tpu.memref_slice %arg2[%dma_start3A_44, %dma_start3A_45] : memref<10000x32xf32, #tpu.memory_space<hbm>> -> memref<10000x32xf32, #tpu.memory_space<hbm>>
    tpu.enqueue_indirect_dma source(%dma_start3A_46 : memref<10000x32xf32, #tpu.memory_space<hbm>>) target(%arg12 : memref<80x32xf32, #tpu.memory_space<vmem>>) offsets(%dma_start3A_43 : memref<80xi32, #tpu.memory_space<vmem>>) semaphore(%arg21 : memref<!tpu.dma_semaphore, #tpu.memory_space<semaphore_mem>>)
    %dma_start3A_47 = arith.constant 480 : i32
    %dma_start3A_48 = tpu.memref_slice %arg5[%dma_start3A_47] : memref<10000xi32, #tpu.memory_space<vmem>> -> memref<80xi32, #tpu.memory_space<vmem>>
    %dma_start3A_49 = arith.constant 0 : i32
    %dma_start3A_50 = arith.constant 0 : i32
    %dma_start3A_51 = tpu.memref_slice %arg2[%dma_start3A_49, %dma_start3A_50] : memref<10000x32xf32, #tpu.memory_space<hbm>> -> memref<10000x32xf32, #tpu.memory_space<hbm>>
    tpu.enqueue_indirect_dma source(%dma_start3A_51 : memref<10000x32xf32, #tpu.memory_space<hbm>>) target(%arg13 : memref<80x32xf32, #tpu.memory_space<vmem>>) offsets(%dma_start3A_48 : memref<80xi32, #tpu.memory_space<vmem>>) semaphore(%arg22 : memref<!tpu.dma_semaphore, #tpu.memory_space<semaphore_mem>>)
    %dma_start3A_52 = arith.constant 560 : i32
    %dma_start3A_53 = tpu.memref_slice %arg5[%dma_start3A_52] : memref<10000xi32, #tpu.memory_space<vmem>> -> memref<80xi32, #tpu.memory_space<vmem>>
    %dma_start3A_54 = arith.constant 0 : i32
    %dma_start3A_55 = arith.constant 0 : i32
    %dma_start3A_56 = tpu.memref_slice %arg2[%dma_start3A_54, %dma_start3A_55] : memref<10000x32xf32, #tpu.memory_space<hbm>> -> memref<10000x32xf32, #tpu.memory_space<hbm>>
    tpu.enqueue_indirect_dma source(%dma_start3A_56 : memref<10000x32xf32, #tpu.memory_space<hbm>>) target(%arg14 : memref<80x32xf32, #tpu.memory_space<vmem>>) offsets(%dma_start3A_53 : memref<80xi32, #tpu.memory_space<vmem>>) semaphore(%arg23 : memref<!tpu.dma_semaphore, #tpu.memory_space<semaphore_mem>>)
    %scan3A = arith.constant 0 : i32
    %scan3A_57 = arith.constant 0 : i32
    %scan3A_58 = arith.constant 14 : i32
    %scan3A_59 = arith.addi %scan3A_57, %scan3A_58 : i32
    %scan3A_60 = arith.constant 1 : i32
    scf.for %scan3A_287 = %scan3A_57 to %scan3A_59 step %scan3A_60  : i32 {
      %mul3A_288 = arith.constant 8 : i32
      %mul3A_289 = arith.muli %scan3A_287, %mul3A_288 : i32
      %add3A_290 = arith.constant 0 : i32
      %add3A_291 = arith.addi %mul3A_289, %add3A_290 : i32
      %mul3A_292 = arith.constant 80 : i32
      %mul3A_293 = arith.muli %add3A_291, %mul3A_292 : i32
      %dma_wait3A_294 = tpu.memref_slice %arg5[%mul3A_293] : memref<10000xi32, #tpu.memory_space<vmem>> -> memref<80xi32, #tpu.memory_space<vmem>>
      %dma_wait3A_295 = arith.constant 0 : i32
      %dma_wait3A_296 = arith.constant 0 : i32
      %dma_wait3A_297 = tpu.memref_slice %arg2[%dma_wait3A_295, %dma_wait3A_296] : memref<10000x32xf32, #tpu.memory_space<hbm>> -> memref<10000x32xf32, #tpu.memory_space<hbm>>
      tpu.wait_indirect_dma semaphore(%arg16 : memref<!tpu.dma_semaphore, #tpu.memory_space<semaphore_mem>>) src(%dma_wait3A_297 : memref<10000x32xf32, #tpu.memory_space<hbm>>) dst(%arg7 : memref<80x32xf32, #tpu.memory_space<vmem>>)
      %add3A_298 = arith.constant 0 : i32
      %add3A_299 = arith.addi %mul3A_289, %add3A_298 : i32
      %mul3A_300 = arith.constant 80 : i32
      %mul3A_301 = arith.muli %add3A_299, %mul3A_300 : i32
      %dma_start3A_302 = tpu.memref_slice %arg6[%mul3A_301] : memref<10000xi32, #tpu.memory_space<vmem>> -> memref<80xi32, #tpu.memory_space<vmem>>
      %dma_start3A_303 = arith.constant 0 : i32
      %dma_start3A_304 = arith.constant 0 : i32
      %dma_start3A_305 = tpu.memref_slice %arg15[%dma_start3A_303, %dma_start3A_304] : memref<10000x32xf32, #tpu.memory_space<vmem_shared>> -> memref<10000x32xf32, #tpu.memory_space<vmem_shared>>
      tpu.enqueue_indirect_dma source(%arg7 : memref<80x32xf32, #tpu.memory_space<vmem>>) target(%dma_start3A_305 : memref<10000x32xf32, #tpu.memory_space<vmem_shared>>) offsets(%dma_start3A_302 : memref<80xi32, #tpu.memory_space<vmem>>) semaphore(%arg16 : memref<!tpu.dma_semaphore, #tpu.memory_space<semaphore_mem>>) {add = true}
      %add3A_306 = arith.constant 1 : i32
      %add3A_307 = arith.addi %mul3A_289, %add3A_306 : i32
      %mul3A_308 = arith.constant 80 : i32
      %mul3A_309 = arith.muli %add3A_307, %mul3A_308 : i32
      %dma_wait3A_310 = tpu.memref_slice %arg5[%mul3A_309] : memref<10000xi32, #tpu.memory_space<vmem>> -> memref<80xi32, #tpu.memory_space<vmem>>
      %dma_wait3A_311 = arith.constant 0 : i32
      %dma_wait3A_312 = arith.constant 0 : i32
      %dma_wait3A_313 = tpu.memref_slice %arg2[%dma_wait3A_311, %dma_wait3A_312] : memref<10000x32xf32, #tpu.memory_space<hbm>> -> memref<10000x32xf32, #tpu.memory_space<hbm>>
      tpu.wait_indirect_dma semaphore(%arg17 : memref<!tpu.dma_semaphore, #tpu.memory_space<semaphore_mem>>) src(%dma_wait3A_313 : memref<10000x32xf32, #tpu.memory_space<hbm>>) dst(%arg8 : memref<80x32xf32, #tpu.memory_space<vmem>>)
      %add3A_314 = arith.constant 1 : i32
      %add3A_315 = arith.addi %mul3A_289, %add3A_314 : i32
      %mul3A_316 = arith.constant 80 : i32
      %mul3A_317 = arith.muli %add3A_315, %mul3A_316 : i32
      %dma_start3A_318 = tpu.memref_slice %arg6[%mul3A_317] : memref<10000xi32, #tpu.memory_space<vmem>> -> memref<80xi32, #tpu.memory_space<vmem>>
      %dma_start3A_319 = arith.constant 0 : i32
      %dma_start3A_320 = arith.constant 0 : i32
      %dma_start3A_321 = tpu.memref_slice %arg15[%dma_start3A_319, %dma_start3A_320] : memref<10000x32xf32, #tpu.memory_space<vmem_shared>> -> memref<10000x32xf32, #tpu.memory_space<vmem_shared>>
      tpu.enqueue_indirect_dma source(%arg8 : memref<80x32xf32, #tpu.memory_space<vmem>>) target(%dma_start3A_321 : memref<10000x32xf32, #tpu.memory_space<vmem_shared>>) offsets(%dma_start3A_318 : memref<80xi32, #tpu.memory_space<vmem>>) semaphore(%arg17 : memref<!tpu.dma_semaphore, #tpu.memory_space<semaphore_mem>>) {add = true}
      %add3A_322 = arith.constant 2 : i32
      %add3A_323 = arith.addi %mul3A_289, %add3A_322 : i32
      %mul3A_324 = arith.constant 80 : i32
      %mul3A_325 = arith.muli %add3A_323, %mul3A_324 : i32
      %dma_wait3A_326 = tpu.memref_slice %arg5[%mul3A_325] : memref<10000xi32, #tpu.memory_space<vmem>> -> memref<80xi32, #tpu.memory_space<vmem>>
      %dma_wait3A_327 = arith.constant 0 : i32
      %dma_wait3A_328 = arith.constant 0 : i32
      %dma_wait3A_329 = tpu.memref_slice %arg2[%dma_wait3A_327, %dma_wait3A_328] : memref<10000x32xf32, #tpu.memory_space<hbm>> -> memref<10000x32xf32, #tpu.memory_space<hbm>>
      tpu.wait_indirect_dma semaphore(%arg18 : memref<!tpu.dma_semaphore, #tpu.memory_space<semaphore_mem>>) src(%dma_wait3A_329 : memref<10000x32xf32, #tpu.memory_space<hbm>>) dst(%arg9 : memref<80x32xf32, #tpu.memory_space<vmem>>)
      %add3A_330 = arith.constant 2 : i32
      %add3A_331 = arith.addi %mul3A_289, %add3A_330 : i32
      %mul3A_332 = arith.constant 80 : i32
      %mul3A_333 = arith.muli %add3A_331, %mul3A_332 : i32
      %dma_start3A_334 = tpu.memref_slice %arg6[%mul3A_333] : memref<10000xi32, #tpu.memory_space<vmem>> -> memref<80xi32, #tpu.memory_space<vmem>>
      %dma_start3A_335 = arith.constant 0 : i32
      %dma_start3A_336 = arith.constant 0 : i32
      %dma_start3A_337 = tpu.memref_slice %arg15[%dma_start3A_335, %dma_start3A_336] : memref<10000x32xf32, #tpu.memory_space<vmem_shared>> -> memref<10000x32xf32, #tpu.memory_space<vmem_shared>>
      tpu.enqueue_indirect_dma source(%arg9 : memref<80x32xf32, #tpu.memory_space<vmem>>) target(%dma_start3A_337 : memref<10000x32xf32, #tpu.memory_space<vmem_shared>>) offsets(%dma_start3A_334 : memref<80xi32, #tpu.memory_space<vmem>>) semaphore(%arg18 : memref<!tpu.dma_semaphore, #tpu.memory_space<semaphore_mem>>) {add = true}
      %add3A_338 = arith.constant 3 : i32
      %add3A_339 = arith.addi %mul3A_289, %add3A_338 : i32
      %mul3A_340 = arith.constant 80 : i32
      %mul3A_341 = arith.muli %add3A_339, %mul3A_340 : i32
      %dma_wait3A_342 = tpu.memref_slice %arg5[%mul3A_341] : memref<10000xi32, #tpu.memory_space<vmem>> -> memref<80xi32, #tpu.memory_space<vmem>>
      %dma_wait3A_343 = arith.constant 0 : i32
      %dma_wait3A_344 = arith.constant 0 : i32
      %dma_wait3A_345 = tpu.memref_slice %arg2[%dma_wait3A_343, %dma_wait3A_344] : memref<10000x32xf32, #tpu.memory_space<hbm>> -> memref<10000x32xf32, #tpu.memory_space<hbm>>
      tpu.wait_indirect_dma semaphore(%arg19 : memref<!tpu.dma_semaphore, #tpu.memory_space<semaphore_mem>>) src(%dma_wait3A_345 : memref<10000x32xf32, #tpu.memory_space<hbm>>) dst(%arg10 : memref<80x32xf32, #tpu.memory_space<vmem>>)
      %add3A_346 = arith.constant 3 : i32
      %add3A_347 = arith.addi %mul3A_289, %add3A_346 : i32
      %mul3A_348 = arith.constant 80 : i32
      %mul3A_349 = arith.muli %add3A_347, %mul3A_348 : i32
      %dma_start3A_350 = tpu.memref_slice %arg6[%mul3A_349] : memref<10000xi32, #tpu.memory_space<vmem>> -> memref<80xi32, #tpu.memory_space<vmem>>
      %dma_start3A_351 = arith.constant 0 : i32
      %dma_start3A_352 = arith.constant 0 : i32
      %dma_start3A_353 = tpu.memref_slice %arg15[%dma_start3A_351, %dma_start3A_352] : memref<10000x32xf32, #tpu.memory_space<vmem_shared>> -> memref<10000x32xf32, #tpu.memory_space<vmem_shared>>
      tpu.enqueue_indirect_dma source(%arg10 : memref<80x32xf32, #tpu.memory_space<vmem>>) target(%dma_start3A_353 : memref<10000x32xf32, #tpu.memory_space<vmem_shared>>) offsets(%dma_start3A_350 : memref<80xi32, #tpu.memory_space<vmem>>) semaphore(%arg19 : memref<!tpu.dma_semaphore, #tpu.memory_space<semaphore_mem>>) {add = true}
      %add3A_354 = arith.constant 4 : i32
      %add3A_355 = arith.addi %mul3A_289, %add3A_354 : i32
      %mul3A_356 = arith.constant 80 : i32
      %mul3A_357 = arith.muli %add3A_355, %mul3A_356 : i32
      %dma_wait3A_358 = tpu.memref_slice %arg5[%mul3A_357] : memref<10000xi32, #tpu.memory_space<vmem>> -> memref<80xi32, #tpu.memory_space<vmem>>
      %dma_wait3A_359 = arith.constant 0 : i32
      %dma_wait3A_360 = arith.constant 0 : i32
      %dma_wait3A_361 = tpu.memref_slice %arg2[%dma_wait3A_359, %dma_wait3A_360] : memref<10000x32xf32, #tpu.memory_space<hbm>> -> memref<10000x32xf32, #tpu.memory_space<hbm>>
      tpu.wait_indirect_dma semaphore(%arg20 : memref<!tpu.dma_semaphore, #tpu.memory_space<semaphore_mem>>) src(%dma_wait3A_361 : memref<10000x32xf32, #tpu.memory_space<hbm>>) dst(%arg11 : memref<80x32xf32, #tpu.memory_space<vmem>>)
      %add3A_362 = arith.constant 4 : i32
      %add3A_363 = arith.addi %mul3A_289, %add3A_362 : i32
      %mul3A_364 = arith.constant 80 : i32
      %mul3A_365 = arith.muli %add3A_363, %mul3A_364 : i32
      %dma_start3A_366 = tpu.memref_slice %arg6[%mul3A_365] : memref<10000xi32, #tpu.memory_space<vmem>> -> memref<80xi32, #tpu.memory_space<vmem>>
      %dma_start3A_367 = arith.constant 0 : i32
      %dma_start3A_368 = arith.constant 0 : i32
      %dma_start3A_369 = tpu.memref_slice %arg15[%dma_start3A_367, %dma_start3A_368] : memref<10000x32xf32, #tpu.memory_space<vmem_shared>> -> memref<10000x32xf32, #tpu.memory_space<vmem_shared>>
      tpu.enqueue_indirect_dma source(%arg11 : memref<80x32xf32, #tpu.memory_space<vmem>>) target(%dma_start3A_369 : memref<10000x32xf32, #tpu.memory_space<vmem_shared>>) offsets(%dma_start3A_366 : memref<80xi32, #tpu.memory_space<vmem>>) semaphore(%arg20 : memref<!tpu.dma_semaphore, #tpu.memory_space<semaphore_mem>>) {add = true}
      %add3A_370 = arith.constant 5 : i32
      %add3A_371 = arith.addi %mul3A_289, %add3A_370 : i32
      %mul3A_372 = arith.constant 80 : i32
      %mul3A_373 = arith.muli %add3A_371, %mul3A_372 : i32
      %dma_wait3A_374 = tpu.memref_slice %arg5[%mul3A_373] : memref<10000xi32, #tpu.memory_space<vmem>> -> memref<80xi32, #tpu.memory_space<vmem>>
      %dma_wait3A_375 = arith.constant 0 : i32
      %dma_wait3A_376 = arith.constant 0 : i32
      %dma_wait3A_377 = tpu.memref_slice %arg2[%dma_wait3A_375, %dma_wait3A_376] : memref<10000x32xf32, #tpu.memory_space<hbm>> -> memref<10000x32xf32, #tpu.memory_space<hbm>>
      tpu.wait_indirect_dma semaphore(%arg21 : memref<!tpu.dma_semaphore, #tpu.memory_space<semaphore_mem>>) src(%dma_wait3A_377 : memref<10000x32xf32, #tpu.memory_space<hbm>>) dst(%arg12 : memref<80x32xf32, #tpu.memory_space<vmem>>)
      %add3A_378 = arith.constant 5 : i32
      %add3A_379 = arith.addi %mul3A_289, %add3A_378 : i32
      %mul3A_380 = arith.constant 80 : i32
      %mul3A_381 = arith.muli %add3A_379, %mul3A_380 : i32
      %dma_start3A_382 = tpu.memref_slice %arg6[%mul3A_381] : memref<10000xi32, #tpu.memory_space<vmem>> -> memref<80xi32, #tpu.memory_space<vmem>>
      %dma_start3A_383 = arith.constant 0 : i32
      %dma_start3A_384 = arith.constant 0 : i32
      %dma_start3A_385 = tpu.memref_slice %arg15[%dma_start3A_383, %dma_start3A_384] : memref<10000x32xf32, #tpu.memory_space<vmem_shared>> -> memref<10000x32xf32, #tpu.memory_space<vmem_shared>>
      tpu.enqueue_indirect_dma source(%arg12 : memref<80x32xf32, #tpu.memory_space<vmem>>) target(%dma_start3A_385 : memref<10000x32xf32, #tpu.memory_space<vmem_shared>>) offsets(%dma_start3A_382 : memref<80xi32, #tpu.memory_space<vmem>>) semaphore(%arg21 : memref<!tpu.dma_semaphore, #tpu.memory_space<semaphore_mem>>) {add = true}
      %add3A_386 = arith.constant 6 : i32
      %add3A_387 = arith.addi %mul3A_289, %add3A_386 : i32
      %mul3A_388 = arith.constant 80 : i32
      %mul3A_389 = arith.muli %add3A_387, %mul3A_388 : i32
      %dma_wait3A_390 = tpu.memref_slice %arg5[%mul3A_389] : memref<10000xi32, #tpu.memory_space<vmem>> -> memref<80xi32, #tpu.memory_space<vmem>>
      %dma_wait3A_391 = arith.constant 0 : i32
      %dma_wait3A_392 = arith.constant 0 : i32
      %dma_wait3A_393 = tpu.memref_slice %arg2[%dma_wait3A_391, %dma_wait3A_392] : memref<10000x32xf32, #tpu.memory_space<hbm>> -> memref<10000x32xf32, #tpu.memory_space<hbm>>
      tpu.wait_indirect_dma semaphore(%arg22 : memref<!tpu.dma_semaphore, #tpu.memory_space<semaphore_mem>>) src(%dma_wait3A_393 : memref<10000x32xf32, #tpu.memory_space<hbm>>) dst(%arg13 : memref<80x32xf32, #tpu.memory_space<vmem>>)
      %add3A_394 = arith.constant 6 : i32
      %add3A_395 = arith.addi %mul3A_289, %add3A_394 : i32
      %mul3A_396 = arith.constant 80 : i32
      %mul3A_397 = arith.muli %add3A_395, %mul3A_396 : i32
      %dma_start3A_398 = tpu.memref_slice %arg6[%mul3A_397] : memref<10000xi32, #tpu.memory_space<vmem>> -> memref<80xi32, #tpu.memory_space<vmem>>
      %dma_start3A_399 = arith.constant 0 : i32
      %dma_start3A_400 = arith.constant 0 : i32
      %dma_start3A_401 = tpu.memref_slice %arg15[%dma_start3A_399, %dma_start3A_400] : memref<10000x32xf32, #tpu.memory_space<vmem_shared>> -> memref<10000x32xf32, #tpu.memory_space<vmem_shared>>
      tpu.enqueue_indirect_dma source(%arg13 : memref<80x32xf32, #tpu.memory_space<vmem>>) target(%dma_start3A_401 : memref<10000x32xf32, #tpu.memory_space<vmem_shared>>) offsets(%dma_start3A_398 : memref<80xi32, #tpu.memory_space<vmem>>) semaphore(%arg22 : memref<!tpu.dma_semaphore, #tpu.memory_space<semaphore_mem>>) {add = true}
      %add3A_402 = arith.constant 7 : i32
      %add3A_403 = arith.addi %mul3A_289, %add3A_402 : i32
      %mul3A_404 = arith.constant 80 : i32
      %mul3A_405 = arith.muli %add3A_403, %mul3A_404 : i32
      %dma_wait3A_406 = tpu.memref_slice %arg5[%mul3A_405] : memref<10000xi32, #tpu.memory_space<vmem>> -> memref<80xi32, #tpu.memory_space<vmem>>
      %dma_wait3A_407 = arith.constant 0 : i32
      %dma_wait3A_408 = arith.constant 0 : i32
      %dma_wait3A_409 = tpu.memref_slice %arg2[%dma_wait3A_407, %dma_wait3A_408] : memref<10000x32xf32, #tpu.memory_space<hbm>> -> memref<10000x32xf32, #tpu.memory_space<hbm>>
      tpu.wait_indirect_dma semaphore(%arg23 : memref<!tpu.dma_semaphore, #tpu.memory_space<semaphore_mem>>) src(%dma_wait3A_409 : memref<10000x32xf32, #tpu.memory_space<hbm>>) dst(%arg14 : memref<80x32xf32, #tpu.memory_space<vmem>>)
      %add3A_410 = arith.constant 7 : i32
      %add3A_411 = arith.addi %mul3A_289, %add3A_410 : i32
      %mul3A_412 = arith.constant 80 : i32
      %mul3A_413 = arith.muli %add3A_411, %mul3A_412 : i32
      %dma_start3A_414 = tpu.memref_slice %arg6[%mul3A_413] : memref<10000xi32, #tpu.memory_space<vmem>> -> memref<80xi32, #tpu.memory_space<vmem>>
      %dma_start3A_415 = arith.constant 0 : i32
      %dma_start3A_416 = arith.constant 0 : i32
      %dma_start3A_417 = tpu.memref_slice %arg15[%dma_start3A_415, %dma_start3A_416] : memref<10000x32xf32, #tpu.memory_space<vmem_shared>> -> memref<10000x32xf32, #tpu.memory_space<vmem_shared>>
      tpu.enqueue_indirect_dma source(%arg14 : memref<80x32xf32, #tpu.memory_space<vmem>>) target(%dma_start3A_417 : memref<10000x32xf32, #tpu.memory_space<vmem_shared>>) offsets(%dma_start3A_414 : memref<80xi32, #tpu.memory_space<vmem>>) semaphore(%arg23 : memref<!tpu.dma_semaphore, #tpu.memory_space<semaphore_mem>>) {add = true}
      %add3A_418 = arith.constant 0 : i32
      %add3A_419 = arith.addi %mul3A_289, %add3A_418 : i32
      %mul3A_420 = arith.constant 80 : i32
      %mul3A_421 = arith.muli %add3A_419, %mul3A_420 : i32
      %dma_wait3A_422 = tpu.memref_slice %arg6[%mul3A_421] : memref<10000xi32, #tpu.memory_space<vmem>> -> memref<80xi32, #tpu.memory_space<vmem>>
      %dma_wait3A_423 = arith.constant 0 : i32
      %dma_wait3A_424 = arith.constant 0 : i32
      %dma_wait3A_425 = tpu.memref_slice %arg15[%dma_wait3A_423, %dma_wait3A_424] : memref<10000x32xf32, #tpu.memory_space<vmem_shared>> -> memref<10000x32xf32, #tpu.memory_space<vmem_shared>>
      tpu.wait_indirect_dma semaphore(%arg16 : memref<!tpu.dma_semaphore, #tpu.memory_space<semaphore_mem>>) src(%arg7 : memref<80x32xf32, #tpu.memory_space<vmem>>) dst(%dma_wait3A_425 : memref<10000x32xf32, #tpu.memory_space<vmem_shared>>)
      %add3A_426 = arith.constant 8 : i32
      %add3A_427 = arith.addi %mul3A_289, %add3A_426 : i32
      %add3A_428 = arith.constant 0 : i32
      %add3A_429 = arith.addi %add3A_427, %add3A_428 : i32
      %mul3A_430 = arith.constant 80 : i32
      %mul3A_431 = arith.muli %add3A_429, %mul3A_430 : i32
      %dma_start3A_432 = tpu.memref_slice %arg5[%mul3A_431] : memref<10000xi32, #tpu.memory_space<vmem>> -> memref<80xi32, #tpu.memory_space<vmem>>
      %dma_start3A_433 = arith.constant 0 : i32
      %dma_start3A_434 = arith.constant 0 : i32
      %dma_start3A_435 = tpu.memref_slice %arg2[%dma_start3A_433, %dma_start3A_434] : memref<10000x32xf32, #tpu.memory_space<hbm>> -> memref<10000x32xf32, #tpu.memory_space<hbm>>
      tpu.enqueue_indirect_dma source(%dma_start3A_435 : memref<10000x32xf32, #tpu.memory_space<hbm>>) target(%arg7 : memref<80x32xf32, #tpu.memory_space<vmem>>) offsets(%dma_start3A_432 : memref<80xi32, #tpu.memory_space<vmem>>) semaphore(%arg16 : memref<!tpu.dma_semaphore, #tpu.memory_space<semaphore_mem>>)
      %add3A_436 = arith.constant 1 : i32
      %add3A_437 = arith.addi %mul3A_289, %add3A_436 : i32
      %mul3A_438 = arith.constant 80 : i32
      %mul3A_439 = arith.muli %add3A_437, %mul3A_438 : i32
      %dma_wait3A_440 = tpu.memref_slice %arg6[%mul3A_439] : memref<10000xi32, #tpu.memory_space<vmem>> -> memref<80xi32, #tpu.memory_space<vmem>>
      %dma_wait3A_441 = arith.constant 0 : i32
      %dma_wait3A_442 = arith.constant 0 : i32
      %dma_wait3A_443 = tpu.memref_slice %arg15[%dma_wait3A_441, %dma_wait3A_442] : memref<10000x32xf32, #tpu.memory_space<vmem_shared>> -> memref<10000x32xf32, #tpu.memory_space<vmem_shared>>
      tpu.wait_indirect_dma semaphore(%arg17 : memref<!tpu.dma_semaphore, #tpu.memory_space<semaphore_mem>>) src(%arg8 : memref<80x32xf32, #tpu.memory_space<vmem>>) dst(%dma_wait3A_443 : memref<10000x32xf32, #tpu.memory_space<vmem_shared>>)
      %add3A_444 = arith.constant 8 : i32
      %add3A_445 = arith.addi %mul3A_289, %add3A_444 : i32
      %add3A_446 = arith.constant 1 : i32
      %add3A_447 = arith.addi %add3A_445, %add3A_446 : i32
      %mul3A_448 = arith.constant 80 : i32
      %mul3A_449 = arith.muli %add3A_447, %mul3A_448 : i32
      %dma_start3A_450 = tpu.memref_slice %arg5[%mul3A_449] : memref<10000xi32, #tpu.memory_space<vmem>> -> memref<80xi32, #tpu.memory_space<vmem>>
      %dma_start3A_451 = arith.constant 0 : i32
      %dma_start3A_452 = arith.constant 0 : i32
      %dma_start3A_453 = tpu.memref_slice %arg2[%dma_start3A_451, %dma_start3A_452] : memref<10000x32xf32, #tpu.memory_space<hbm>> -> memref<10000x32xf32, #tpu.memory_space<hbm>>
      tpu.enqueue_indirect_dma source(%dma_start3A_453 : memref<10000x32xf32, #tpu.memory_space<hbm>>) target(%arg8 : memref<80x32xf32, #tpu.memory_space<vmem>>) offsets(%dma_start3A_450 : memref<80xi32, #tpu.memory_space<vmem>>) semaphore(%arg17 : memref<!tpu.dma_semaphore, #tpu.memory_space<semaphore_mem>>)
      %add3A_454 = arith.constant 2 : i32
      %add3A_455 = arith.addi %mul3A_289, %add3A_454 : i32
      %mul3A_456 = arith.constant 80 : i32
      %mul3A_457 = arith.muli %add3A_455, %mul3A_456 : i32
      %dma_wait3A_458 = tpu.memref_slice %arg6[%mul3A_457] : memref<10000xi32, #tpu.memory_space<vmem>> -> memref<80xi32, #tpu.memory_space<vmem>>
      %dma_wait3A_459 = arith.constant 0 : i32
      %dma_wait3A_460 = arith.constant 0 : i32
      %dma_wait3A_461 = tpu.memref_slice %arg15[%dma_wait3A_459, %dma_wait3A_460] : memref<10000x32xf32, #tpu.memory_space<vmem_shared>> -> memref<10000x32xf32, #tpu.memory_space<vmem_shared>>
      tpu.wait_indirect_dma semaphore(%arg18 : memref<!tpu.dma_semaphore, #tpu.memory_space<semaphore_mem>>) src(%arg9 : memref<80x32xf32, #tpu.memory_space<vmem>>) dst(%dma_wait3A_461 : memref<10000x32xf32, #tpu.memory_space<vmem_shared>>)
      %add3A_462 = arith.constant 8 : i32
      %add3A_463 = arith.addi %mul3A_289, %add3A_462 : i32
      %add3A_464 = arith.constant 2 : i32
      %add3A_465 = arith.addi %add3A_463, %add3A_464 : i32
      %mul3A_466 = arith.constant 80 : i32
      %mul3A_467 = arith.muli %add3A_465, %mul3A_466 : i32
      %dma_start3A_468 = tpu.memref_slice %arg5[%mul3A_467] : memref<10000xi32, #tpu.memory_space<vmem>> -> memref<80xi32, #tpu.memory_space<vmem>>
      %dma_start3A_469 = arith.constant 0 : i32
      %dma_start3A_470 = arith.constant 0 : i32
      %dma_start3A_471 = tpu.memref_slice %arg2[%dma_start3A_469, %dma_start3A_470] : memref<10000x32xf32, #tpu.memory_space<hbm>> -> memref<10000x32xf32, #tpu.memory_space<hbm>>
      tpu.enqueue_indirect_dma source(%dma_start3A_471 : memref<10000x32xf32, #tpu.memory_space<hbm>>) target(%arg9 : memref<80x32xf32, #tpu.memory_space<vmem>>) offsets(%dma_start3A_468 : memref<80xi32, #tpu.memory_space<vmem>>) semaphore(%arg18 : memref<!tpu.dma_semaphore, #tpu.memory_space<semaphore_mem>>)
      %add3A_472 = arith.constant 3 : i32
      %add3A_473 = arith.addi %mul3A_289, %add3A_472 : i32
      %mul3A_474 = arith.constant 80 : i32
      %mul3A_475 = arith.muli %add3A_473, %mul3A_474 : i32
      %dma_wait3A_476 = tpu.memref_slice %arg6[%mul3A_475] : memref<10000xi32, #tpu.memory_space<vmem>> -> memref<80xi32, #tpu.memory_space<vmem>>
      %dma_wait3A_477 = arith.constant 0 : i32
      %dma_wait3A_478 = arith.constant 0 : i32
      %dma_wait3A_479 = tpu.memref_slice %arg15[%dma_wait3A_477, %dma_wait3A_478] : memref<10000x32xf32, #tpu.memory_space<vmem_shared>> -> memref<10000x32xf32, #tpu.memory_space<vmem_shared>>
      tpu.wait_indirect_dma semaphore(%arg19 : memref<!tpu.dma_semaphore, #tpu.memory_space<semaphore_mem>>) src(%arg10 : memref<80x32xf32, #tpu.memory_space<vmem>>) dst(%dma_wait3A_479 : memref<10000x32xf32, #tpu.memory_space<vmem_shared>>)
      %add3A_480 = arith.constant 8 : i32
      %add3A_481 = arith.addi %mul3A_289, %add3A_480 : i32
      %add3A_482 = arith.constant 3 : i32
      %add3A_483 = arith.addi %add3A_481, %add3A_482 : i32
      %mul3A_484 = arith.constant 80 : i32
      %mul3A_485 = arith.muli %add3A_483, %mul3A_484 : i32
      %dma_start3A_486 = tpu.memref_slice %arg5[%mul3A_485] : memref<10000xi32, #tpu.memory_space<vmem>> -> memref<80xi32, #tpu.memory_space<vmem>>
      %dma_start3A_487 = arith.constant 0 : i32
      %dma_start3A_488 = arith.constant 0 : i32
      %dma_start3A_489 = tpu.memref_slice %arg2[%dma_start3A_487, %dma_start3A_488] : memref<10000x32xf32, #tpu.memory_space<hbm>> -> memref<10000x32xf32, #tpu.memory_space<hbm>>
      tpu.enqueue_indirect_dma source(%dma_start3A_489 : memref<10000x32xf32, #tpu.memory_space<hbm>>) target(%arg10 : memref<80x32xf32, #tpu.memory_space<vmem>>) offsets(%dma_start3A_486 : memref<80xi32, #tpu.memory_space<vmem>>) semaphore(%arg19 : memref<!tpu.dma_semaphore, #tpu.memory_space<semaphore_mem>>)
      %add3A_490 = arith.constant 4 : i32
      %add3A_491 = arith.addi %mul3A_289, %add3A_490 : i32
      %mul3A_492 = arith.constant 80 : i32
      %mul3A_493 = arith.muli %add3A_491, %mul3A_492 : i32
      %dma_wait3A_494 = tpu.memref_slice %arg6[%mul3A_493] : memref<10000xi32, #tpu.memory_space<vmem>> -> memref<80xi32, #tpu.memory_space<vmem>>
      %dma_wait3A_495 = arith.constant 0 : i32
      %dma_wait3A_496 = arith.constant 0 : i32
      %dma_wait3A_497 = tpu.memref_slice %arg15[%dma_wait3A_495, %dma_wait3A_496] : memref<10000x32xf32, #tpu.memory_space<vmem_shared>> -> memref<10000x32xf32, #tpu.memory_space<vmem_shared>>
      tpu.wait_indirect_dma semaphore(%arg20 : memref<!tpu.dma_semaphore, #tpu.memory_space<semaphore_mem>>) src(%arg11 : memref<80x32xf32, #tpu.memory_space<vmem>>) dst(%dma_wait3A_497 : memref<10000x32xf32, #tpu.memory_space<vmem_shared>>)
      %add3A_498 = arith.constant 8 : i32
      %add3A_499 = arith.addi %mul3A_289, %add3A_498 : i32
      %add3A_500 = arith.constant 4 : i32
      %add3A_501 = arith.addi %add3A_499, %add3A_500 : i32
      %mul3A_502 = arith.constant 80 : i32
      %mul3A_503 = arith.muli %add3A_501, %mul3A_502 : i32
      %dma_start3A_504 = tpu.memref_slice %arg5[%mul3A_503] : memref<10000xi32, #tpu.memory_space<vmem>> -> memref<80xi32, #tpu.memory_space<vmem>>
      %dma_start3A_505 = arith.constant 0 : i32
      %dma_start3A_506 = arith.constant 0 : i32
      %dma_start3A_507 = tpu.memref_slice %arg2[%dma_start3A_505, %dma_start3A_506] : memref<10000x32xf32, #tpu.memory_space<hbm>> -> memref<10000x32xf32, #tpu.memory_space<hbm>>
      tpu.enqueue_indirect_dma source(%dma_start3A_507 : memref<10000x32xf32, #tpu.memory_space<hbm>>) target(%arg11 : memref<80x32xf32, #tpu.memory_space<vmem>>) offsets(%dma_start3A_504 : memref<80xi32, #tpu.memory_space<vmem>>) semaphore(%arg20 : memref<!tpu.dma_semaphore, #tpu.memory_space<semaphore_mem>>)
      %add3A_508 = arith.constant 5 : i32
      %add3A_509 = arith.addi %mul3A_289, %add3A_508 : i32
      %mul3A_510 = arith.constant 80 : i32
      %mul3A_511 = arith.muli %add3A_509, %mul3A_510 : i32
      %dma_wait3A_512 = tpu.memref_slice %arg6[%mul3A_511] : memref<10000xi32, #tpu.memory_space<vmem>> -> memref<80xi32, #tpu.memory_space<vmem>>
      %dma_wait3A_513 = arith.constant 0 : i32
      %dma_wait3A_514 = arith.constant 0 : i32
      %dma_wait3A_515 = tpu.memref_slice %arg15[%dma_wait3A_513, %dma_wait3A_514] : memref<10000x32xf32, #tpu.memory_space<vmem_shared>> -> memref<10000x32xf32, #tpu.memory_space<vmem_shared>>
      tpu.wait_indirect_dma semaphore(%arg21 : memref<!tpu.dma_semaphore, #tpu.memory_space<semaphore_mem>>) src(%arg12 : memref<80x32xf32, #tpu.memory_space<vmem>>) dst(%dma_wait3A_515 : memref<10000x32xf32, #tpu.memory_space<vmem_shared>>)
      %add3A_516 = arith.constant 8 : i32
      %add3A_517 = arith.addi %mul3A_289, %add3A_516 : i32
      %add3A_518 = arith.constant 5 : i32
      %add3A_519 = arith.addi %add3A_517, %add3A_518 : i32
      %mul3A_520 = arith.constant 80 : i32
      %mul3A_521 = arith.muli %add3A_519, %mul3A_520 : i32
      %dma_start3A_522 = tpu.memref_slice %arg5[%mul3A_521] : memref<10000xi32, #tpu.memory_space<vmem>> -> memref<80xi32, #tpu.memory_space<vmem>>
      %dma_start3A_523 = arith.constant 0 : i32
      %dma_start3A_524 = arith.constant 0 : i32
      %dma_start3A_525 = tpu.memref_slice %arg2[%dma_start3A_523, %dma_start3A_524] : memref<10000x32xf32, #tpu.memory_space<hbm>> -> memref<10000x32xf32, #tpu.memory_space<hbm>>
      tpu.enqueue_indirect_dma source(%dma_start3A_525 : memref<10000x32xf32, #tpu.memory_space<hbm>>) target(%arg12 : memref<80x32xf32, #tpu.memory_space<vmem>>) offsets(%dma_start3A_522 : memref<80xi32, #tpu.memory_space<vmem>>) semaphore(%arg21 : memref<!tpu.dma_semaphore, #tpu.memory_space<semaphore_mem>>)
      %add3A_526 = arith.constant 6 : i32
      %add3A_527 = arith.addi %mul3A_289, %add3A_526 : i32
      %mul3A_528 = arith.constant 80 : i32
      %mul3A_529 = arith.muli %add3A_527, %mul3A_528 : i32
      %dma_wait3A_530 = tpu.memref_slice %arg6[%mul3A_529] : memref<10000xi32, #tpu.memory_space<vmem>> -> memref<80xi32, #tpu.memory_space<vmem>>
      %dma_wait3A_531 = arith.constant 0 : i32
      %dma_wait3A_532 = arith.constant 0 : i32
      %dma_wait3A_533 = tpu.memref_slice %arg15[%dma_wait3A_531, %dma_wait3A_532] : memref<10000x32xf32, #tpu.memory_space<vmem_shared>> -> memref<10000x32xf32, #tpu.memory_space<vmem_shared>>
      tpu.wait_indirect_dma semaphore(%arg22 : memref<!tpu.dma_semaphore, #tpu.memory_space<semaphore_mem>>) src(%arg13 : memref<80x32xf32, #tpu.memory_space<vmem>>) dst(%dma_wait3A_533 : memref<10000x32xf32, #tpu.memory_space<vmem_shared>>)
      %add3A_534 = arith.constant 8 : i32
      %add3A_535 = arith.addi %mul3A_289, %add3A_534 : i32
      %add3A_536 = arith.constant 6 : i32
      %add3A_537 = arith.addi %add3A_535, %add3A_536 : i32
      %mul3A_538 = arith.constant 80 : i32
      %mul3A_539 = arith.muli %add3A_537, %mul3A_538 : i32
      %dma_start3A_540 = tpu.memref_slice %arg5[%mul3A_539] : memref<10000xi32, #tpu.memory_space<vmem>> -> memref<80xi32, #tpu.memory_space<vmem>>
      %dma_start3A_541 = arith.constant 0 : i32
      %dma_start3A_542 = arith.constant 0 : i32
      %dma_start3A_543 = tpu.memref_slice %arg2[%dma_start3A_541, %dma_start3A_542] : memref<10000x32xf32, #tpu.memory_space<hbm>> -> memref<10000x32xf32, #tpu.memory_space<hbm>>
      tpu.enqueue_indirect_dma source(%dma_start3A_543 : memref<10000x32xf32, #tpu.memory_space<hbm>>) target(%arg13 : memref<80x32xf32, #tpu.memory_space<vmem>>) offsets(%dma_start3A_540 : memref<80xi32, #tpu.memory_space<vmem>>) semaphore(%arg22 : memref<!tpu.dma_semaphore, #tpu.memory_space<semaphore_mem>>)
      %add3A_544 = arith.constant 7 : i32
      %add3A_545 = arith.addi %mul3A_289, %add3A_544 : i32
      %mul3A_546 = arith.constant 80 : i32
      %mul3A_547 = arith.muli %add3A_545, %mul3A_546 : i32
      %dma_wait3A_548 = tpu.memref_slice %arg6[%mul3A_547] : memref<10000xi32, #tpu.memory_space<vmem>> -> memref<80xi32, #tpu.memory_space<vmem>>
      %dma_wait3A_549 = arith.constant 0 : i32
      %dma_wait3A_550 = arith.constant 0 : i32
      %dma_wait3A_551 = tpu.memref_slice %arg15[%dma_wait3A_549, %dma_wait3A_550] : memref<10000x32xf32, #tpu.memory_space<vmem_shared>> -> memref<10000x32xf32, #tpu.memory_space<vmem_shared>>
      tpu.wait_indirect_dma semaphore(%arg23 : memref<!tpu.dma_semaphore, #tpu.memory_space<semaphore_mem>>) src(%arg14 : memref<80x32xf32, #tpu.memory_space<vmem>>) dst(%dma_wait3A_551 : memref<10000x32xf32, #tpu.memory_space<vmem_shared>>)
      %add3A_552 = arith.constant 8 : i32
      %add3A_553 = arith.addi %mul3A_289, %add3A_552 : i32
      %add3A_554 = arith.constant 7 : i32
      %add3A_555 = arith.addi %add3A_553, %add3A_554 : i32
      %mul3A_556 = arith.constant 80 : i32
      %mul3A_557 = arith.muli %add3A_555, %mul3A_556 : i32
      %dma_start3A_558 = tpu.memref_slice %arg5[%mul3A_557] : memref<10000xi32, #tpu.memory_space<vmem>> -> memref<80xi32, #tpu.memory_space<vmem>>
      %dma_start3A_559 = arith.constant 0 : i32
      %dma_start3A_560 = arith.constant 0 : i32
      %dma_start3A_561 = tpu.memref_slice %arg2[%dma_start3A_559, %dma_start3A_560] : memref<10000x32xf32, #tpu.memory_space<hbm>> -> memref<10000x32xf32, #tpu.memory_space<hbm>>
      tpu.enqueue_indirect_dma source(%dma_start3A_561 : memref<10000x32xf32, #tpu.memory_space<hbm>>) target(%arg14 : memref<80x32xf32, #tpu.memory_space<vmem>>) offsets(%dma_start3A_558 : memref<80xi32, #tpu.memory_space<vmem>>) semaphore(%arg23 : memref<!tpu.dma_semaphore, #tpu.memory_space<semaphore_mem>>)
    }
    %scan3A_61 = arith.constant 14 : i32
    %dma_wait3A_62 = arith.constant 8960 : i32
    %dma_wait3A_63 = tpu.memref_slice %arg5[%dma_wait3A_62] : memref<10000xi32, #tpu.memory_space<vmem>> -> memref<80xi32, #tpu.memory_space<vmem>>
    %dma_wait3A_64 = arith.constant 0 : i32
    %dma_wait3A_65 = arith.constant 0 : i32
    %dma_wait3A_66 = tpu.memref_slice %arg2[%dma_wait3A_64, %dma_wait3A_65] : memref<10000x32xf32, #tpu.memory_space<hbm>> -> memref<10000x32xf32, #tpu.memory_space<hbm>>
    tpu.wait_indirect_dma semaphore(%arg16 : memref<!tpu.dma_semaphore, #tpu.memory_space<semaphore_mem>>) src(%dma_wait3A_66 : memref<10000x32xf32, #tpu.memory_space<hbm>>) dst(%arg7 : memref<80x32xf32, #tpu.memory_space<vmem>>)
    %dma_start3A_67 = arith.constant 8960 : i32
    %dma_start3A_68 = tpu.memref_slice %arg6[%dma_start3A_67] : memref<10000xi32, #tpu.memory_space<vmem>> -> memref<80xi32, #tpu.memory_space<vmem>>
    %dma_start3A_69 = arith.constant 0 : i32
    %dma_start3A_70 = arith.constant 0 : i32
    %dma_start3A_71 = tpu.memref_slice %arg15[%dma_start3A_69, %dma_start3A_70] : memref<10000x32xf32, #tpu.memory_space<vmem_shared>> -> memref<10000x32xf32, #tpu.memory_space<vmem_shared>>
    tpu.enqueue_indirect_dma source(%arg7 : memref<80x32xf32, #tpu.memory_space<vmem>>) target(%dma_start3A_71 : memref<10000x32xf32, #tpu.memory_space<vmem_shared>>) offsets(%dma_start3A_68 : memref<80xi32, #tpu.memory_space<vmem>>) semaphore(%arg16 : memref<!tpu.dma_semaphore, #tpu.memory_space<semaphore_mem>>) {add = true}
    %dma_wait3A_72 = arith.constant 9040 : i32
    %dma_wait3A_73 = tpu.memref_slice %arg5[%dma_wait3A_72] : memref<10000xi32, #tpu.memory_space<vmem>> -> memref<80xi32, #tpu.memory_space<vmem>>
    %dma_wait3A_74 = arith.constant 0 : i32
    %dma_wait3A_75 = arith.constant 0 : i32
    %dma_wait3A_76 = tpu.memref_slice %arg2[%dma_wait3A_74, %dma_wait3A_75] : memref<10000x32xf32, #tpu.memory_space<hbm>> -> memref<10000x32xf32, #tpu.memory_space<hbm>>
    tpu.wait_indirect_dma semaphore(%arg17 : memref<!tpu.dma_semaphore, #tpu.memory_space<semaphore_mem>>) src(%dma_wait3A_76 : memref<10000x32xf32, #tpu.memory_space<hbm>>) dst(%arg8 : memref<80x32xf32, #tpu.memory_space<vmem>>)
    %dma_start3A_77 = arith.constant 9040 : i32
    %dma_start3A_78 = tpu.memref_slice %arg6[%dma_start3A_77] : memref<10000xi32, #tpu.memory_space<vmem>> -> memref<80xi32, #tpu.memory_space<vmem>>
    %dma_start3A_79 = arith.constant 0 : i32
    %dma_start3A_80 = arith.constant 0 : i32
    %dma_start3A_81 = tpu.memref_slice %arg15[%dma_start3A_79, %dma_start3A_80] : memref<10000x32xf32, #tpu.memory_space<vmem_shared>> -> memref<10000x32xf32, #tpu.memory_space<vmem_shared>>
    tpu.enqueue_indirect_dma source(%arg8 : memref<80x32xf32, #tpu.memory_space<vmem>>) target(%dma_start3A_81 : memref<10000x32xf32, #tpu.memory_space<vmem_shared>>) offsets(%dma_start3A_78 : memref<80xi32, #tpu.memory_space<vmem>>) semaphore(%arg17 : memref<!tpu.dma_semaphore, #tpu.memory_space<semaphore_mem>>) {add = true}
    %dma_wait3A_82 = arith.constant 9120 : i32
    %dma_wait3A_83 = tpu.memref_slice %arg5[%dma_wait3A_82] : memref<10000xi32, #tpu.memory_space<vmem>> -> memref<80xi32, #tpu.memory_space<vmem>>
    %dma_wait3A_84 = arith.constant 0 : i32
    %dma_wait3A_85 = arith.constant 0 : i32
    %dma_wait3A_86 = tpu.memref_slice %arg2[%dma_wait3A_84, %dma_wait3A_85] : memref<10000x32xf32, #tpu.memory_space<hbm>> -> memref<10000x32xf32, #tpu.memory_space<hbm>>
    tpu.wait_indirect_dma semaphore(%arg18 : memref<!tpu.dma_semaphore, #tpu.memory_space<semaphore_mem>>) src(%dma_wait3A_86 : memref<10000x32xf32, #tpu.memory_space<hbm>>) dst(%arg9 : memref<80x32xf32, #tpu.memory_space<vmem>>)
    %dma_start3A_87 = arith.constant 9120 : i32
    %dma_start3A_88 = tpu.memref_slice %arg6[%dma_start3A_87] : memref<10000xi32, #tpu.memory_space<vmem>> -> memref<80xi32, #tpu.memory_space<vmem>>
    %dma_start3A_89 = arith.constant 0 : i32
    %dma_start3A_90 = arith.constant 0 : i32
    %dma_start3A_91 = tpu.memref_slice %arg15[%dma_start3A_89, %dma_start3A_90] : memref<10000x32xf32, #tpu.memory_space<vmem_shared>> -> memref<10000x32xf32, #tpu.memory_space<vmem_shared>>
    tpu.enqueue_indirect_dma source(%arg9 : memref<80x32xf32, #tpu.memory_space<vmem>>) target(%dma_start3A_91 : memref<10000x32xf32, #tpu.memory_space<vmem_shared>>) offsets(%dma_start3A_88 : memref<80xi32, #tpu.memory_space<vmem>>) semaphore(%arg18 : memref<!tpu.dma_semaphore, #tpu.memory_space<semaphore_mem>>) {add = true}
    %dma_wait3A_92 = arith.constant 9200 : i32
    %dma_wait3A_93 = tpu.memref_slice %arg5[%dma_wait3A_92] : memref<10000xi32, #tpu.memory_space<vmem>> -> memref<80xi32, #tpu.memory_space<vmem>>
    %dma_wait3A_94 = arith.constant 0 : i32
    %dma_wait3A_95 = arith.constant 0 : i32
    %dma_wait3A_96 = tpu.memref_slice %arg2[%dma_wait3A_94, %dma_wait3A_95] : memref<10000x32xf32, #tpu.memory_space<hbm>> -> memref<10000x32xf32, #tpu.memory_space<hbm>>
    tpu.wait_indirect_dma semaphore(%arg19 : memref<!tpu.dma_semaphore, #tpu.memory_space<semaphore_mem>>) src(%dma_wait3A_96 : memref<10000x32xf32, #tpu.memory_space<hbm>>) dst(%arg10 : memref<80x32xf32, #tpu.memory_space<vmem>>)
    %dma_start3A_97 = arith.constant 9200 : i32
    %dma_start3A_98 = tpu.memref_slice %arg6[%dma_start3A_97] : memref<10000xi32, #tpu.memory_space<vmem>> -> memref<80xi32, #tpu.memory_space<vmem>>
    %dma_start3A_99 = arith.constant 0 : i32
    %dma_start3A_100 = arith.constant 0 : i32
    %dma_start3A_101 = tpu.memref_slice %arg15[%dma_start3A_99, %dma_start3A_100] : memref<10000x32xf32, #tpu.memory_space<vmem_shared>> -> memref<10000x32xf32, #tpu.memory_space<vmem_shared>>
    tpu.enqueue_indirect_dma source(%arg10 : memref<80x32xf32, #tpu.memory_space<vmem>>) target(%dma_start3A_101 : memref<10000x32xf32, #tpu.memory_space<vmem_shared>>) offsets(%dma_start3A_98 : memref<80xi32, #tpu.memory_space<vmem>>) semaphore(%arg19 : memref<!tpu.dma_semaphore, #tpu.memory_space<semaphore_mem>>) {add = true}
    %dma_wait3A_102 = arith.constant 9280 : i32
    %dma_wait3A_103 = tpu.memref_slice %arg5[%dma_wait3A_102] : memref<10000xi32, #tpu.memory_space<vmem>> -> memref<80xi32, #tpu.memory_space<vmem>>
    %dma_wait3A_104 = arith.constant 0 : i32
    %dma_wait3A_105 = arith.constant 0 : i32
    %dma_wait3A_106 = tpu.memref_slice %arg2[%dma_wait3A_104, %dma_wait3A_105] : memref<10000x32xf32, #tpu.memory_space<hbm>> -> memref<10000x32xf32, #tpu.memory_space<hbm>>
    tpu.wait_indirect_dma semaphore(%arg20 : memref<!tpu.dma_semaphore, #tpu.memory_space<semaphore_mem>>) src(%dma_wait3A_106 : memref<10000x32xf32, #tpu.memory_space<hbm>>) dst(%arg11 : memref<80x32xf32, #tpu.memory_space<vmem>>)
    %dma_start3A_107 = arith.constant 9280 : i32
    %dma_start3A_108 = tpu.memref_slice %arg6[%dma_start3A_107] : memref<10000xi32, #tpu.memory_space<vmem>> -> memref<80xi32, #tpu.memory_space<vmem>>
    %dma_start3A_109 = arith.constant 0 : i32
    %dma_start3A_110 = arith.constant 0 : i32
    %dma_start3A_111 = tpu.memref_slice %arg15[%dma_start3A_109, %dma_start3A_110] : memref<10000x32xf32, #tpu.memory_space<vmem_shared>> -> memref<10000x32xf32, #tpu.memory_space<vmem_shared>>
    tpu.enqueue_indirect_dma source(%arg11 : memref<80x32xf32, #tpu.memory_space<vmem>>) target(%dma_start3A_111 : memref<10000x32xf32, #tpu.memory_space<vmem_shared>>) offsets(%dma_start3A_108 : memref<80xi32, #tpu.memory_space<vmem>>) semaphore(%arg20 : memref<!tpu.dma_semaphore, #tpu.memory_space<semaphore_mem>>) {add = true}
    %dma_wait3A_112 = arith.constant 9360 : i32
    %dma_wait3A_113 = tpu.memref_slice %arg5[%dma_wait3A_112] : memref<10000xi32, #tpu.memory_space<vmem>> -> memref<80xi32, #tpu.memory_space<vmem>>
    %dma_wait3A_114 = arith.constant 0 : i32
    %dma_wait3A_115 = arith.constant 0 : i32
    %dma_wait3A_116 = tpu.memref_slice %arg2[%dma_wait3A_114, %dma_wait3A_115] : memref<10000x32xf32, #tpu.memory_space<hbm>> -> memref<10000x32xf32, #tpu.memory_space<hbm>>
    tpu.wait_indirect_dma semaphore(%arg21 : memref<!tpu.dma_semaphore, #tpu.memory_space<semaphore_mem>>) src(%dma_wait3A_116 : memref<10000x32xf32, #tpu.memory_space<hbm>>) dst(%arg12 : memref<80x32xf32, #tpu.memory_space<vmem>>)
    %dma_start3A_117 = arith.constant 9360 : i32
    %dma_start3A_118 = tpu.memref_slice %arg6[%dma_start3A_117] : memref<10000xi32, #tpu.memory_space<vmem>> -> memref<80xi32, #tpu.memory_space<vmem>>
    %dma_start3A_119 = arith.constant 0 : i32
    %dma_start3A_120 = arith.constant 0 : i32
    %dma_start3A_121 = tpu.memref_slice %arg15[%dma_start3A_119, %dma_start3A_120] : memref<10000x32xf32, #tpu.memory_space<vmem_shared>> -> memref<10000x32xf32, #tpu.memory_space<vmem_shared>>
    tpu.enqueue_indirect_dma source(%arg12 : memref<80x32xf32, #tpu.memory_space<vmem>>) target(%dma_start3A_121 : memref<10000x32xf32, #tpu.memory_space<vmem_shared>>) offsets(%dma_start3A_118 : memref<80xi32, #tpu.memory_space<vmem>>) semaphore(%arg21 : memref<!tpu.dma_semaphore, #tpu.memory_space<semaphore_mem>>) {add = true}
    %dma_wait3A_122 = arith.constant 9440 : i32
    %dma_wait3A_123 = tpu.memref_slice %arg5[%dma_wait3A_122] : memref<10000xi32, #tpu.memory_space<vmem>> -> memref<80xi32, #tpu.memory_space<vmem>>
    %dma_wait3A_124 = arith.constant 0 : i32
    %dma_wait3A_125 = arith.constant 0 : i32
    %dma_wait3A_126 = tpu.memref_slice %arg2[%dma_wait3A_124, %dma_wait3A_125] : memref<10000x32xf32, #tpu.memory_space<hbm>> -> memref<10000x32xf32, #tpu.memory_space<hbm>>
    tpu.wait_indirect_dma semaphore(%arg22 : memref<!tpu.dma_semaphore, #tpu.memory_space<semaphore_mem>>) src(%dma_wait3A_126 : memref<10000x32xf32, #tpu.memory_space<hbm>>) dst(%arg13 : memref<80x32xf32, #tpu.memory_space<vmem>>)
    %dma_start3A_127 = arith.constant 9440 : i32
    %dma_start3A_128 = tpu.memref_slice %arg6[%dma_start3A_127] : memref<10000xi32, #tpu.memory_space<vmem>> -> memref<80xi32, #tpu.memory_space<vmem>>
    %dma_start3A_129 = arith.constant 0 : i32
    %dma_start3A_130 = arith.constant 0 : i32
    %dma_start3A_131 = tpu.memref_slice %arg15[%dma_start3A_129, %dma_start3A_130] : memref<10000x32xf32, #tpu.memory_space<vmem_shared>> -> memref<10000x32xf32, #tpu.memory_space<vmem_shared>>
    tpu.enqueue_indirect_dma source(%arg13 : memref<80x32xf32, #tpu.memory_space<vmem>>) target(%dma_start3A_131 : memref<10000x32xf32, #tpu.memory_space<vmem_shared>>) offsets(%dma_start3A_128 : memref<80xi32, #tpu.memory_space<vmem>>) semaphore(%arg22 : memref<!tpu.dma_semaphore, #tpu.memory_space<semaphore_mem>>) {add = true}
    %dma_wait3A_132 = arith.constant 9520 : i32
    %dma_wait3A_133 = tpu.memref_slice %arg5[%dma_wait3A_132] : memref<10000xi32, #tpu.memory_space<vmem>> -> memref<80xi32, #tpu.memory_space<vmem>>
    %dma_wait3A_134 = arith.constant 0 : i32
    %dma_wait3A_135 = arith.constant 0 : i32
    %dma_wait3A_136 = tpu.memref_slice %arg2[%dma_wait3A_134, %dma_wait3A_135] : memref<10000x32xf32, #tpu.memory_space<hbm>> -> memref<10000x32xf32, #tpu.memory_space<hbm>>
    tpu.wait_indirect_dma semaphore(%arg23 : memref<!tpu.dma_semaphore, #tpu.memory_space<semaphore_mem>>) src(%dma_wait3A_136 : memref<10000x32xf32, #tpu.memory_space<hbm>>) dst(%arg14 : memref<80x32xf32, #tpu.memory_space<vmem>>)
    %dma_start3A_137 = arith.constant 9520 : i32
    %dma_start3A_138 = tpu.memref_slice %arg6[%dma_start3A_137] : memref<10000xi32, #tpu.memory_space<vmem>> -> memref<80xi32, #tpu.memory_space<vmem>>
    %dma_start3A_139 = arith.constant 0 : i32
    %dma_start3A_140 = arith.constant 0 : i32
    %dma_start3A_141 = tpu.memref_slice %arg15[%dma_start3A_139, %dma_start3A_140] : memref<10000x32xf32, #tpu.memory_space<vmem_shared>> -> memref<10000x32xf32, #tpu.memory_space<vmem_shared>>
    tpu.enqueue_indirect_dma source(%arg14 : memref<80x32xf32, #tpu.memory_space<vmem>>) target(%dma_start3A_141 : memref<10000x32xf32, #tpu.memory_space<vmem_shared>>) offsets(%dma_start3A_138 : memref<80xi32, #tpu.memory_space<vmem>>) semaphore(%arg23 : memref<!tpu.dma_semaphore, #tpu.memory_space<semaphore_mem>>) {add = true}
    %dma_wait3A_142 = arith.constant 8960 : i32
    %dma_wait3A_143 = tpu.memref_slice %arg6[%dma_wait3A_142] : memref<10000xi32, #tpu.memory_space<vmem>> -> memref<80xi32, #tpu.memory_space<vmem>>
    %dma_wait3A_144 = arith.constant 0 : i32
    %dma_wait3A_145 = arith.constant 0 : i32
    %dma_wait3A_146 = tpu.memref_slice %arg15[%dma_wait3A_144, %dma_wait3A_145] : memref<10000x32xf32, #tpu.memory_space<vmem_shared>> -> memref<10000x32xf32, #tpu.memory_space<vmem_shared>>
    tpu.wait_indirect_dma semaphore(%arg16 : memref<!tpu.dma_semaphore, #tpu.memory_space<semaphore_mem>>) src(%arg7 : memref<80x32xf32, #tpu.memory_space<vmem>>) dst(%dma_wait3A_146 : memref<10000x32xf32, #tpu.memory_space<vmem_shared>>)
    %dma_start3A_147 = arith.constant 9600 : i32
    %dma_start3A_148 = tpu.memref_slice %arg5[%dma_start3A_147] : memref<10000xi32, #tpu.memory_space<vmem>> -> memref<80xi32, #tpu.memory_space<vmem>>
    %dma_start3A_149 = arith.constant 0 : i32
    %dma_start3A_150 = arith.constant 0 : i32
    %dma_start3A_151 = tpu.memref_slice %arg2[%dma_start3A_149, %dma_start3A_150] : memref<10000x32xf32, #tpu.memory_space<hbm>> -> memref<10000x32xf32, #tpu.memory_space<hbm>>
    tpu.enqueue_indirect_dma source(%dma_start3A_151 : memref<10000x32xf32, #tpu.memory_space<hbm>>) target(%arg7 : memref<80x32xf32, #tpu.memory_space<vmem>>) offsets(%dma_start3A_148 : memref<80xi32, #tpu.memory_space<vmem>>) semaphore(%arg16 : memref<!tpu.dma_semaphore, #tpu.memory_space<semaphore_mem>>)
    %dma_wait3A_152 = arith.constant 9040 : i32
    %dma_wait3A_153 = tpu.memref_slice %arg6[%dma_wait3A_152] : memref<10000xi32, #tpu.memory_space<vmem>> -> memref<80xi32, #tpu.memory_space<vmem>>
    %dma_wait3A_154 = arith.constant 0 : i32
    %dma_wait3A_155 = arith.constant 0 : i32
    %dma_wait3A_156 = tpu.memref_slice %arg15[%dma_wait3A_154, %dma_wait3A_155] : memref<10000x32xf32, #tpu.memory_space<vmem_shared>> -> memref<10000x32xf32, #tpu.memory_space<vmem_shared>>
    tpu.wait_indirect_dma semaphore(%arg17 : memref<!tpu.dma_semaphore, #tpu.memory_space<semaphore_mem>>) src(%arg8 : memref<80x32xf32, #tpu.memory_space<vmem>>) dst(%dma_wait3A_156 : memref<10000x32xf32, #tpu.memory_space<vmem_shared>>)
    %dma_start3A_157 = arith.constant 9680 : i32
    %dma_start3A_158 = tpu.memref_slice %arg5[%dma_start3A_157] : memref<10000xi32, #tpu.memory_space<vmem>> -> memref<80xi32, #tpu.memory_space<vmem>>
    %dma_start3A_159 = arith.constant 0 : i32
    %dma_start3A_160 = arith.constant 0 : i32
    %dma_start3A_161 = tpu.memref_slice %arg2[%dma_start3A_159, %dma_start3A_160] : memref<10000x32xf32, #tpu.memory_space<hbm>> -> memref<10000x32xf32, #tpu.memory_space<hbm>>
    tpu.enqueue_indirect_dma source(%dma_start3A_161 : memref<10000x32xf32, #tpu.memory_space<hbm>>) target(%arg8 : memref<80x32xf32, #tpu.memory_space<vmem>>) offsets(%dma_start3A_158 : memref<80xi32, #tpu.memory_space<vmem>>) semaphore(%arg17 : memref<!tpu.dma_semaphore, #tpu.memory_space<semaphore_mem>>)
    %dma_wait3A_162 = arith.constant 9120 : i32
    %dma_wait3A_163 = tpu.memref_slice %arg6[%dma_wait3A_162] : memref<10000xi32, #tpu.memory_space<vmem>> -> memref<80xi32, #tpu.memory_space<vmem>>
    %dma_wait3A_164 = arith.constant 0 : i32
    %dma_wait3A_165 = arith.constant 0 : i32
    %dma_wait3A_166 = tpu.memref_slice %arg15[%dma_wait3A_164, %dma_wait3A_165] : memref<10000x32xf32, #tpu.memory_space<vmem_shared>> -> memref<10000x32xf32, #tpu.memory_space<vmem_shared>>
    tpu.wait_indirect_dma semaphore(%arg18 : memref<!tpu.dma_semaphore, #tpu.memory_space<semaphore_mem>>) src(%arg9 : memref<80x32xf32, #tpu.memory_space<vmem>>) dst(%dma_wait3A_166 : memref<10000x32xf32, #tpu.memory_space<vmem_shared>>)
    %dma_start3A_167 = arith.constant 9760 : i32
    %dma_start3A_168 = tpu.memref_slice %arg5[%dma_start3A_167] : memref<10000xi32, #tpu.memory_space<vmem>> -> memref<80xi32, #tpu.memory_space<vmem>>
    %dma_start3A_169 = arith.constant 0 : i32
    %dma_start3A_170 = arith.constant 0 : i32
    %dma_start3A_171 = tpu.memref_slice %arg2[%dma_start3A_169, %dma_start3A_170] : memref<10000x32xf32, #tpu.memory_space<hbm>> -> memref<10000x32xf32, #tpu.memory_space<hbm>>
    tpu.enqueue_indirect_dma source(%dma_start3A_171 : memref<10000x32xf32, #tpu.memory_space<hbm>>) target(%arg9 : memref<80x32xf32, #tpu.memory_space<vmem>>) offsets(%dma_start3A_168 : memref<80xi32, #tpu.memory_space<vmem>>) semaphore(%arg18 : memref<!tpu.dma_semaphore, #tpu.memory_space<semaphore_mem>>)
    %dma_wait3A_172 = arith.constant 9200 : i32
    %dma_wait3A_173 = tpu.memref_slice %arg6[%dma_wait3A_172] : memref<10000xi32, #tpu.memory_space<vmem>> -> memref<80xi32, #tpu.memory_space<vmem>>
    %dma_wait3A_174 = arith.constant 0 : i32
    %dma_wait3A_175 = arith.constant 0 : i32
    %dma_wait3A_176 = tpu.memref_slice %arg15[%dma_wait3A_174, %dma_wait3A_175] : memref<10000x32xf32, #tpu.memory_space<vmem_shared>> -> memref<10000x32xf32, #tpu.memory_space<vmem_shared>>
    tpu.wait_indirect_dma semaphore(%arg19 : memref<!tpu.dma_semaphore, #tpu.memory_space<semaphore_mem>>) src(%arg10 : memref<80x32xf32, #tpu.memory_space<vmem>>) dst(%dma_wait3A_176 : memref<10000x32xf32, #tpu.memory_space<vmem_shared>>)
    %dma_start3A_177 = arith.constant 9840 : i32
    %dma_start3A_178 = tpu.memref_slice %arg5[%dma_start3A_177] : memref<10000xi32, #tpu.memory_space<vmem>> -> memref<80xi32, #tpu.memory_space<vmem>>
    %dma_start3A_179 = arith.constant 0 : i32
    %dma_start3A_180 = arith.constant 0 : i32
    %dma_start3A_181 = tpu.memref_slice %arg2[%dma_start3A_179, %dma_start3A_180] : memref<10000x32xf32, #tpu.memory_space<hbm>> -> memref<10000x32xf32, #tpu.memory_space<hbm>>
    tpu.enqueue_indirect_dma source(%dma_start3A_181 : memref<10000x32xf32, #tpu.memory_space<hbm>>) target(%arg10 : memref<80x32xf32, #tpu.memory_space<vmem>>) offsets(%dma_start3A_178 : memref<80xi32, #tpu.memory_space<vmem>>) semaphore(%arg19 : memref<!tpu.dma_semaphore, #tpu.memory_space<semaphore_mem>>)
    %dma_wait3A_182 = arith.constant 9280 : i32
    %dma_wait3A_183 = tpu.memref_slice %arg6[%dma_wait3A_182] : memref<10000xi32, #tpu.memory_space<vmem>> -> memref<80xi32, #tpu.memory_space<vmem>>
    %dma_wait3A_184 = arith.constant 0 : i32
    %dma_wait3A_185 = arith.constant 0 : i32
    %dma_wait3A_186 = tpu.memref_slice %arg15[%dma_wait3A_184, %dma_wait3A_185] : memref<10000x32xf32, #tpu.memory_space<vmem_shared>> -> memref<10000x32xf32, #tpu.memory_space<vmem_shared>>
    tpu.wait_indirect_dma semaphore(%arg20 : memref<!tpu.dma_semaphore, #tpu.memory_space<semaphore_mem>>) src(%arg11 : memref<80x32xf32, #tpu.memory_space<vmem>>) dst(%dma_wait3A_186 : memref<10000x32xf32, #tpu.memory_space<vmem_shared>>)
    %dma_start3A_187 = arith.constant 9920 : i32
    %dma_start3A_188 = tpu.memref_slice %arg5[%dma_start3A_187] : memref<10000xi32, #tpu.memory_space<vmem>> -> memref<80xi32, #tpu.memory_space<vmem>>
    %dma_start3A_189 = arith.constant 0 : i32
    %dma_start3A_190 = arith.constant 0 : i32
    %dma_start3A_191 = tpu.memref_slice %arg2[%dma_start3A_189, %dma_start3A_190] : memref<10000x32xf32, #tpu.memory_space<hbm>> -> memref<10000x32xf32, #tpu.memory_space<hbm>>
    tpu.enqueue_indirect_dma source(%dma_start3A_191 : memref<10000x32xf32, #tpu.memory_space<hbm>>) target(%arg11 : memref<80x32xf32, #tpu.memory_space<vmem>>) offsets(%dma_start3A_188 : memref<80xi32, #tpu.memory_space<vmem>>) semaphore(%arg20 : memref<!tpu.dma_semaphore, #tpu.memory_space<semaphore_mem>>)
    %dma_wait3A_192 = arith.constant 9600 : i32
    %dma_wait3A_193 = tpu.memref_slice %arg5[%dma_wait3A_192] : memref<10000xi32, #tpu.memory_space<vmem>> -> memref<80xi32, #tpu.memory_space<vmem>>
    %dma_wait3A_194 = arith.constant 0 : i32
    %dma_wait3A_195 = arith.constant 0 : i32
    %dma_wait3A_196 = tpu.memref_slice %arg2[%dma_wait3A_194, %dma_wait3A_195] : memref<10000x32xf32, #tpu.memory_space<hbm>> -> memref<10000x32xf32, #tpu.memory_space<hbm>>
    tpu.wait_indirect_dma semaphore(%arg16 : memref<!tpu.dma_semaphore, #tpu.memory_space<semaphore_mem>>) src(%dma_wait3A_196 : memref<10000x32xf32, #tpu.memory_space<hbm>>) dst(%arg7 : memref<80x32xf32, #tpu.memory_space<vmem>>)
    %dma_start3A_197 = arith.constant 9600 : i32
    %dma_start3A_198 = tpu.memref_slice %arg6[%dma_start3A_197] : memref<10000xi32, #tpu.memory_space<vmem>> -> memref<80xi32, #tpu.memory_space<vmem>>
    %dma_start3A_199 = arith.constant 0 : i32
    %dma_start3A_200 = arith.constant 0 : i32
    %dma_start3A_201 = tpu.memref_slice %arg15[%dma_start3A_199, %dma_start3A_200] : memref<10000x32xf32, #tpu.memory_space<vmem_shared>> -> memref<10000x32xf32, #tpu.memory_space<vmem_shared>>
    tpu.enqueue_indirect_dma source(%arg7 : memref<80x32xf32, #tpu.memory_space<vmem>>) target(%dma_start3A_201 : memref<10000x32xf32, #tpu.memory_space<vmem_shared>>) offsets(%dma_start3A_198 : memref<80xi32, #tpu.memory_space<vmem>>) semaphore(%arg16 : memref<!tpu.dma_semaphore, #tpu.memory_space<semaphore_mem>>) {add = true}
    %dma_wait3A_202 = arith.constant 9680 : i32
    %dma_wait3A_203 = tpu.memref_slice %arg5[%dma_wait3A_202] : memref<10000xi32, #tpu.memory_space<vmem>> -> memref<80xi32, #tpu.memory_space<vmem>>
    %dma_wait3A_204 = arith.constant 0 : i32
    %dma_wait3A_205 = arith.constant 0 : i32
    %dma_wait3A_206 = tpu.memref_slice %arg2[%dma_wait3A_204, %dma_wait3A_205] : memref<10000x32xf32, #tpu.memory_space<hbm>> -> memref<10000x32xf32, #tpu.memory_space<hbm>>
    tpu.wait_indirect_dma semaphore(%arg17 : memref<!tpu.dma_semaphore, #tpu.memory_space<semaphore_mem>>) src(%dma_wait3A_206 : memref<10000x32xf32, #tpu.memory_space<hbm>>) dst(%arg8 : memref<80x32xf32, #tpu.memory_space<vmem>>)
    %dma_start3A_207 = arith.constant 9680 : i32
    %dma_start3A_208 = tpu.memref_slice %arg6[%dma_start3A_207] : memref<10000xi32, #tpu.memory_space<vmem>> -> memref<80xi32, #tpu.memory_space<vmem>>
    %dma_start3A_209 = arith.constant 0 : i32
    %dma_start3A_210 = arith.constant 0 : i32
    %dma_start3A_211 = tpu.memref_slice %arg15[%dma_start3A_209, %dma_start3A_210] : memref<10000x32xf32, #tpu.memory_space<vmem_shared>> -> memref<10000x32xf32, #tpu.memory_space<vmem_shared>>
    tpu.enqueue_indirect_dma source(%arg8 : memref<80x32xf32, #tpu.memory_space<vmem>>) target(%dma_start3A_211 : memref<10000x32xf32, #tpu.memory_space<vmem_shared>>) offsets(%dma_start3A_208 : memref<80xi32, #tpu.memory_space<vmem>>) semaphore(%arg17 : memref<!tpu.dma_semaphore, #tpu.memory_space<semaphore_mem>>) {add = true}
    %dma_wait3A_212 = arith.constant 9760 : i32
    %dma_wait3A_213 = tpu.memref_slice %arg5[%dma_wait3A_212] : memref<10000xi32, #tpu.memory_space<vmem>> -> memref<80xi32, #tpu.memory_space<vmem>>
    %dma_wait3A_214 = arith.constant 0 : i32
    %dma_wait3A_215 = arith.constant 0 : i32
    %dma_wait3A_216 = tpu.memref_slice %arg2[%dma_wait3A_214, %dma_wait3A_215] : memref<10000x32xf32, #tpu.memory_space<hbm>> -> memref<10000x32xf32, #tpu.memory_space<hbm>>
    tpu.wait_indirect_dma semaphore(%arg18 : memref<!tpu.dma_semaphore, #tpu.memory_space<semaphore_mem>>) src(%dma_wait3A_216 : memref<10000x32xf32, #tpu.memory_space<hbm>>) dst(%arg9 : memref<80x32xf32, #tpu.memory_space<vmem>>)
    %dma_start3A_217 = arith.constant 9760 : i32
    %dma_start3A_218 = tpu.memref_slice %arg6[%dma_start3A_217] : memref<10000xi32, #tpu.memory_space<vmem>> -> memref<80xi32, #tpu.memory_space<vmem>>
    %dma_start3A_219 = arith.constant 0 : i32
    %dma_start3A_220 = arith.constant 0 : i32
    %dma_start3A_221 = tpu.memref_slice %arg15[%dma_start3A_219, %dma_start3A_220] : memref<10000x32xf32, #tpu.memory_space<vmem_shared>> -> memref<10000x32xf32, #tpu.memory_space<vmem_shared>>
    tpu.enqueue_indirect_dma source(%arg9 : memref<80x32xf32, #tpu.memory_space<vmem>>) target(%dma_start3A_221 : memref<10000x32xf32, #tpu.memory_space<vmem_shared>>) offsets(%dma_start3A_218 : memref<80xi32, #tpu.memory_space<vmem>>) semaphore(%arg18 : memref<!tpu.dma_semaphore, #tpu.memory_space<semaphore_mem>>) {add = true}
    %dma_wait3A_222 = arith.constant 9840 : i32
    %dma_wait3A_223 = tpu.memref_slice %arg5[%dma_wait3A_222] : memref<10000xi32, #tpu.memory_space<vmem>> -> memref<80xi32, #tpu.memory_space<vmem>>
    %dma_wait3A_224 = arith.constant 0 : i32
    %dma_wait3A_225 = arith.constant 0 : i32
    %dma_wait3A_226 = tpu.memref_slice %arg2[%dma_wait3A_224, %dma_wait3A_225] : memref<10000x32xf32, #tpu.memory_space<hbm>> -> memref<10000x32xf32, #tpu.memory_space<hbm>>
    tpu.wait_indirect_dma semaphore(%arg19 : memref<!tpu.dma_semaphore, #tpu.memory_space<semaphore_mem>>) src(%dma_wait3A_226 : memref<10000x32xf32, #tpu.memory_space<hbm>>) dst(%arg10 : memref<80x32xf32, #tpu.memory_space<vmem>>)
    %dma_start3A_227 = arith.constant 9840 : i32
    %dma_start3A_228 = tpu.memref_slice %arg6[%dma_start3A_227] : memref<10000xi32, #tpu.memory_space<vmem>> -> memref<80xi32, #tpu.memory_space<vmem>>
    %dma_start3A_229 = arith.constant 0 : i32
    %dma_start3A_230 = arith.constant 0 : i32
    %dma_start3A_231 = tpu.memref_slice %arg15[%dma_start3A_229, %dma_start3A_230] : memref<10000x32xf32, #tpu.memory_space<vmem_shared>> -> memref<10000x32xf32, #tpu.memory_space<vmem_shared>>
    tpu.enqueue_indirect_dma source(%arg10 : memref<80x32xf32, #tpu.memory_space<vmem>>) target(%dma_start3A_231 : memref<10000x32xf32, #tpu.memory_space<vmem_shared>>) offsets(%dma_start3A_228 : memref<80xi32, #tpu.memory_space<vmem>>) semaphore(%arg19 : memref<!tpu.dma_semaphore, #tpu.memory_space<semaphore_mem>>) {add = true}
    %dma_wait3A_232 = arith.constant 9920 : i32
    %dma_wait3A_233 = tpu.memref_slice %arg5[%dma_wait3A_232] : memref<10000xi32, #tpu.memory_space<vmem>> -> memref<80xi32, #tpu.memory_space<vmem>>
    %dma_wait3A_234 = arith.constant 0 : i32
    %dma_wait3A_235 = arith.constant 0 : i32
    %dma_wait3A_236 = tpu.memref_slice %arg2[%dma_wait3A_234, %dma_wait3A_235] : memref<10000x32xf32, #tpu.memory_space<hbm>> -> memref<10000x32xf32, #tpu.memory_space<hbm>>
    tpu.wait_indirect_dma semaphore(%arg20 : memref<!tpu.dma_semaphore, #tpu.memory_space<semaphore_mem>>) src(%dma_wait3A_236 : memref<10000x32xf32, #tpu.memory_space<hbm>>) dst(%arg11 : memref<80x32xf32, #tpu.memory_space<vmem>>)
    %dma_start3A_237 = arith.constant 9920 : i32
    %dma_start3A_238 = tpu.memref_slice %arg6[%dma_start3A_237] : memref<10000xi32, #tpu.memory_space<vmem>> -> memref<80xi32, #tpu.memory_space<vmem>>
    %dma_start3A_239 = arith.constant 0 : i32
    %dma_start3A_240 = arith.constant 0 : i32
    %dma_start3A_241 = tpu.memref_slice %arg15[%dma_start3A_239, %dma_start3A_240] : memref<10000x32xf32, #tpu.memory_space<vmem_shared>> -> memref<10000x32xf32, #tpu.memory_space<vmem_shared>>
    tpu.enqueue_indirect_dma source(%arg11 : memref<80x32xf32, #tpu.memory_space<vmem>>) target(%dma_start3A_241 : memref<10000x32xf32, #tpu.memory_space<vmem_shared>>) offsets(%dma_start3A_238 : memref<80xi32, #tpu.memory_space<vmem>>) semaphore(%arg20 : memref<!tpu.dma_semaphore, #tpu.memory_space<semaphore_mem>>) {add = true}
    %dma_wait3A_242 = arith.constant 9600 : i32
    %dma_wait3A_243 = tpu.memref_slice %arg6[%dma_wait3A_242] : memref<10000xi32, #tpu.memory_space<vmem>> -> memref<80xi32, #tpu.memory_space<vmem>>
    %dma_wait3A_244 = arith.constant 0 : i32
    %dma_wait3A_245 = arith.constant 0 : i32
    %dma_wait3A_246 = tpu.memref_slice %arg15[%dma_wait3A_244, %dma_wait3A_245] : memref<10000x32xf32, #tpu.memory_space<vmem_shared>> -> memref<10000x32xf32, #tpu.memory_space<vmem_shared>>
    tpu.wait_indirect_dma semaphore(%arg16 : memref<!tpu.dma_semaphore, #tpu.memory_space<semaphore_mem>>) src(%arg7 : memref<80x32xf32, #tpu.memory_space<vmem>>) dst(%dma_wait3A_246 : memref<10000x32xf32, #tpu.memory_space<vmem_shared>>)
    %dma_wait3A_247 = arith.constant 9680 : i32
    %dma_wait3A_248 = tpu.memref_slice %arg6[%dma_wait3A_247] : memref<10000xi32, #tpu.memory_space<vmem>> -> memref<80xi32, #tpu.memory_space<vmem>>
    %dma_wait3A_249 = arith.constant 0 : i32
    %dma_wait3A_250 = arith.constant 0 : i32
    %dma_wait3A_251 = tpu.memref_slice %arg15[%dma_wait3A_249, %dma_wait3A_250] : memref<10000x32xf32, #tpu.memory_space<vmem_shared>> -> memref<10000x32xf32, #tpu.memory_space<vmem_shared>>
    tpu.wait_indirect_dma semaphore(%arg17 : memref<!tpu.dma_semaphore, #tpu.memory_space<semaphore_mem>>) src(%arg8 : memref<80x32xf32, #tpu.memory_space<vmem>>) dst(%dma_wait3A_251 : memref<10000x32xf32, #tpu.memory_space<vmem_shared>>)
    %dma_wait3A_252 = arith.constant 9760 : i32
    %dma_wait3A_253 = tpu.memref_slice %arg6[%dma_wait3A_252] : memref<10000xi32, #tpu.memory_space<vmem>> -> memref<80xi32, #tpu.memory_space<vmem>>
    %dma_wait3A_254 = arith.constant 0 : i32
    %dma_wait3A_255 = arith.constant 0 : i32
    %dma_wait3A_256 = tpu.memref_slice %arg15[%dma_wait3A_254, %dma_wait3A_255] : memref<10000x32xf32, #tpu.memory_space<vmem_shared>> -> memref<10000x32xf32, #tpu.memory_space<vmem_shared>>
    tpu.wait_indirect_dma semaphore(%arg18 : memref<!tpu.dma_semaphore, #tpu.memory_space<semaphore_mem>>) src(%arg9 : memref<80x32xf32, #tpu.memory_space<vmem>>) dst(%dma_wait3A_256 : memref<10000x32xf32, #tpu.memory_space<vmem_shared>>)
    %dma_wait3A_257 = arith.constant 9840 : i32
    %dma_wait3A_258 = tpu.memref_slice %arg6[%dma_wait3A_257] : memref<10000xi32, #tpu.memory_space<vmem>> -> memref<80xi32, #tpu.memory_space<vmem>>
    %dma_wait3A_259 = arith.constant 0 : i32
    %dma_wait3A_260 = arith.constant 0 : i32
    %dma_wait3A_261 = tpu.memref_slice %arg15[%dma_wait3A_259, %dma_wait3A_260] : memref<10000x32xf32, #tpu.memory_space<vmem_shared>> -> memref<10000x32xf32, #tpu.memory_space<vmem_shared>>
    tpu.wait_indirect_dma semaphore(%arg19 : memref<!tpu.dma_semaphore, #tpu.memory_space<semaphore_mem>>) src(%arg10 : memref<80x32xf32, #tpu.memory_space<vmem>>) dst(%dma_wait3A_261 : memref<10000x32xf32, #tpu.memory_space<vmem_shared>>)
    %dma_wait3A_262 = arith.constant 9920 : i32
    %dma_wait3A_263 = tpu.memref_slice %arg6[%dma_wait3A_262] : memref<10000xi32, #tpu.memory_space<vmem>> -> memref<80xi32, #tpu.memory_space<vmem>>
    %dma_wait3A_264 = arith.constant 0 : i32
    %dma_wait3A_265 = arith.constant 0 : i32
    %dma_wait3A_266 = tpu.memref_slice %arg15[%dma_wait3A_264, %dma_wait3A_265] : memref<10000x32xf32, #tpu.memory_space<vmem_shared>> -> memref<10000x32xf32, #tpu.memory_space<vmem_shared>>
    tpu.wait_indirect_dma semaphore(%arg20 : memref<!tpu.dma_semaphore, #tpu.memory_space<semaphore_mem>>) src(%arg11 : memref<80x32xf32, #tpu.memory_space<vmem>>) dst(%dma_wait3A_266 : memref<10000x32xf32, #tpu.memory_space<vmem_shared>>)
    %dma_wait3A_267 = arith.constant 9360 : i32
    %dma_wait3A_268 = tpu.memref_slice %arg6[%dma_wait3A_267] : memref<10000xi32, #tpu.memory_space<vmem>> -> memref<80xi32, #tpu.memory_space<vmem>>
    %dma_wait3A_269 = arith.constant 0 : i32
    %dma_wait3A_270 = arith.constant 0 : i32
    %dma_wait3A_271 = tpu.memref_slice %arg15[%dma_wait3A_269, %dma_wait3A_270] : memref<10000x32xf32, #tpu.memory_space<vmem_shared>> -> memref<10000x32xf32, #tpu.memory_space<vmem_shared>>
    tpu.wait_indirect_dma semaphore(%arg21 : memref<!tpu.dma_semaphore, #tpu.memory_space<semaphore_mem>>) src(%arg12 : memref<80x32xf32, #tpu.memory_space<vmem>>) dst(%dma_wait3A_271 : memref<10000x32xf32, #tpu.memory_space<vmem_shared>>)
    %dma_wait3A_272 = arith.constant 9440 : i32
    %dma_wait3A_273 = tpu.memref_slice %arg6[%dma_wait3A_272] : memref<10000xi32, #tpu.memory_space<vmem>> -> memref<80xi32, #tpu.memory_space<vmem>>
    %dma_wait3A_274 = arith.constant 0 : i32
    %dma_wait3A_275 = arith.constant 0 : i32
    %dma_wait3A_276 = tpu.memref_slice %arg15[%dma_wait3A_274, %dma_wait3A_275] : memref<10000x32xf32, #tpu.memory_space<vmem_shared>> -> memref<10000x32xf32, #tpu.memory_space<vmem_shared>>
    tpu.wait_indirect_dma semaphore(%arg22 : memref<!tpu.dma_semaphore, #tpu.memory_space<semaphore_mem>>) src(%arg13 : memref<80x32xf32, #tpu.memory_space<vmem>>) dst(%dma_wait3A_276 : memref<10000x32xf32, #tpu.memory_space<vmem_shared>>)
    %dma_wait3A_277 = arith.constant 9520 : i32
    %dma_wait3A_278 = tpu.memref_slice %arg6[%dma_wait3A_277] : memref<10000xi32, #tpu.memory_space<vmem>> -> memref<80xi32, #tpu.memory_space<vmem>>
    %dma_wait3A_279 = arith.constant 0 : i32
    %dma_wait3A_280 = arith.constant 0 : i32
    %dma_wait3A_281 = tpu.memref_slice %arg15[%dma_wait3A_279, %dma_wait3A_280] : memref<10000x32xf32, #tpu.memory_space<vmem_shared>> -> memref<10000x32xf32, #tpu.memory_space<vmem_shared>>
    tpu.wait_indirect_dma semaphore(%arg23 : memref<!tpu.dma_semaphore, #tpu.memory_space<semaphore_mem>>) src(%arg14 : memref<80x32xf32, #tpu.memory_space<vmem>>) dst(%dma_wait3A_281 : memref<10000x32xf32, #tpu.memory_space<vmem_shared>>)
    %barrier3A_282 = arith.constant 0 : index
    tpu.barrier barrier_id(%barrier3A_282)
    %mul3A_283 = arith.constant 625 : i32
    %mul3A_284 = arith.muli %arg1, %mul3A_283 : i32
    %mul3A_285 = arith.constant 625 : i32
    %mul3A_286 = arith.muli %arg1, %mul3A_285 : i32
    "tpu.region"() ({
      %run_scoped3A = tpu.sem_alloc : memref<!tpu.dma_semaphore, #tpu.memory_space<semaphore_mem>>
      %dma_start3A_287 = arith.constant 0 : i32
      %dma_start3A_288 = tpu.memref_slice %arg4[%arg0, %mul3A_286, %dma_start3A_287] : memref<2x10000x32xf32, #tpu.memory_space<hbm>> -> memref<1x625x32xf32, #tpu.memory_space<hbm>>
      %dma_start3A_289 = tpu.memref_squeeze %dma_start3A_288 : memref<1x625x32xf32, #tpu.memory_space<hbm>> -> memref<625x32xf32, #tpu.memory_space<hbm>>
      %dma_start3A_290 = arith.constant 0 : i32
      %dma_start3A_291 = tpu.memref_slice %arg15[%mul3A_284, %dma_start3A_290] : memref<10000x32xf32, #tpu.memory_space<vmem_shared>> -> memref<625x32xf32, #tpu.memory_space<vmem_shared>>
      tpu.enqueue_dma source(%dma_start3A_291 : memref<625x32xf32, #tpu.memory_space<vmem_shared>>) target(%dma_start3A_289 : memref<625x32xf32, #tpu.memory_space<hbm>>) target_semaphore(%run_scoped3A : memref<!tpu.dma_semaphore, #tpu.memory_space<semaphore_mem>>)
      %dma_wait3A_292 = arith.constant 0 : i32
      %dma_wait3A_293 = tpu.memref_slice %arg4[%arg0, %mul3A_286, %dma_wait3A_292] : memref<2x10000x32xf32, #tpu.memory_space<hbm>> -> memref<1x625x32xf32, #tpu.memory_space<hbm>>
      %dma_wait3A_294 = tpu.memref_squeeze %dma_wait3A_293 : memref<1x625x32xf32, #tpu.memory_space<hbm>> -> memref<625x32xf32, #tpu.memory_space<hbm>>
      %dma_wait3A_295 = arith.constant 0 : i32
      %dma_wait3A_296 = tpu.memref_slice %arg15[%mul3A_284, %dma_wait3A_295] : memref<10000x32xf32, #tpu.memory_space<vmem_shared>> -> memref<625x32xf32, #tpu.memory_space<vmem_shared>>
      tpu.wait_dma2 semaphore(%run_scoped3A : memref<!tpu.dma_semaphore, #tpu.memory_space<semaphore_mem>>) src(%dma_wait3A_296 : memref<625x32xf32, #tpu.memory_space<vmem_shared>>) dst(%dma_wait3A_294 : memref<625x32xf32, #tpu.memory_space<hbm>>)
      tpu.yield
    }) : () -> ()
    return
  }
}

module attributes {stable_mosaic.version = 14 : i64} {
  func.func @_tc1_body(%arg0: i32, %arg1: memref<1x1xf32, #tpu.memory_space<smem>>, %arg2: memref<2000x128xf32, #tpu.memory_space<vmem>>, %arg3: memref<2x2000x128xf32, #tpu.memory_space<vmem>>, %arg4: memref<128x128xf32, #tpu.memory_space<vmem>>, %arg5: memref<1x128xf32, #tpu.memory_space<vmem>>, %arg6: memref<128x128xf32, #tpu.memory_space<vmem>>, %arg7: memref<1x128xf32, #tpu.memory_space<vmem>>, %arg8: memref<128x32xf32, #tpu.memory_space<vmem>>, %arg9: memref<2000x32xf32, #tpu.memory_space<vmem>>) attributes {dimension_semantics = [#tpu.dimension_semantics<arbitrary>], iteration_bounds = array<i64: 5>, scalar_prefetch = 0 : i64, scratch_operands = 0 : i64, tpu.core_type = #tpu.core_type<tc>, window_params = [{transform_indices = @transform_0, window_bounds = array<i64: 1, 1>}, {transform_indices = @transform_1, window_bounds = array<i64: 2000, 128>}, {transform_indices = @transform_2, window_bounds = array<i64: 2, 2000, 128>}, {pipeline_mode = #tpu.pipeline_mode<synchronous>, transform_indices = @transform_3, window_bounds = array<i64: 128, 128>}, {pipeline_mode = #tpu.pipeline_mode<synchronous>, transform_indices = @transform_4, window_bounds = array<i64: 1, 128>}, {pipeline_mode = #tpu.pipeline_mode<synchronous>, transform_indices = @transform_5, window_bounds = array<i64: 128, 128>}, {pipeline_mode = #tpu.pipeline_mode<synchronous>, transform_indices = @transform_6, window_bounds = array<i64: 1, 128>}, {pipeline_mode = #tpu.pipeline_mode<synchronous>, transform_indices = @transform_7, window_bounds = array<i64: 128, 32>}, {transform_indices = @transform_8, window_bounds = array<i64: 2000, 32>}]} {
    %get3A = arith.constant 0 : index
    %get3A_0 = arith.constant 0 : index
    %get3A_1 = arith.constant 0 : index
    %get3A_2 = vector.load %arg3[%get3A, %get3A_0, %get3A_1] : memref<2x2000x128xf32, #tpu.memory_space<vmem>>, vector<1x2000x128xf32>
    %get3A_3 = vector.shape_cast %get3A_2 : vector<1x2000x128xf32> to vector<2000x128xf32>
    %get3A_4 = arith.constant 1 : index
    %get3A_5 = arith.constant 0 : index
    %get3A_6 = arith.constant 0 : index
    %get3A_7 = vector.load %arg3[%get3A_4, %get3A_5, %get3A_6] : memref<2x2000x128xf32, #tpu.memory_space<vmem>>, vector<1x2000x128xf32>
    %get3A_8 = vector.shape_cast %get3A_7 : vector<1x2000x128xf32> to vector<2000x128xf32>
    %add3A = arith.addf %get3A_3, %get3A_8 : vector<2000x128xf32>
    %get3A_9 = arith.constant 0 : index
    %get3A_10 = arith.constant 0 : index
    %get3A_11 = memref.load %arg1[%get3A_9, %get3A_10] : memref<1x1xf32, #tpu.memory_space<smem>>
    %sub3A = arith.constant 1.000000e+00 : f32
    %sub3A_12 = arith.subf %get3A_11, %sub3A : f32
    %get3A_13 = arith.constant 0 : index
    %get3A_14 = arith.constant 0 : index
    %get3A_15 = vector.load %arg2[%get3A_13, %get3A_14] : memref<2000x128xf32, #tpu.memory_space<vmem>>, vector<2000x128xf32>
    %mul3A = vector.broadcast %sub3A_12 : f32 to vector<2000x128xf32>
    %mul3A_16 = arith.mulf %mul3A, %get3A_15 : vector<2000x128xf32>
    %add3A_17 = arith.addf %add3A, %mul3A_16 : vector<2000x128xf32>
    %get3A_18 = arith.constant 0 : index
    %get3A_19 = arith.constant 0 : index
    %get3A_20 = vector.load %arg4[%get3A_18, %get3A_19] : memref<128x128xf32, #tpu.memory_space<vmem>>, vector<128x128xf32>
    %dot_general3A = arith.constant dense<0.000000e+00> : vector<2000x128xf32>
    %dot_general3A_21 = tpu.matmul %add3A_17, %get3A_20, %dot_general3A {dimension_numbers = #tpu.dot_dimension_numbers<[1], [0], [0], [1], [0, 0, 1, 1], [], []>, precision = #tpu.contract_precision<fp32>, transpose_lhs_hint = false} : vector<2000x128xf32>, vector<128x128xf32>, vector<2000x128xf32> -> vector<2000x128xf32>
    %get3A_22 = arith.constant 0 : index
    %get3A_23 = arith.constant 0 : index
    %get3A_24 = vector.load %arg5[%get3A_22, %get3A_23] : memref<1x128xf32, #tpu.memory_space<vmem>>, vector<1x128xf32>
    %add3A_25 = vector.broadcast %get3A_24 : vector<1x128xf32> to vector<2000x128xf32>
    %add3A_26 = arith.addf %dot_general3A_21, %add3A_25 : vector<2000x128xf32>
    %max3A = arith.constant 0.000000e+00 : f32
    %max3A_27 = vector.broadcast %max3A : f32 to vector<2000x128xf32>
    %max3A_28 = arith.maximumf %add3A_26, %max3A_27 : vector<2000x128xf32>
    %get3A_29 = arith.constant 0 : index
    %get3A_30 = arith.constant 0 : index
    %get3A_31 = vector.load %arg6[%get3A_29, %get3A_30] : memref<128x128xf32, #tpu.memory_space<vmem>>, vector<128x128xf32>
    %dot_general3A_32 = arith.constant dense<0.000000e+00> : vector<2000x128xf32>
    %dot_general3A_33 = tpu.matmul %max3A_28, %get3A_31, %dot_general3A_32 {dimension_numbers = #tpu.dot_dimension_numbers<[1], [0], [0], [1], [0, 0, 1, 1], [], []>, precision = #tpu.contract_precision<fp32>, transpose_lhs_hint = false} : vector<2000x128xf32>, vector<128x128xf32>, vector<2000x128xf32> -> vector<2000x128xf32>
    %get3A_34 = arith.constant 0 : index
    %get3A_35 = arith.constant 0 : index
    %get3A_36 = vector.load %arg7[%get3A_34, %get3A_35] : memref<1x128xf32, #tpu.memory_space<vmem>>, vector<1x128xf32>
    %add3A_37 = vector.broadcast %get3A_36 : vector<1x128xf32> to vector<2000x128xf32>
    %add3A_38 = arith.addf %dot_general3A_33, %add3A_37 : vector<2000x128xf32>
    %max3A_39 = arith.constant 0.000000e+00 : f32
    %max3A_40 = vector.broadcast %max3A_39 : f32 to vector<2000x128xf32>
    %max3A_41 = arith.maximumf %add3A_38, %max3A_40 : vector<2000x128xf32>
    %get3A_42 = arith.constant 0 : index
    %get3A_43 = arith.constant 0 : index
    %get3A_44 = vector.load %arg8[%get3A_42, %get3A_43] : memref<128x32xf32, #tpu.memory_space<vmem>>, vector<128x32xf32>
    %dot_general3A_45 = arith.constant dense<0.000000e+00> : vector<2000x32xf32>
    %dot_general3A_46 = tpu.matmul %max3A_41, %get3A_44, %dot_general3A_45 {dimension_numbers = #tpu.dot_dimension_numbers<[1], [0], [0], [1], [0, 0, 1, 1], [], []>, precision = #tpu.contract_precision<fp32>, transpose_lhs_hint = false} : vector<2000x128xf32>, vector<128x32xf32>, vector<2000x32xf32> -> vector<2000x32xf32>
    %swap3A = arith.constant 0 : index
    %swap3A_47 = arith.constant 0 : index
    %swap3A_48 = vector.load %arg9[%swap3A, %swap3A_47] : memref<2000x32xf32, #tpu.memory_space<vmem>>, vector<2000x32xf32>
    tpu.vector_store %arg9[%swap3A, %swap3A_47], %dot_general3A_46 {strides = array<i32>} : memref<2000x32xf32, #tpu.memory_space<vmem>>, vector<2000x32xf32>,
    return
  }
  func.func @transform_0(%arg0: i32) -> (i32, i32) {
    %c0_i32 = arith.constant 0 : i32
    %c0_i32_0 = arith.constant 0 : i32
    %c0_i32_1 = arith.constant 0 : i32
    return %c0_i32, %c0_i32_0 : i32, i32
  }
  func.func @transform_1(%arg0: i32) -> (i32, i32) {
    %c0_i32 = arith.constant 0 : i32
    %c0_i32_0 = arith.constant 0 : i32
    return %arg0, %c0_i32 : i32, i32
  }
  func.func @transform_2(%arg0: i32) -> (i32, i32, i32) {
    %c0_i32 = arith.constant 0 : i32
    %c0_i32_0 = arith.constant 0 : i32
    %c0_i32_1 = arith.constant 0 : i32
    return %c0_i32, %arg0, %c0_i32_0 : i32, i32, i32
  }
  func.func @transform_3(%arg0: i32) -> (i32, i32) {
    %c0_i32 = arith.constant 0 : i32
    %c0_i32_0 = arith.constant 0 : i32
    %c0_i32_1 = arith.constant 0 : i32
    return %c0_i32, %c0_i32_0 : i32, i32
  }
  func.func @transform_4(%arg0: i32) -> (i32, i32) {
    %c0_i32 = arith.constant 0 : i32
    %c0_i32_0 = arith.constant 0 : i32
    %c0_i32_1 = arith.constant 0 : i32
    return %c0_i32, %c0_i32_0 : i32, i32
  }
  func.func @transform_5(%arg0: i32) -> (i32, i32) {
    %c0_i32 = arith.constant 0 : i32
    %c0_i32_0 = arith.constant 0 : i32
    %c0_i32_1 = arith.constant 0 : i32
    return %c0_i32, %c0_i32_0 : i32, i32
  }
  func.func @transform_6(%arg0: i32) -> (i32, i32) {
    %c0_i32 = arith.constant 0 : i32
    %c0_i32_0 = arith.constant 0 : i32
    %c0_i32_1 = arith.constant 0 : i32
    return %c0_i32, %c0_i32_0 : i32, i32
  }
  func.func @transform_7(%arg0: i32) -> (i32, i32) {
    %c0_i32 = arith.constant 0 : i32
    %c0_i32_0 = arith.constant 0 : i32
    %c0_i32_1 = arith.constant 0 : i32
    return %c0_i32, %c0_i32_0 : i32, i32
  }
  func.func @transform_8(%arg0: i32) -> (i32, i32) {
    %c0_i32 = arith.constant 0 : i32
    %c0_i32_0 = arith.constant 0 : i32
    return %arg0, %c0_i32 : i32, i32
  }
}

module attributes {stable_mosaic.version = 14 : i64} {
  func.func @_tc2_body(%arg0: i32, %arg1: memref<1x1xf32, #tpu.memory_space<smem>>, %arg2: memref<2500x128xf32, #tpu.memory_space<vmem>>, %arg3: memref<2x2500x128xf32, #tpu.memory_space<vmem>>, %arg4: memref<1x128xf32, #tpu.memory_space<vmem>>, %arg5: memref<128x128xf32, #tpu.memory_space<vmem>>, %arg6: memref<1x128xf32, #tpu.memory_space<vmem>>, %arg7: memref<128x16xf32, #tpu.memory_space<vmem>>, %arg8: memref<1x16xf32, #tpu.memory_space<vmem>>, %arg9: memref<2500x16xf32, #tpu.memory_space<vmem>>) attributes {dimension_semantics = [#tpu.dimension_semantics<arbitrary>], iteration_bounds = array<i64: 1>, scalar_prefetch = 0 : i64, scratch_operands = 0 : i64, tpu.core_type = #tpu.core_type<tc>, window_params = [{transform_indices = @transform_0, window_bounds = array<i64: 1, 1>}, {pipeline_mode = #tpu.pipeline_mode<synchronous>, transform_indices = @transform_1, window_bounds = array<i64: 2500, 128>}, {pipeline_mode = #tpu.pipeline_mode<synchronous>, transform_indices = @transform_2, window_bounds = array<i64: 2, 2500, 128>}, {pipeline_mode = #tpu.pipeline_mode<synchronous>, transform_indices = @transform_3, window_bounds = array<i64: 1, 128>}, {pipeline_mode = #tpu.pipeline_mode<synchronous>, transform_indices = @transform_4, window_bounds = array<i64: 128, 128>}, {pipeline_mode = #tpu.pipeline_mode<synchronous>, transform_indices = @transform_5, window_bounds = array<i64: 1, 128>}, {pipeline_mode = #tpu.pipeline_mode<synchronous>, transform_indices = @transform_6, window_bounds = array<i64: 128, 16>}, {pipeline_mode = #tpu.pipeline_mode<synchronous>, transform_indices = @transform_7, window_bounds = array<i64: 1, 16>}, {pipeline_mode = #tpu.pipeline_mode<synchronous>, transform_indices = @transform_8, window_bounds = array<i64: 2500, 16>}]} {
    %get3A = arith.constant 0 : index
    %get3A_0 = arith.constant 0 : index
    %get3A_1 = arith.constant 0 : index
    %get3A_2 = vector.load %arg3[%get3A, %get3A_0, %get3A_1] : memref<2x2500x128xf32, #tpu.memory_space<vmem>>, vector<1x2500x128xf32>
    %get3A_3 = vector.shape_cast %get3A_2 : vector<1x2500x128xf32> to vector<2500x128xf32>
    %get3A_4 = arith.constant 1 : index
    %get3A_5 = arith.constant 0 : index
    %get3A_6 = arith.constant 0 : index
    %get3A_7 = vector.load %arg3[%get3A_4, %get3A_5, %get3A_6] : memref<2x2500x128xf32, #tpu.memory_space<vmem>>, vector<1x2500x128xf32>
    %get3A_8 = vector.shape_cast %get3A_7 : vector<1x2500x128xf32> to vector<2500x128xf32>
    %add3A = arith.addf %get3A_3, %get3A_8 : vector<2500x128xf32>
    %get3A_9 = arith.constant 0 : index
    %get3A_10 = arith.constant 0 : index
    %get3A_11 = memref.load %arg1[%get3A_9, %get3A_10] : memref<1x1xf32, #tpu.memory_space<smem>>
    %sub3A = arith.constant 1.000000e+00 : f32
    %sub3A_12 = arith.subf %get3A_11, %sub3A : f32
    %get3A_13 = arith.constant 0 : index
    %get3A_14 = arith.constant 0 : index
    %get3A_15 = vector.load %arg2[%get3A_13, %get3A_14] : memref<2500x128xf32, #tpu.memory_space<vmem>>, vector<2500x128xf32>
    %mul3A = vector.broadcast %sub3A_12 : f32 to vector<2500x128xf32>
    %mul3A_16 = arith.mulf %mul3A, %get3A_15 : vector<2500x128xf32>
    %add3A_17 = arith.addf %add3A, %mul3A_16 : vector<2500x128xf32>
    %get3A_18 = arith.constant 0 : index
    %get3A_19 = arith.constant 0 : index
    %get3A_20 = vector.load %arg4[%get3A_18, %get3A_19] : memref<1x128xf32, #tpu.memory_space<vmem>>, vector<1x128xf32>
    %add3A_21 = vector.broadcast %get3A_20 : vector<1x128xf32> to vector<2500x128xf32>
    %add3A_22 = arith.addf %add3A_17, %add3A_21 : vector<2500x128xf32>
    %max3A = arith.constant 0.000000e+00 : f32
    %max3A_23 = vector.broadcast %max3A : f32 to vector<2500x128xf32>
    %max3A_24 = arith.maximumf %add3A_22, %max3A_23 : vector<2500x128xf32>
    %get3A_25 = arith.constant 0 : index
    %get3A_26 = arith.constant 0 : index
    %get3A_27 = vector.load %arg5[%get3A_25, %get3A_26] : memref<128x128xf32, #tpu.memory_space<vmem>>, vector<128x128xf32>
    %dot_general3A = arith.constant dense<0.000000e+00> : vector<2500x128xf32>
    %dot_general3A_28 = tpu.matmul %max3A_24, %get3A_27, %dot_general3A {dimension_numbers = #tpu.dot_dimension_numbers<[1], [0], [0], [1], [0, 0, 1, 1], [], []>, precision = #tpu.contract_precision<fp32>, transpose_lhs_hint = false} : vector<2500x128xf32>, vector<128x128xf32>, vector<2500x128xf32> -> vector<2500x128xf32>
    %get3A_29 = arith.constant 0 : index
    %get3A_30 = arith.constant 0 : index
    %get3A_31 = vector.load %arg6[%get3A_29, %get3A_30] : memref<1x128xf32, #tpu.memory_space<vmem>>, vector<1x128xf32>
    %add3A_32 = vector.broadcast %get3A_31 : vector<1x128xf32> to vector<2500x128xf32>
    %add3A_33 = arith.addf %dot_general3A_28, %add3A_32 : vector<2500x128xf32>
    %max3A_34 = arith.constant 0.000000e+00 : f32
    %max3A_35 = vector.broadcast %max3A_34 : f32 to vector<2500x128xf32>
    %max3A_36 = arith.maximumf %add3A_33, %max3A_35 : vector<2500x128xf32>
    %get3A_37 = arith.constant 0 : index
    %get3A_38 = arith.constant 0 : index
    %get3A_39 = vector.load %arg7[%get3A_37, %get3A_38] : memref<128x16xf32, #tpu.memory_space<vmem>>, vector<128x16xf32>
    %dot_general3A_40 = arith.constant dense<0.000000e+00> : vector<2500x16xf32>
    %dot_general3A_41 = tpu.matmul %max3A_36, %get3A_39, %dot_general3A_40 {dimension_numbers = #tpu.dot_dimension_numbers<[1], [0], [0], [1], [0, 0, 1, 1], [], []>, precision = #tpu.contract_precision<fp32>, transpose_lhs_hint = false} : vector<2500x128xf32>, vector<128x16xf32>, vector<2500x16xf32> -> vector<2500x16xf32>
    %get3A_42 = arith.constant 0 : index
    %get3A_43 = arith.constant 0 : index
    %get3A_44 = vector.load %arg8[%get3A_42, %get3A_43] : memref<1x16xf32, #tpu.memory_space<vmem>>, vector<1x16xf32>
    %add3A_45 = vector.broadcast %get3A_44 : vector<1x16xf32> to vector<2500x16xf32>
    %add3A_46 = arith.addf %dot_general3A_41, %add3A_45 : vector<2500x16xf32>
    %swap3A = arith.constant 0 : index
    %swap3A_47 = arith.constant 0 : index
    %swap3A_48 = vector.load %arg9[%swap3A, %swap3A_47] : memref<2500x16xf32, #tpu.memory_space<vmem>>, vector<2500x16xf32>
    tpu.vector_store %arg9[%swap3A, %swap3A_47], %add3A_46 {strides = array<i32>} : memref<2500x16xf32, #tpu.memory_space<vmem>>, vector<2500x16xf32>,
    return
  }
  func.func @transform_0(%arg0: i32) -> (i32, i32) {
    %c0_i32 = arith.constant 0 : i32
    %c0_i32_0 = arith.constant 0 : i32
    %c0_i32_1 = arith.constant 0 : i32
    return %c0_i32, %c0_i32_0 : i32, i32
  }
  func.func @transform_1(%arg0: i32) -> (i32, i32) {
    %c0_i32 = arith.constant 0 : i32
    %c0_i32_0 = arith.constant 0 : i32
    %c0_i32_1 = arith.constant 0 : i32
    return %c0_i32, %c0_i32_0 : i32, i32
  }
  func.func @transform_2(%arg0: i32) -> (i32, i32, i32) {
    %c0_i32 = arith.constant 0 : i32
    %c0_i32_0 = arith.constant 0 : i32
    %c0_i32_1 = arith.constant 0 : i32
    %c0_i32_2 = arith.constant 0 : i32
    return %c0_i32, %c0_i32_0, %c0_i32_1 : i32, i32, i32
  }
  func.func @transform_3(%arg0: i32) -> (i32, i32) {
    %c0_i32 = arith.constant 0 : i32
    %c0_i32_0 = arith.constant 0 : i32
    %c0_i32_1 = arith.constant 0 : i32
    return %c0_i32, %c0_i32_0 : i32, i32
  }
  func.func @transform_4(%arg0: i32) -> (i32, i32) {
    %c0_i32 = arith.constant 0 : i32
    %c0_i32_0 = arith.constant 0 : i32
    %c0_i32_1 = arith.constant 0 : i32
    return %c0_i32, %c0_i32_0 : i32, i32
  }
  func.func @transform_5(%arg0: i32) -> (i32, i32) {
    %c0_i32 = arith.constant 0 : i32
    %c0_i32_0 = arith.constant 0 : i32
    %c0_i32_1 = arith.constant 0 : i32
    return %c0_i32, %c0_i32_0 : i32, i32
  }
  func.func @transform_6(%arg0: i32) -> (i32, i32) {
    %c0_i32 = arith.constant 0 : i32
    %c0_i32_0 = arith.constant 0 : i32
    %c0_i32_1 = arith.constant 0 : i32
    return %c0_i32, %c0_i32_0 : i32, i32
  }
  func.func @transform_7(%arg0: i32) -> (i32, i32) {
    %c0_i32 = arith.constant 0 : i32
    %c0_i32_0 = arith.constant 0 : i32
    %c0_i32_1 = arith.constant 0 : i32
    return %c0_i32, %c0_i32_0 : i32, i32
  }
  func.func @transform_8(%arg0: i32) -> (i32, i32) {
    %c0_i32 = arith.constant 0 : i32
    %c0_i32_0 = arith.constant 0 : i32
    %c0_i32_1 = arith.constant 0 : i32
    return %c0_i32, %c0_i32_0 : i32, i32
  }
}

</mosaic_0001>

<sc_bundles>
// kernel: kernel.6.cloned.1.call-start
scs
__scs_entry_jumppad:
0x0: {  	(pc) =	sbr.rel $0x88, $3  }
0x1: {  	(tag) =	ssettag $0x0;
	lr =	simm.s32 $0x1  }
0x2: {  	[smem:$0x3F93] =	sst lr;
	_ =	strace $0xD0000000  }
0x3: {  	_ = 	snop  }
0x4: {  	_ = 	snop  }
0x5: {  	_ = 	snop  }
0x6: {  	_ = 	snop  }
0x7: {  	_ = 	snop  }
__scs_overlays_trampoline_lowered:
0x8: {  	[smem:$0x3FA2] =	sst s0  }
0x9: {  	[smem:$0x3FA3] =	sst s1  }
0xa: {  	[smem:$0x3FA4] =	sst s2  }
0xb: {  	[smem:$0x3FA5] =	sst s3  }
0xc: {  	[smem:$0x3FA6] =	sst s4  }
0xd: {  	[smem:$0x3FA7] =	sst s5  }
0xe: {  	[smem:$0x3FA8] =	sst s6  }
0xf: {  	[smem:$0x3FA9] =	sst s7  }
0x10: {  	[smem:$0x3FAA] =	sst s8  }
0x11: {  	[smem:$0x3FAB] =	sst s9;
	s0 =	simm.s32 @!p0 $0x0  }
0x12: {  	s1 =	sld [smem:$0x3F91];
	s0 =	simm.s32 @p0 $0x1  }
0x13: {  	[smem:$0x3FAC] =	sst s0;
	s0 =	simm.s32 @!p1 $0x0  }
0x14: {  	s2 =	sld [smem:$0x3F90];
	s0 =	simm.s32 @p1 $0x1  }
0x15: {  	[smem:$0x3FAD] =	sst s0;
	s0 =	simm.s32 @!p2 $0x0  }
0x16: {  	s3 =	sld [smem:$0x3FDB];
	s0 =	simm.s32 @p2 $0x1  }
0x17: {  	s4 =	simm.s32 $0x1BF5;
	[smem:$0x3FAF] =	sst s0  }
0x18: {  	s0 =	sld [smem:$0x3F92];
	_ =	swait.ge [sflag:s4], $0x0  }
0x19: {  	s7 =	sld [smem:$0x3F93]  }
0x1a: {  	s8 =	sadd.s32 $0xFFFFE003, lr  }
0x1b: {  	s9 =	sadd.s32 $0xFFFFFEF7, lr;
	s5 =	simm.s32 $0xFFFFFFFF;
	p2 =	slt.u32 s8, $0xFFFFF086  }
0x1c: {  	p1 =	slt.u32 s9, $0xF7A;
	s5 =	simm.s32 @!p2 $0x0  }
0x1d: {  	s5 =	simm.s32 @p1 $0x1;
	p0 =	seq.s32 s7, s2  }
0x1e: {  	s7 =	smul.u32 @!p0 $0xF7A, s2;
	p2 =	seq.s32 @!p0 s5, $0x0  }
0x1f: {  	s9 =	smul.u32 $0xF7A, s1;
	s8 =	simm.s32 @!p0 $0x1BF5;
	p2 =	por !p2, p0  }
0x20: {  	[sflag:s8] =	ssyncset.s32 @!p0 $0xFFFFF086;
	s6 =	sadd.s32 @!p0 s3, s7;
	s7 =	simm.s32 @!p0 $0x108  }
0x21: {  	s3 =	sadd.s32 s3, s9;
	s6 =	sadd.s32 @!p0 $0x88, s6;
	s7 =	simm.s32 @p2 $0x1082  }
0x22: {  	[simem:s7], [sflag:s8] =	dma.local @!p0 [hbm:s6], $0xF7A  }
0x23: {  	s9 =	sor.u32 $0xD0000000, s2;
	s6 =	simm.s32 $0x108;
	_ =	swait.ge @!p0 [sflag:s8], $0x0  }
0x24: {  	s3 =	sadd.s32 $0x88, s3;
	s6 =	simm.s32 @!p1 $0x1082;
	[sflag:s4] =	ssyncset.s32 $0xFFFFF086  }
0x25: {  	[simem:s6], [sflag:s4] =	dma.local [hbm:s3], $0xF7A  }
0x26: {  	[smem:$0x3F93] =	sst s1;
	(tag) =	ssettag s2;
	_ =	strace s9  }
0x27: {  	s1 =	sld [smem:$0x3FA3]  }
0x28: {  	s2 =	sld [smem:$0x3FA4]  }
0x29: {  	s4 =	sld [smem:$0x3FA6]  }
0x2a: {  	p0 =	seq.s32 s5, $0x0;
	s5 =	sld [smem:$0x3FA7]  }
0x2b: {  	s6 =	sld [smem:$0x3FA8]  }
0x2c: {  	s7 =	sld [smem:$0x3FA9]  }
0x2d: {  	s3 =	simm.s32 $0x108;
	s8 =	sld [smem:$0x3FAA]  }
0x2e: {  	s3 =	simm.s32 @!p0 $0x1082;
	s9 =	sld [smem:$0x3FAB]  }
0x2f: {  	lr =	sadd.s32 s0, s3;
	s0 =	sld [smem:$0x3FA2]  }
0x30: {  	s3 =	sld [smem:$0x3FA5]  }
0x31: {  	[smem:$0x3FAE] =	sst s10  }
0x32: {  	s10 =	sld [smem:$0x3FAC];
	_ =	sdelay $0x3  }
0x33: {  	p0 =	seq.s32 s10, $0x1;
	s10 =	sld [smem:$0x3FAE];
	_ =	sdelay $0x3  }
0x34: {  	[smem:$0x3FAE] =	sst s10  }
0x35: {  	s10 =	sld [smem:$0x3FAD];
	_ =	sdelay $0x3  }
0x36: {  	p1 =	seq.s32 s10, $0x1;
	s10 =	sld [smem:$0x3FAE];
	_ =	sdelay $0x3  }
0x37: {  	[smem:$0x3FAE] =	sst s10  }
0x38: {  	s10 =	sld [smem:$0x3FAF]  }
0x39: {  	_ = 	snop;
	(pc) =	sbr.ind lr, $3  }
0x3a: {  	_ = 	snop  }
0x3b: {  	_ = 	snop  }
0x3c: {  	p2 =	seq.s32 s10, $0x1;
	s10 =	sld [smem:$0x3FAE]  }
0x3d: {  	_ =	shalt  }
0x3e: {  	_ =	shalt  }
0x3f: {  	_ =	shalt  }
0x40: {  	_ =	shalt  }
0x41: {  	_ =	shalt  }
0x42: {  	_ =	shalt  }
0x43: {  	_ =	shalt  }
0x44: {  	_ =	shalt  }
0x45: {  	_ =	shalt  }
0x46: {  	_ =	shalt  }
0x47: {  	_ =	shalt  }
0x48: {  	_ =	shalt  }
0x49: {  	_ =	shalt  }
0x4a: {  	_ =	shalt  }
0x4b: {  	_ =	shalt  }
0x4c: {  	_ =	shalt  }
0x4d: {  	_ =	shalt  }
0x4e: {  	_ =	shalt  }
0x4f: {  	_ =	shalt  }
0x50: {  	_ =	shalt  }
0x51: {  	_ =	shalt  }
0x52: {  	_ =	shalt  }
0x53: {  	_ =	shalt  }
0x54: {  	_ =	shalt  }
0x55: {  	_ =	shalt  }
0x56: {  	_ =	shalt  }
0x57: {  	_ =	shalt  }
0x58: {  	_ =	shalt  }
0x59: {  	_ =	shalt  }
0x5a: {  	_ =	shalt  }
0x5b: {  	_ =	shalt  }
0x5c: {  	_ =	shalt  }
0x5d: {  	_ =	shalt  }
0x5e: {  	_ =	shalt  }
0x5f: {  	_ =	shalt  }
0x60: {  	_ =	shalt  }
0x61: {  	_ =	shalt  }
0x62: {  	_ =	shalt  }
0x63: {  	_ =	shalt  }
0x64: {  	_ =	shalt  }
0x65: {  	_ =	shalt  }
0x66: {  	_ =	shalt  }
0x67: {  	_ =	shalt  }
0x68: {  	_ =	shalt  }
0x69: {  	_ =	shalt  }
0x6a: {  	_ =	shalt  }
0x6b: {  	_ =	shalt  }
0x6c: {  	_ =	shalt  }
0x6d: {  	_ =	shalt  }
0x6e: {  	_ =	shalt  }
0x6f: {  	_ =	shalt  }
0x70: {  	_ =	shalt  }
0x71: {  	_ =	shalt  }
0x72: {  	_ =	shalt  }
0x73: {  	_ =	shalt  }
0x74: {  	_ =	shalt  }
0x75: {  	_ =	shalt  }
0x76: {  	_ =	shalt  }
0x77: {  	_ =	shalt  }
0x78: {  	_ =	shalt  }
0x79: {  	_ =	shalt  }
0x7a: {  	_ =	shalt  }
0x7b: {  	_ =	shalt  }
0x7c: {  	_ =	shalt  }
0x7d: {  	_ =	shalt  }
0x7e: {  	_ =	shalt  }
0x7f: {  	_ =	shalt  }
0x80: {  	_ =	shalt  }
0x81: {  	_ =	shalt  }
0x82: {  	_ =	shalt  }
0x83: {  	_ =	shalt  }
0x84: {  	_ =	shalt  }
0x85: {  	_ =	shalt  }
0x86: {  	_ =	shalt  }
0x87: {  	_ =	shalt  }
.Lfunc_end0:
.L_simem_size_0:
called_computation_lowered:
.L_overlay_start_0:
0x88: {  	s2 =	sld [smem:$0x3FD9]  }
0x89: {  	s3 =	sld [smem:$0x3FFE];
	_ =	sdelay $0x1  }
0x8a: {  	s1 =	srdreg.scid  }
0x8b: {  	s0 =	sand.u32 $0x1, s1  }
0x8c: {  	s17 =	sshll.u32 s0, $0xA;
	s2 =	sadd.s32 s3, s2  }
0x8d: {  	s2 =	sadd.s32 s2, s17  }
0x8e: {  	[smem:$0x3FBA] =	sst s2  }
0x8f: {  	_ = 	snop  }
0x90: {  	s2 =	sld [smem:$0x3FC9];
	(tm) =	ssettm $0x1  }
0x91: {  	s18 =	sld [smem:$0x3FFB];
	_ =	sdelay $0x3  }
0x92: {  	_ =	strace s18  }
0x93: {  	s3 =	sld [smem:$0x3FFC];
	_ =	sdelay $0x3  }
0x94: {  	_ =	strace s3  }
0x95: {  	s3 =	sld [smem:$0x3FFD];
	_ =	sdelay $0x3  }
0x96: {  	_ =	strace s3  }
0x97: {  	_ =	strace $0x8FFFFFFF  }
0x98: {  	s19 =	sld [smem:$0x3FDB];
	_ =	sdelay $0x1  }
0x99: {  	s4 =	simm.s32 $_scs_section_size  }
0x9a: {  	s5 =	simm.s32 $_size__tile_overlayer_lowered;
	s6 =	simm.s32 $_tile_overlayer_lowered  }
0x9b: {  	s22 =	simm.s32 $0x1BFF;
	s21 =	sshll.u32 s6, $0x1;
	s3 =	sadd.s32 s4, s19  }
0x9c: {  	s7 =	simm.s32 $0x0;
	s20 =	sshll.u32 s5, $0x1;
	s5 =	sadd.s32 s21, s3  }
0x9d: {  	[timem:s7], [sflag:s22] =	dma.local [hbm:s5], s20  }
0x9e: {  	_ =	swait.ge [sflag:s22], s20  }
0x9f: {  	s4 =	ssub.s32 $0x0, s20;
	[sflag:s22] =	ssyncset.done $0x0  }
0xa0: {  	[sflag:s22] =	ssyncadd.s32 s4;
	_ =	sdelay $0x1  }
0xa1: {  	s23 =	simm.s32 $0x1B8B  }
0xa2: {  	_ =	swait.ge [sflag:s23], $0x1  }
0xa3: {  	[sflag:s23] =	ssyncset.done $0x0  }
0xa4: {  	s25 =	simm.s32 $0x1B8E;
	s24 =	sld [smem:$0x3FFE];
	[sflag:s23] =	ssyncadd.s32 $0xFFFFFFFF  }
0xa5: {  	s26 =	simm.s32 $execute0_lowered;
	[smem:$0x3FD2] =	sst s25  }
0xa6: {  	s5 =	sshll.u32 s26, $0x1;
	_ =	strace $0x80000046;
	[dreg:$0x1] =	wrdreg $0xFFFFFFFF  }
0xa7: {  	s28 =	simm.s32 $_size_execute0_lowered;
	s3 =	sadd.s32 s3, s5;
	[dreg:$0x0] =	wrdreg $0x0  }
0xa8: {  	s5 =	sshll.u32 s28, $0x1;
	[dreg:$0x2] =	wrdreg s3  }
0xa9: {  	[dreg:$0x3] =	wrdreg s5  }
0xaa: {  	[dreg:$0x4] =	wrdreg $0xC0  }
0xab: {  	_ =	task [dreg:s7], $0x5FFFF  }
0xac: {  	[dreg:$0x1] =	wrdreg $0xFFFFFFFF  }
0xad: {  	[dreg:$0x0] =	wrdreg $0x60  }
0xae: {  	[dreg:$0x2] =	wrdreg s2  }
0xaf: {  	[dreg:$0x3] =	wrdreg s24  }
0xb0: {  	[dreg:$0x4] =	wrdreg $0xC6200  }
0xb1: {  	[dreg:$0x5] =	wrdreg $0x9  }
0xb2: {  	_ =	task.clear_ibuf [dreg:s7], $0x6FFFF;
	_ =	strace $0x90000046  }
0xb3: {  	s29 =	simm.s32 $0x9;
	_ =	strace $0x80000048  }
0xb4: {  	_ =	swait.ge [sflag:s29], $0x1  }
0xb5: {  	[sflag:s29] =	ssyncadd.s32 $0xFFFFFFFF  }
0xb6: {  	_ =	strace $0x90000048  }
0xb7: {  	_ =	sfence  }
0xb8: {  	s30 =	sld [smem:$0x0];
	_ =	sdelay $0x2  }
0xb9: {  	s31 =	sshll.u32 s1, $0xD;
	s1 =	sshrl.u32 s1, $0x2  }
0xba: {  	s3 =	sand.u32 $0x4000, s31;
	s1 =	sadd.s32 s1, s30  }
0xbb: {  	s0 =	sor.u32 s3, s0;
	s1 =	sshll.u32 s1, $0x11  }
0xbc: {  	s0 =	sor.u32 s1, s0  }
0xbd: {  	s0 =	sadd.s32 $0x8F2B, s0  }
0xbe: {  	[sflag:s0] =	ssyncadd.remote.s32 $0x1  }
0xbf: {  	_ =	sfence.sel $0xFFFF  }
0xc0: {  	[dreg:$0x0] =	wrdreg $0xFFFFFFFF;
	(pc) =	sbr.abs _section_cstart, $3  }
0xc1: {  	[dreg:$0x1] =	wrdreg $0xFFFFFFFF  }
0xc2: {  	_ =	task.clear_ibuf [dreg:s7], $0x2FFFF;
	_ =	strace $0x9FFFFFFF  }
0xc3: {  	(tm) =	ssettm $0x7FFFFFFF  }
tec
execute0_lowered:
.L_overlay_start_1:
0x0: {  	(tag) =	ssettag $0x1  }
0x1: {  	s1 =	rddreg [dreg:$0x0]  }
0x2: {  	s0 =	rddreg [dreg:$0x1]  }
0x3: {  	s3 =	rddreg [dreg:$0x2]  }
0x4: {  	s2 =	srdreg.scid;
	s10 =	stileid.u32  }
0x5: {  	s4 =	simm.s32 $0x0;
	s13 =	simm.s32 $0x8;
	s14 =	simm.s32 $0x7  }
0x6: {  	s15 =	simm.s32 $0x28;
	s16 =	simm.s32 $0x4E20;
	s17 =	simm.s32 $0x6220  }
0x7: {  	s19 =	simm.s32 $0x7620;
	s21 =	simm.s32 $0x8A20;
	s23 =	simm.s32 $0x9E20  }
0x8: {  	s28 =	simm.s32 $0x2;
	s29 =	simm.s32 $0x3;
	s30 =	simm.s32 $0x4  }
0x9: {  	s31 =	simm.s32 $0x5;
	s18 =	simm.s32 $0x0;
	s2 =	sand.u32 $0x1, s2  }
0xa: {  	s5 =	sshll.u32 s10, $0x1;
	s7 =	smul.u32 $0x13880, s10;
	[smem:$0x7FF] =	sst s4  }
0xb: {  	s26 =	sshll.u32 s10, $0x6;
	s5 =	sor.u32 s2, s5;
	s6 =	smul.u32 $0x138800, s2  }
0xc: {  	_ =	strace $0x80000047;
	s2 =	ssub.s32 $0x2, s2;
	s5 =	smul.u32 $0x2710, s5  }
0xd: {  	s8 =	sshrl.u32 s2, $0x1;
	s25 =	sshrl.u32 s7, $0x3;
	s11 =	sadd.s32 s7, s3  }
0xe: {  	s6 =	sadd.s32 s7, s6;
	s2 =	ssub.s32 s2, s8;
	s7 =	sadd.s32 s1, s25  }
0xf: {  	s8 =	sor.u32 $0x1C08, s26;
	s12 =	sshrl.u32 s11, $0x3;
	s25 =	simm.s32 $0xB220  }
0x10: {  	s26 =	simm.s32 $0x1;
	s11 =	simm.s32 $0x4DF8;
	s5 =	sshrl.u32 s5, $0x3  }
0x11: {  	s6 =	sshrl.u32 s6, $0x3;
	s10 =	smax.u32 s2, $0x1;
	s9 =	sadd.s32 s5, s0  }
0x12: {  	s2 =	simm.s32 $0x4DD0;
	s0 =	sadd.s32 s6, s0;
	s5 =	sadd.s32 $0x2600, s9  }
0x13: {  	s6 =	sadd.s32 $0xC240, s9;
	s9 =	sadd.s32 $0x16000, s0;
	s0 =	simm.s32 $0x6  }
.LBB2_1:
0x14: {  	[tilespmem:s4], [sflag:$0x7] =	stream.linear.gather [hbm4b:s5+s4], $0x2710, $0x38;
	[tilespmem:$0x1FEA0] =	vst v63  }
0x15: {  	s20 =	simm.s32 $0x2710  }
0x16: {  	[tilespmem:s20], [sflag:$0x7] =	stream.linear.gather [hbm4b:s6+s4], $0x2710, $0x38;
	[tilespmem:$0x1FEA0] =	vst v63  }
0x17: {  	[spmem:s12], [sflag:s8] =	dma.local [hbm:s7], $0x2710  }
0x18: {  	_ =	swait.ge [sflag:s13], $0x2710  }
0x19: {  	[sflag:s13] =	ssyncset.done $0x0  }
0x1a: {  	[sflag:s13] =	ssyncadd.s32 $0xFFFFD8F0  }
0x1b: {  	_ =	swait.ge [sflag:s14], $0x2710  }
0x1c: {  	[sflag:s14] =	ssyncset.done $0x0  }
0x1d: {  	[sflag:s14] =	ssyncadd.s32 $0xFFFFD8F0  }
0x1e: {  	_ =	swait.ge [sflag:s14], $0x2710  }
0x1f: {  	[sflag:s14] =	ssyncset.done $0x0  }
0x20: {  	[sflag:s14] =	ssyncadd.s32 $0xFFFFD8F0  }
0x21: {  	[bflag:$0x0] =	sbarrier.arrive $0xFFFF  }
0x22: {  	[tilespmem:s16], [sflag:$0x1] =	stream.indirect.gather [hbm4b:s1+s15], $0x80, s4, s15, $0xb8;
	[tilespmem:$0x1FEA0] =	vst v63  }
0x23: {  	_ = 	snop  }
0x24: {  	[tilespmem:s17], [sflag:$0x2] =	stream.indirect.gather [hbm4b:s1+s15], $0x80, s15, s15, $0xb8;
	[tilespmem:$0x1FEA0] =	vst v63  }
0x25: {  	s24 =	simm.s32 $0x50  }
0x26: {  	[tilespmem:s19], [sflag:$0x3] =	stream.indirect.gather [hbm4b:s1+s15], $0x80, s24, s15, $0xb8;
	[tilespmem:$0x1FEA0] =	vst v63  }
0x27: {  	s22 =	simm.s32 $0x78  }
0x28: {  	[tilespmem:s21], [sflag:$0x4] =	stream.indirect.gather [hbm4b:s1+s15], $0x80, s22, s15, $0xb8;
	[tilespmem:$0x1FEA0] =	vst v63  }
0x29: {  	s24 =	simm.s32 $0xA0  }
0x2a: {  	[tilespmem:s23], [sflag:$0x5] =	stream.indirect.gather [hbm4b:s1+s15], $0x80, s24, s15, $0xb8;
	[tilespmem:$0x1FEA0] =	vst v63  }
0x2b: {  	s22 =	simm.s32 $0xC8  }
0x2c: {  	[tilespmem:s25], [sflag:$0x6] =	stream.indirect.gather [hbm4b:s1+s15], $0x80, s22, s15, $0xb8;
	[tilespmem:$0x1FEA0] =	vst v63  }
0x2d: {  	_ =	swait.ge [sflag:s26], $0x1400  }
0x2e: {  	[sflag:s26] =	ssyncset.done $0x0  }
0x2f: {  	s24 =	simm.s32 $0x2710;
	[sflag:s26] =	ssyncadd.s32 $0xFFFFEC00  }
0x30: {  	[spmem:s3] =	stream.indirect.scatter.add.f32 [tilespmem:s16], [sflag:$0x1], $0x80, s24, s15, $0xb8;
	[tilespmem:$0x1FEA0] =	vst v63  }
0x31: {  	_ =	swait.ge [sflag:s28], $0x1400  }
0x32: {  	[sflag:s28] =	ssyncset.done $0x0  }
0x33: {  	s22 =	simm.s32 $0x2738;
	[sflag:s28] =	ssyncadd.s32 $0xFFFFEC00  }
0x34: {  	[spmem:s3] =	stream.indirect.scatter.add.f32 [tilespmem:s17], [sflag:$0x2], $0x80, s22, s15, $0xb8;
	[tilespmem:$0x1FEA0] =	vst v63  }
0x35: {  	_ =	swait.ge [sflag:s29], $0x1400  }
0x36: {  	[sflag:s29] =	ssyncset.done $0x0  }
0x37: {  	s24 =	simm.s32 $0x2760;
	[sflag:s29] =	ssyncadd.s32 $0xFFFFEC00  }
0x38: {  	[spmem:s3] =	stream.indirect.scatter.add.f32 [tilespmem:s19], [sflag:$0x3], $0x80, s24, s15, $0xb8;
	[tilespmem:$0x1FEA0] =	vst v63  }
0x39: {  	_ =	swait.ge [sflag:s30], $0x1400  }
0x3a: {  	[sflag:s30] =	ssyncset.done $0x0  }
0x3b: {  	s22 =	simm.s32 $0x2788;
	[sflag:s30] =	ssyncadd.s32 $0xFFFFEC00  }
0x3c: {  	[spmem:s3] =	stream.indirect.scatter.add.f32 [tilespmem:s21], [sflag:$0x4], $0x80, s22, s15, $0xb8;
	[tilespmem:$0x1FEA0] =	vst v63  }
0x3d: {  	_ =	swait.ge [sflag:s31], $0x1400  }
0x3e: {  	[sflag:s31] =	ssyncset.done $0x0  }
0x3f: {  	s24 =	simm.s32 $0x27B0;
	[sflag:s31] =	ssyncadd.s32 $0xFFFFEC00  }
0x40: {  	[spmem:s3] =	stream.indirect.scatter.add.f32 [tilespmem:s23], [sflag:$0x5], $0x80, s24, s15, $0xb8;
	[tilespmem:$0x1FEA0] =	vst v63  }
0x41: {  	_ =	swait.ge [sflag:s0], $0x1400  }
0x42: {  	[sflag:s0] =	ssyncset.done $0x0  }
0x43: {  	s22 =	simm.s32 $0x27D8;
	[sflag:s0] =	ssyncadd.s32 $0xFFFFEC00  }
0x44: {  	[spmem:s3] =	stream.indirect.scatter.add.f32 [tilespmem:s25], [sflag:$0x6], $0x80, s22, s15, $0xb8;
	[tilespmem:$0x1FEA0] =	vst v63  }
0x45: {  	_ =	swait.ge [sflag:s26], $0x1400  }
0x46: {  	[sflag:s26] =	ssyncset.done $0x0  }
0x47: {  	s24 =	simm.s32 $0xF0;
	[sflag:s26] =	ssyncadd.s32 $0xFFFFEC00  }
0x48: {  	[tilespmem:s16], [sflag:$0x1] =	stream.indirect.gather [hbm4b:s1+s15], $0x80, s24, s15, $0xb8;
	[tilespmem:$0x1FEA0] =	vst v63  }
0x49: {  	_ =	swait.ge [sflag:s28], $0x1400  }
0x4a: {  	[sflag:s28] =	ssyncset.done $0x0  }
0x4b: {  	s22 =	simm.s32 $0x118;
	[sflag:s28] =	ssyncadd.s32 $0xFFFFEC00  }
0x4c: {  	[tilespmem:s17], [sflag:$0x2] =	stream.indirect.gather [hbm4b:s1+s15], $0x80, s22, s15, $0xb8;
	[tilespmem:$0x1FEA0] =	vst v63  }
0x4d: {  	_ =	swait.ge [sflag:s29], $0x1400  }
0x4e: {  	[sflag:s29] =	ssyncset.done $0x0  }
0x4f: {  	s24 =	simm.s32 $0x140;
	[sflag:s29] =	ssyncadd.s32 $0xFFFFEC00  }
0x50: {  	[tilespmem:s19], [sflag:$0x3] =	stream.indirect.gather [hbm4b:s1+s15], $0x80, s24, s15, $0xb8;
	[tilespmem:$0x1FEA0] =	vst v63  }
0x51: {  	_ =	swait.ge [sflag:s30], $0x1400  }
0x52: {  	[sflag:s30] =	ssyncset.done $0x0  }
0x53: {  	s22 =	simm.s32 $0x168;
	[sflag:s30] =	ssyncadd.s32 $0xFFFFEC00  }
0x54: {  	[tilespmem:s21], [sflag:$0x4] =	stream.indirect.gather [hbm4b:s1+s15], $0x80, s22, s15, $0xb8;
	[tilespmem:$0x1FEA0] =	vst v63  }
0x55: {  	_ =	swait.ge [sflag:s31], $0x1400  }
0x56: {  	[sflag:s31] =	ssyncset.done $0x0  }
0x57: {  	s24 =	simm.s32 $0x190;
	[sflag:s31] =	ssyncadd.s32 $0xFFFFEC00  }
0x58: {  	[tilespmem:s23], [sflag:$0x5] =	stream.indirect.gather [hbm4b:s1+s15], $0x80, s24, s15, $0xb8;
	[tilespmem:$0x1FEA0] =	vst v63  }
0x59: {  	_ =	swait.ge [sflag:s0], $0x1400  }
0x5a: {  	[sflag:s0] =	ssyncset.done $0x0  }
0x5b: {  	s20 =	simm.s32 $0x3C0;
	s22 =	simm.s32 $0x1B8;
	[sflag:s0] =	ssyncadd.s32 $0xFFFFEC00  }
.LBB2_2:
0x5c: {  	[tilespmem:s25], [sflag:$0x6] =	stream.indirect.gather [hbm4b:s1+s15], $0x80, s22, s15, $0xb8;
	[tilespmem:$0x1FEA0] =	vst v63  }
0x5d: {  	s22 =	smov.u32 s20  }
0x5e: {  	p0 =	sne.s32 s20, $0x9240;
	s20 =	sadd.s32 $0x3C0, s20;
	_ =	swait.ge [sflag:s26], $0x1400  }
0x5f: {  	s22 =	sshra.s32 s22, $0x2;
	[sflag:s26] =	ssyncset.done $0x0  }
0x60: {  	s24 =	sadd.s32 $0x2710, s22;
	[sflag:s26] =	ssyncadd.s32 $0xFFFFEC00  }
0x61: {  	[spmem:s3] =	stream.indirect.scatter.add.f32 [tilespmem:s16], [sflag:$0x1], $0x80, s24, s15, $0xb8;
	[tilespmem:$0x1FEA0] =	vst v63  }
0x62: {  	_ =	swait.ge [sflag:s28], $0x1400  }
0x63: {  	[sflag:s28] =	ssyncset.done $0x0  }
0x64: {  	s24 =	sadd.s32 $0x2738, s22;
	[sflag:s28] =	ssyncadd.s32 $0xFFFFEC00  }
0x65: {  	[spmem:s3] =	stream.indirect.scatter.add.f32 [tilespmem:s17], [sflag:$0x2], $0x80, s24, s15, $0xb8;
	[tilespmem:$0x1FEA0] =	vst v63  }
0x66: {  	_ =	swait.ge [sflag:s29], $0x1400  }
0x67: {  	[sflag:s29] =	ssyncset.done $0x0  }
0x68: {  	s24 =	sadd.s32 $0x2760, s22;
	[sflag:s29] =	ssyncadd.s32 $0xFFFFEC00  }
0x69: {  	[spmem:s3] =	stream.indirect.scatter.add.f32 [tilespmem:s19], [sflag:$0x3], $0x80, s24, s15, $0xb8;
	[tilespmem:$0x1FEA0] =	vst v63  }
0x6a: {  	_ =	swait.ge [sflag:s30], $0x1400  }
0x6b: {  	[sflag:s30] =	ssyncset.done $0x0  }
0x6c: {  	s24 =	sadd.s32 $0x2788, s22;
	[sflag:s30] =	ssyncadd.s32 $0xFFFFEC00  }
0x6d: {  	[spmem:s3] =	stream.indirect.scatter.add.f32 [tilespmem:s21], [sflag:$0x4], $0x80, s24, s15, $0xb8;
	[tilespmem:$0x1FEA0] =	vst v63  }
0x6e: {  	_ =	swait.ge [sflag:s31], $0x1400  }
0x6f: {  	[sflag:s31] =	ssyncset.done $0x0  }
0x70: {  	s24 =	sadd.s32 $0x27B0, s22;
	[sflag:s31] =	ssyncadd.s32 $0xFFFFEC00  }
0x71: {  	[spmem:s3] =	stream.indirect.scatter.add.f32 [tilespmem:s23], [sflag:$0x5], $0x80, s24, s15, $0xb8;
	[tilespmem:$0x1FEA0] =	vst v63  }
0x72: {  	_ =	swait.ge [sflag:s0], $0x1400  }
0x73: {  	[sflag:s0] =	ssyncset.done $0x0  }
0x74: {  	s24 =	sadd.s32 $0x27D8, s22;
	[sflag:s0] =	ssyncadd.s32 $0xFFFFEC00  }
0x75: {  	[spmem:s3] =	stream.indirect.scatter.add.f32 [tilespmem:s25], [sflag:$0x6], $0x80, s24, s15, $0xb8;
	[tilespmem:$0x1FEA0] =	vst v63  }
0x76: {  	_ =	swait.ge [sflag:s26], $0x1400  }
0x77: {  	[sflag:s26] =	ssyncset.done $0x0  }
0x78: {  	s24 =	sadd.s32 $0xF0, s22;
	[sflag:s26] =	ssyncadd.s32 $0xFFFFEC00  }
0x79: {  	[tilespmem:s16], [sflag:$0x1] =	stream.indirect.gather [hbm4b:s1+s15], $0x80, s24, s15, $0xb8;
	[tilespmem:$0x1FEA0] =	vst v63  }
0x7a: {  	_ =	swait.ge [sflag:s28], $0x1400  }
0x7b: {  	[sflag:s28] =	ssyncset.done $0x0  }
0x7c: {  	s24 =	sadd.s32 $0x118, s22;
	[sflag:s28] =	ssyncadd.s32 $0xFFFFEC00  }
0x7d: {  	[tilespmem:s17], [sflag:$0x2] =	stream.indirect.gather [hbm4b:s1+s15], $0x80, s24, s15, $0xb8;
	[tilespmem:$0x1FEA0] =	vst v63  }
0x7e: {  	_ =	swait.ge [sflag:s29], $0x1400  }
0x7f: {  	[sflag:s29] =	ssyncset.done $0x0  }
0x80: {  	s24 =	sadd.s32 $0x140, s22;
	[sflag:s29] =	ssyncadd.s32 $0xFFFFEC00  }
0x81: {  	[tilespmem:s19], [sflag:$0x3] =	stream.indirect.gather [hbm4b:s1+s15], $0x80, s24, s15, $0xb8;
	[tilespmem:$0x1FEA0] =	vst v63  }
0x82: {  	_ =	swait.ge [sflag:s30], $0x1400  }
0x83: {  	[sflag:s30] =	ssyncset.done $0x0  }
0x84: {  	s24 =	sadd.s32 $0x168, s22;
	[sflag:s30] =	ssyncadd.s32 $0xFFFFEC00  }
0x85: {  	[tilespmem:s21], [sflag:$0x4] =	stream.indirect.gather [hbm4b:s1+s15], $0x80, s24, s15, $0xb8;
	[tilespmem:$0x1FEA0] =	vst v63  }
0x86: {  	_ =	swait.ge [sflag:s31], $0x1400  }
0x87: {  	[sflag:s31] =	ssyncset.done $0x0  }
.Ltmp0:
0x88: {  	s24 =	sadd.s32 $0x190, s22;
	[sflag:s31] =	ssyncadd.s32 $0xFFFFEC00;
	(pc) =	sbr.rel @p0 .LBB2_2-.Ltmp0, $4  }
0x89: {  	[tilespmem:s23], [sflag:$0x5] =	stream.indirect.gather [hbm4b:s1+s15], $0x80, s24, s15, $0xb8;
	[tilespmem:$0x1FEA0] =	vst v63  }
0x8a: {  	_ =	swait.ge [sflag:s0], $0x1400  }
0x8b: {  	[sflag:s0] =	ssyncset.done $0x0  }
0x8c: {  	s22 =	sadd.s32 $0x1B8, s22;
	[sflag:s0] =	ssyncadd.s32 $0xFFFFEC00  }
0x8d: {  	[tilespmem:s25], [sflag:$0x6] =	stream.indirect.gather [hbm4b:s1+s15], $0x80, s22, s15, $0xb8;
	[tilespmem:$0x1FEA0] =	vst v63  }
0x8e: {  	_ =	swait.ge [sflag:s26], $0x1400  }
0x8f: {  	[sflag:s26] =	ssyncset.done $0x0  }
0x90: {  	s20 =	simm.s32 $0x4C90;
	[sflag:s26] =	ssyncadd.s32 $0xFFFFEC00  }
0x91: {  	[spmem:s3] =	stream.indirect.scatter.add.f32 [tilespmem:s16], [sflag:$0x1], $0x80, s20, s15, $0xb8;
	[tilespmem:$0x1FEA0] =	vst v63  }
0x92: {  	_ =	swait.ge [sflag:s28], $0x1400  }
0x93: {  	[sflag:s28] =	ssyncset.done $0x0  }
0x94: {  	s24 =	simm.s32 $0x4CB8;
	[sflag:s28] =	ssyncadd.s32 $0xFFFFEC00  }
0x95: {  	[spmem:s3] =	stream.indirect.scatter.add.f32 [tilespmem:s17], [sflag:$0x2], $0x80, s24, s15, $0xb8;
	[tilespmem:$0x1FEA0] =	vst v63  }
0x96: {  	_ =	swait.ge [sflag:s29], $0x1400  }
0x97: {  	[sflag:s29] =	ssyncset.done $0x0  }
0x98: {  	s22 =	simm.s32 $0x4CE0;
	[sflag:s29] =	ssyncadd.s32 $0xFFFFEC00  }
0x99: {  	[spmem:s3] =	stream.indirect.scatter.add.f32 [tilespmem:s19], [sflag:$0x3], $0x80, s22, s15, $0xb8;
	[tilespmem:$0x1FEA0] =	vst v63  }
0x9a: {  	_ =	swait.ge [sflag:s30], $0x1400  }
0x9b: {  	[sflag:s30] =	ssyncset.done $0x0  }
0x9c: {  	s24 =	simm.s32 $0x4D08;
	[sflag:s30] =	ssyncadd.s32 $0xFFFFEC00  }
0x9d: {  	[spmem:s3] =	stream.indirect.scatter.add.f32 [tilespmem:s21], [sflag:$0x4], $0x80, s24, s15, $0xb8;
	[tilespmem:$0x1FEA0] =	vst v63  }
0x9e: {  	_ =	swait.ge [sflag:s31], $0x1400  }
0x9f: {  	[sflag:s31] =	ssyncset.done $0x0  }
0xa0: {  	s22 =	simm.s32 $0x4D30;
	[sflag:s31] =	ssyncadd.s32 $0xFFFFEC00  }
0xa1: {  	[spmem:s3] =	stream.indirect.scatter.add.f32 [tilespmem:s23], [sflag:$0x5], $0x80, s22, s15, $0xb8;
	[tilespmem:$0x1FEA0] =	vst v63  }
0xa2: {  	_ =	swait.ge [sflag:s0], $0x1400  }
0xa3: {  	[sflag:s0] =	ssyncset.done $0x0  }
0xa4: {  	s24 =	simm.s32 $0x4D58;
	[sflag:s0] =	ssyncadd.s32 $0xFFFFEC00  }
0xa5: {  	[spmem:s3] =	stream.indirect.scatter.add.f32 [tilespmem:s25], [sflag:$0x6], $0x80, s24, s15, $0xb8;
	[tilespmem:$0x1FEA0] =	vst v63  }
0xa6: {  	_ =	swait.ge [sflag:s26], $0x1400  }
0xa7: {  	[sflag:s26] =	ssyncset.done $0x0  }
0xa8: {  	s22 =	simm.s32 $0x2670;
	[sflag:s26] =	ssyncadd.s32 $0xFFFFEC00  }
0xa9: {  	[tilespmem:s16], [sflag:$0x1] =	stream.indirect.gather [hbm4b:s1+s15], $0x80, s22, s15, $0xb8;
	[tilespmem:$0x1FEA0] =	vst v63  }
0xaa: {  	_ =	swait.ge [sflag:s28], $0x1400  }
0xab: {  	[sflag:s28] =	ssyncset.done $0x0  }
0xac: {  	s24 =	simm.s32 $0x2698;
	[sflag:s28] =	ssyncadd.s32 $0xFFFFEC00  }
0xad: {  	[tilespmem:s17], [sflag:$0x2] =	stream.indirect.gather [hbm4b:s1+s15], $0x80, s24, s15, $0xb8;
	[tilespmem:$0x1FEA0] =	vst v63  }
0xae: {  	_ =	swait.ge [sflag:s29], $0x1400  }
0xaf: {  	[sflag:s29] =	ssyncset.done $0x0  }
0xb0: {  	s22 =	simm.s32 $0x26C0;
	[sflag:s29] =	ssyncadd.s32 $0xFFFFEC00  }
0xb1: {  	[tilespmem:s19], [sflag:$0x3] =	stream.indirect.gather [hbm4b:s1+s15], $0x80, s22, s15, $0xb8;
	[tilespmem:$0x1FEA0] =	vst v63  }
0xb2: {  	_ =	swait.ge [sflag:s30], $0x1400  }
0xb3: {  	[sflag:s30] =	ssyncset.done $0x0  }
0xb4: {  	s24 =	simm.s32 $0x26E8;
	[sflag:s30] =	ssyncadd.s32 $0xFFFFEC00  }
0xb5: {  	[tilespmem:s21], [sflag:$0x4] =	stream.indirect.gather [hbm4b:s1+s15], $0x80, s24, s15, $0xb8;
	[tilespmem:$0x1FEA0] =	vst v63  }
0xb6: {  	_ =	swait.ge [sflag:s26], $0x1400  }
0xb7: {  	[sflag:s26] =	ssyncset.done $0x0  }
0xb8: {  	s22 =	simm.s32 $0x4D80;
	[sflag:s26] =	ssyncadd.s32 $0xFFFFEC00  }
0xb9: {  	[spmem:s3] =	stream.indirect.scatter.add.f32 [tilespmem:s16], [sflag:$0x1], $0x80, s22, s15, $0xb8;
	[tilespmem:$0x1FEA0] =	vst v63  }
0xba: {  	_ =	swait.ge [sflag:s28], $0x1400  }
0xbb: {  	[sflag:s28] =	ssyncset.done $0x0  }
0xbc: {  	s24 =	simm.s32 $0x4DA8;
	[sflag:s28] =	ssyncadd.s32 $0xFFFFEC00  }
0xbd: {  	[spmem:s3] =	stream.indirect.scatter.add.f32 [tilespmem:s17], [sflag:$0x2], $0x80, s24, s15, $0xb8;
	[tilespmem:$0x1FEA0] =	vst v63  }
0xbe: {  	_ =	swait.ge [sflag:s29], $0x1400  }
0xbf: {  	[sflag:s29] =	ssyncset.done $0x0  }
0xc0: {  	[sflag:s29] =	ssyncadd.s32 $0xFFFFEC00  }
0xc1: {  	[spmem:s3] =	stream.indirect.scatter.add.f32 [tilespmem:s19], [sflag:$0x3], $0x80, s2, s15, $0xb8;
	[tilespmem:$0x1FEA0] =	vst v63  }
0xc2: {  	_ =	swait.ge [sflag:s30], $0x1400  }
0xc3: {  	[sflag:s30] =	ssyncset.done $0x0  }
0xc4: {  	[sflag:s30] =	ssyncadd.s32 $0xFFFFEC00  }
0xc5: {  	[spmem:s3] =	stream.indirect.scatter.add.f32 [tilespmem:s21], [sflag:$0x4], $0x80, s11, s15, $0xb8;
	[tilespmem:$0x1FEA0] =	vst v63  }
0xc6: {  	_ =	swait.ge [sflag:s26], $0x1400  }
0xc7: {  	[sflag:s26] =	ssyncset.done $0x0  }
0xc8: {  	[sflag:s26] =	ssyncadd.s32 $0xFFFFEC00  }
0xc9: {  	_ =	swait.ge [sflag:s28], $0x1400  }
0xca: {  	[sflag:s28] =	ssyncset.done $0x0  }
0xcb: {  	[sflag:s28] =	ssyncadd.s32 $0xFFFFEC00  }
0xcc: {  	_ =	swait.ge [sflag:s29], $0x1400  }
0xcd: {  	[sflag:s29] =	ssyncset.done $0x0  }
0xce: {  	[sflag:s29] =	ssyncadd.s32 $0xFFFFEC00  }
0xcf: {  	_ =	swait.ge [sflag:s30], $0x1400  }
0xd0: {  	[sflag:s30] =	ssyncset.done $0x0  }
0xd1: {  	[sflag:s30] =	ssyncadd.s32 $0xFFFFEC00  }
0xd2: {  	_ =	swait.ge [sflag:s31], $0x1400  }
0xd3: {  	[sflag:s31] =	ssyncset.done $0x0  }
0xd4: {  	[sflag:s31] =	ssyncadd.s32 $0xFFFFEC00  }
0xd5: {  	_ =	swait.ge [sflag:s0], $0x1400  }
0xd6: {  	s18 =	sadd.s32 $0x1, s18;
	[sflag:s0] =	ssyncset.done $0x0  }
0xd7: {  	p0 =	sne.s32 s18, s10;
	[sflag:s0] =	ssyncadd.s32 $0xFFFFEC00  }
.Ltmp1:
0xd8: {  	[bflag:$0x0] =	sbarrier.arrive $0xFFFF;
	(pc) =	sbr.rel @p0 .LBB2_1-.Ltmp1, $4  }
0xd9: {  	[hbm:s9], [sflag:s8] =	dma.local [spmem:s12], $0x2710  }
0xda: {  	_ =	swait.ge [sflag:s13], $0x2710  }
0xdb: {  	[sflag:s13] =	ssyncset.done $0x0  }
0xdc: {  	[sflag:s13] =	ssyncadd.s32 $0xFFFFD8F0  }
0xdd: {  	_ =	sfence.sel $0x180000  }
0xde: {  	[bflag:$0x0] =	sbarrier.arrive $0xFFFF  }
0xdf: {  	_ =	strace $0x90000047  }
0xe0: {  	s0 =	stileid.u32;
	[bflag:$0x2] =	sbarrier.arrive $0xFFFF  }
0xe1: {  	p0 =	sne.s32 s0, $0x0;
	s0 =	rddreg [dreg:$0x3]  }
0xe2: {  	s0 =	sadd.s32 @!p0 $0x100000, s0  }
0xe3: {  	[sflag:s0] =	ssyncadd.tile.s32 @!p0 $0x1;
	_ =	shalt  }
.Lfunc_end2:
_tile_overlayer_lowered:
.L_overlay_start_2:
0xe4: {  	(tag) =	ssettag $0x2  }
0xe5: {  	s0 =	rddreg [dreg:$0x0];
	s2 =	stileid.u32  }
0xe6: {  	s1 =	rddreg [dreg:$0x1];
	p0 =	sne.s32 s2, $0x0  }
0xe7: {  	s3 =	rddreg [dreg:$0x2];
	[bflag:$0x3] =	sbarrier.arrive $0xFFFF;
	s2 =	simm.s32 @!p0 $0x1C08  }
0xe8: {  	[timem:s3], [sflag:s2] =	dma.local @!p0 [hbm:s0], s1  }
0xe9: {  	s0 =	simm.s32 @!p0 $0x8  }
0xea: {  	_ =	swait.ge @!p0 [sflag:s0], s1  }
0xeb: {  	s1 =	ssub.s32 @!p0 $0x0, s1;
	[sflag:s0] =	ssyncset.done @!p0 $0x0  }
0xec: {  	[sflag:s0] =	ssyncadd.s32 @!p0 s1  }
0xed: {  	[bflag:$0x3] =	sbarrier.arrive $0xFFFF  }
0xee: {  	_ =	shalt  }

// kernel: kernel.9.cloned.1.call-start
scs
__scs_entry_jumppad:
0x0: {  	(pc) =	sbr.rel $0x88, $3  }
0x1: {  	(tag) =	ssettag $0x0;
	lr =	simm.s32 $0x1  }
0x2: {  	[smem:$0x3F93] =	sst lr;
	_ =	strace $0xD0000000  }
0x3: {  	_ = 	snop  }
0x4: {  	_ = 	snop  }
0x5: {  	_ = 	snop  }
0x6: {  	_ = 	snop  }
0x7: {  	_ = 	snop  }
__scs_overlays_trampoline_lowered:
0x8: {  	[smem:$0x3FA2] =	sst s0  }
0x9: {  	[smem:$0x3FA3] =	sst s1  }
0xa: {  	[smem:$0x3FA4] =	sst s2  }
0xb: {  	[smem:$0x3FA5] =	sst s3  }
0xc: {  	[smem:$0x3FA6] =	sst s4  }
0xd: {  	[smem:$0x3FA7] =	sst s5  }
0xe: {  	[smem:$0x3FA8] =	sst s6  }
0xf: {  	[smem:$0x3FA9] =	sst s7  }
0x10: {  	[smem:$0x3FAA] =	sst s8  }
0x11: {  	[smem:$0x3FAB] =	sst s9;
	s0 =	simm.s32 @!p0 $0x0  }
0x12: {  	s1 =	sld [smem:$0x3F91];
	s0 =	simm.s32 @p0 $0x1  }
0x13: {  	[smem:$0x3FAC] =	sst s0;
	s0 =	simm.s32 @!p1 $0x0  }
0x14: {  	s2 =	sld [smem:$0x3F90];
	s0 =	simm.s32 @p1 $0x1  }
0x15: {  	[smem:$0x3FAD] =	sst s0;
	s0 =	simm.s32 @!p2 $0x0  }
0x16: {  	s3 =	sld [smem:$0x3FDB];
	s0 =	simm.s32 @p2 $0x1  }
0x17: {  	s4 =	simm.s32 $0x1BF5;
	[smem:$0x3FAF] =	sst s0  }
0x18: {  	s0 =	sld [smem:$0x3F92];
	_ =	swait.ge [sflag:s4], $0x0  }
0x19: {  	s7 =	sld [smem:$0x3F93]  }
0x1a: {  	s8 =	sadd.s32 $0xFFFFE003, lr  }
0x1b: {  	s9 =	sadd.s32 $0xFFFFFEF7, lr;
	s5 =	simm.s32 $0xFFFFFFFF;
	p2 =	slt.u32 s8, $0xFFFFF086  }
0x1c: {  	p1 =	slt.u32 s9, $0xF7A;
	s5 =	simm.s32 @!p2 $0x0  }
0x1d: {  	s5 =	simm.s32 @p1 $0x1;
	p0 =	seq.s32 s7, s2  }
0x1e: {  	s7 =	smul.u32 @!p0 $0xF7A, s2;
	p2 =	seq.s32 @!p0 s5, $0x0  }
0x1f: {  	s9 =	smul.u32 $0xF7A, s1;
	s8 =	simm.s32 @!p0 $0x1BF5;
	p2 =	por !p2, p0  }
0x20: {  	[sflag:s8] =	ssyncset.s32 @!p0 $0xFFFFF086;
	s6 =	sadd.s32 @!p0 s3, s7;
	s7 =	simm.s32 @!p0 $0x108  }
0x21: {  	s3 =	sadd.s32 s3, s9;
	s6 =	sadd.s32 @!p0 $0x88, s6;
	s7 =	simm.s32 @p2 $0x1082  }
0x22: {  	[simem:s7], [sflag:s8] =	dma.local @!p0 [hbm:s6], $0xF7A  }
0x23: {  	s9 =	sor.u32 $0xD0000000, s2;
	s6 =	simm.s32 $0x108;
	_ =	swait.ge @!p0 [sflag:s8], $0x0  }
0x24: {  	s3 =	sadd.s32 $0x88, s3;
	s6 =	simm.s32 @!p1 $0x1082;
	[sflag:s4] =	ssyncset.s32 $0xFFFFF086  }
0x25: {  	[simem:s6], [sflag:s4] =	dma.local [hbm:s3], $0xF7A  }
0x26: {  	[smem:$0x3F93] =	sst s1;
	(tag) =	ssettag s2;
	_ =	strace s9  }
0x27: {  	s1 =	sld [smem:$0x3FA3]  }
0x28: {  	s2 =	sld [smem:$0x3FA4]  }
0x29: {  	s4 =	sld [smem:$0x3FA6]  }
0x2a: {  	p0 =	seq.s32 s5, $0x0;
	s5 =	sld [smem:$0x3FA7]  }
0x2b: {  	s6 =	sld [smem:$0x3FA8]  }
0x2c: {  	s7 =	sld [smem:$0x3FA9]  }
0x2d: {  	s3 =	simm.s32 $0x108;
	s8 =	sld [smem:$0x3FAA]  }
0x2e: {  	s3 =	simm.s32 @!p0 $0x1082;
	s9 =	sld [smem:$0x3FAB]  }
0x2f: {  	lr =	sadd.s32 s0, s3;
	s0 =	sld [smem:$0x3FA2]  }
0x30: {  	s3 =	sld [smem:$0x3FA5]  }
0x31: {  	[smem:$0x3FAE] =	sst s10  }
0x32: {  	s10 =	sld [smem:$0x3FAC];
	_ =	sdelay $0x3  }
0x33: {  	p0 =	seq.s32 s10, $0x1;
	s10 =	sld [smem:$0x3FAE];
	_ =	sdelay $0x3  }
0x34: {  	[smem:$0x3FAE] =	sst s10  }
0x35: {  	s10 =	sld [smem:$0x3FAD];
	_ =	sdelay $0x3  }
0x36: {  	p1 =	seq.s32 s10, $0x1;
	s10 =	sld [smem:$0x3FAE];
	_ =	sdelay $0x3  }
0x37: {  	[smem:$0x3FAE] =	sst s10  }
0x38: {  	s10 =	sld [smem:$0x3FAF]  }
0x39: {  	_ = 	snop;
	(pc) =	sbr.ind lr, $3  }
0x3a: {  	_ = 	snop  }
0x3b: {  	_ = 	snop  }
0x3c: {  	p2 =	seq.s32 s10, $0x1;
	s10 =	sld [smem:$0x3FAE]  }
0x3d: {  	_ =	shalt  }
0x3e: {  	_ =	shalt  }
0x3f: {  	_ =	shalt  }
0x40: {  	_ =	shalt  }
0x41: {  	_ =	shalt  }
0x42: {  	_ =	shalt  }
0x43: {  	_ =	shalt  }
0x44: {  	_ =	shalt  }
0x45: {  	_ =	shalt  }
0x46: {  	_ =	shalt  }
0x47: {  	_ =	shalt  }
0x48: {  	_ =	shalt  }
0x49: {  	_ =	shalt  }
0x4a: {  	_ =	shalt  }
0x4b: {  	_ =	shalt  }
0x4c: {  	_ =	shalt  }
0x4d: {  	_ =	shalt  }
0x4e: {  	_ =	shalt  }
0x4f: {  	_ =	shalt  }
0x50: {  	_ =	shalt  }
0x51: {  	_ =	shalt  }
0x52: {  	_ =	shalt  }
0x53: {  	_ =	shalt  }
0x54: {  	_ =	shalt  }
0x55: {  	_ =	shalt  }
0x56: {  	_ =	shalt  }
0x57: {  	_ =	shalt  }
0x58: {  	_ =	shalt  }
0x59: {  	_ =	shalt  }
0x5a: {  	_ =	shalt  }
0x5b: {  	_ =	shalt  }
0x5c: {  	_ =	shalt  }
0x5d: {  	_ =	shalt  }
0x5e: {  	_ =	shalt  }
0x5f: {  	_ =	shalt  }
0x60: {  	_ =	shalt  }
0x61: {  	_ =	shalt  }
0x62: {  	_ =	shalt  }
0x63: {  	_ =	shalt  }
0x64: {  	_ =	shalt  }
0x65: {  	_ =	shalt  }
0x66: {  	_ =	shalt  }
0x67: {  	_ =	shalt  }
0x68: {  	_ =	shalt  }
0x69: {  	_ =	shalt  }
0x6a: {  	_ =	shalt  }
0x6b: {  	_ =	shalt  }
0x6c: {  	_ =	shalt  }
0x6d: {  	_ =	shalt  }
0x6e: {  	_ =	shalt  }
0x6f: {  	_ =	shalt  }
0x70: {  	_ =	shalt  }
0x71: {  	_ =	shalt  }
0x72: {  	_ =	shalt  }
0x73: {  	_ =	shalt  }
0x74: {  	_ =	shalt  }
0x75: {  	_ =	shalt  }
0x76: {  	_ =	shalt  }
0x77: {  	_ =	shalt  }
0x78: {  	_ =	shalt  }
0x79: {  	_ =	shalt  }
0x7a: {  	_ =	shalt  }
0x7b: {  	_ =	shalt  }
0x7c: {  	_ =	shalt  }
0x7d: {  	_ =	shalt  }
0x7e: {  	_ =	shalt  }
0x7f: {  	_ =	shalt  }
0x80: {  	_ =	shalt  }
0x81: {  	_ =	shalt  }
0x82: {  	_ =	shalt  }
0x83: {  	_ =	shalt  }
0x84: {  	_ =	shalt  }
0x85: {  	_ =	shalt  }
0x86: {  	_ =	shalt  }
0x87: {  	_ =	shalt  }
.Lfunc_end0:
.L_simem_size_0:
called_computation.1_lowered:
.L_overlay_start_0:
0x88: {  	s2 =	sld [smem:$0x3FD9]  }
0x89: {  	s3 =	sld [smem:$0x3FFE];
	_ =	sdelay $0x1  }
0x8a: {  	s1 =	srdreg.scid  }
0x8b: {  	s0 =	sand.u32 $0x1, s1  }
0x8c: {  	s16 =	sshll.u32 s0, $0xA;
	s2 =	sadd.s32 s3, s2  }
0x8d: {  	s2 =	sadd.s32 s2, s16  }
0x8e: {  	[smem:$0x3FBA] =	sst s2  }
0x8f: {  	_ = 	snop  }
0x90: {  	(tm) =	ssettm $0x1  }
0x91: {  	s17 =	sld [smem:$0x3FFB];
	_ =	sdelay $0x3  }
0x92: {  	_ =	strace s17  }
0x93: {  	s2 =	sld [smem:$0x3FFC];
	_ =	sdelay $0x3  }
0x94: {  	_ =	strace s2  }
0x95: {  	s2 =	sld [smem:$0x3FFD];
	_ =	sdelay $0x3  }
0x96: {  	_ =	strace s2  }
0x97: {  	_ =	strace $0x8FFFFFFF  }
0x98: {  	s18 =	sld [smem:$0x3FDB];
	_ =	sdelay $0x1  }
0x99: {  	s19 =	simm.s32 $_scs_section_size  }
0x9a: {  	s4 =	simm.s32 $_size__tile_overlayer_lowered;
	s5 =	simm.s32 $_tile_overlayer_lowered  }
0x9b: {  	s22 =	simm.s32 $0x1BFF;
	s21 =	sshll.u32 s5, $0x1;
	s2 =	sadd.s32 s19, s18  }
0x9c: {  	s6 =	simm.s32 $0x0;
	s20 =	sshll.u32 s4, $0x1;
	s4 =	sadd.s32 s21, s2  }
0x9d: {  	[timem:s6], [sflag:s22] =	dma.local [hbm:s4], s20  }
0x9e: {  	_ =	swait.ge [sflag:s22], s20  }
0x9f: {  	s3 =	ssub.s32 $0x0, s20;
	[sflag:s22] =	ssyncset.done $0x0  }
0xa0: {  	[sflag:s22] =	ssyncadd.s32 s3;
	_ =	sdelay $0x1  }
0xa1: {  	s23 =	simm.s32 $0x1B8B  }
0xa2: {  	_ =	swait.ge [sflag:s23], $0x1  }
0xa3: {  	[sflag:s23] =	ssyncset.done $0x0  }
0xa4: {  	s25 =	simm.s32 $0x1B8E;
	s24 =	sld [smem:$0x3FFE];
	[sflag:s23] =	ssyncadd.s32 $0xFFFFFFFF  }
0xa5: {  	s26 =	simm.s32 $execute0_lowered;
	[smem:$0x3FD2] =	sst s25  }
0xa6: {  	s4 =	sshll.u32 s26, $0x1;
	_ =	strace $0x80000049;
	[dreg:$0x1] =	wrdreg $0xFFFFFFFF  }
0xa7: {  	s28 =	simm.s32 $_size_execute0_lowered;
	s2 =	sadd.s32 s2, s4;
	[dreg:$0x0] =	wrdreg $0x0  }
0xa8: {  	s4 =	sshll.u32 s28, $0x1;
	[dreg:$0x2] =	wrdreg s2  }
0xa9: {  	[dreg:$0x3] =	wrdreg s4  }
0xaa: {  	[dreg:$0x4] =	wrdreg $0xC0  }
0xab: {  	_ =	task [dreg:s6], $0x5FFFF  }
0xac: {  	[dreg:$0x1] =	wrdreg $0xFFFFFFFF  }
0xad: {  	[dreg:$0x0] =	wrdreg $0x60  }
0xae: {  	[dreg:$0x2] =	wrdreg s24  }
0xaf: {  	[dreg:$0x3] =	wrdreg $0x9E200  }
0xb0: {  	[dreg:$0x4] =	wrdreg $0x9  }
0xb1: {  	_ =	task.clear_ibuf [dreg:s6], $0x5FFFF;
	_ =	strace $0x90000049  }
0xb2: {  	s29 =	simm.s32 $0x9;
	_ =	strace $0x8000004B  }
0xb3: {  	_ =	swait.ge [sflag:s29], $0x1  }
0xb4: {  	[sflag:s29] =	ssyncadd.s32 $0xFFFFFFFF  }
0xb5: {  	_ =	strace $0x9000004B  }
0xb6: {  	_ =	sfence  }
0xb7: {  	s30 =	sld [smem:$0x0];
	_ =	sdelay $0x2  }
0xb8: {  	s31 =	sshll.u32 s1, $0xD;
	s1 =	sshrl.u32 s1, $0x2  }
0xb9: {  	s3 =	sand.u32 $0x4000, s31;
	s1 =	sadd.s32 s1, s30  }
0xba: {  	s0 =	sor.u32 s3, s0;
	s1 =	sshll.u32 s1, $0x11  }
0xbb: {  	s0 =	sor.u32 s1, s0  }
0xbc: {  	s0 =	sadd.s32 $0x8F2B, s0  }
0xbd: {  	[sflag:s0] =	ssyncadd.remote.s32 $0x1  }
0xbe: {  	_ =	sfence.sel $0xFFFF  }
0xbf: {  	[dreg:$0x0] =	wrdreg $0xFFFFFFFF;
	(pc) =	sbr.abs _section_cstart, $3  }
0xc0: {  	[dreg:$0x1] =	wrdreg $0xFFFFFFFF  }
0xc1: {  	_ =	task.clear_ibuf [dreg:s6], $0x2FFFF;
	_ =	strace $0x9FFFFFFF  }
0xc2: {  	(tm) =	ssettm $0x7FFFFFFF  }
0xc3: {  	_ =	shalt  }
tec
execute0_lowered:
.L_overlay_start_1:
0x0: {  	(tag) =	ssettag $0x1  }
0x1: {  	s0 =	srdreg.scid  }
0x2: {  	s9 =	stileid.u32;
	s5 =	rddreg [dreg:$0x0]  }
0x3: {  	s2 =	rddreg [dreg:$0x1];
	s3 =	simm.s32 $0x0;
	s13 =	simm.s32 $0xA  }
0x4: {  	s14 =	simm.s32 $0x9;
	s15 =	simm.s32 $0x50;
	s16 =	simm.s32 $0x4E20  }
0x5: {  	s17 =	simm.s32 $0x5820;
	s19 =	simm.s32 $0x6220;
	s21 =	simm.s32 $0x6C20  }
0x6: {  	s23 =	simm.s32 $0x7620;
	s28 =	simm.s32 $0x8A20;
	s30 =	simm.s32 $0x9420  }
0x7: {  	s31 =	simm.s32 $0x1;
	s18 =	simm.s32 $0x5;
	s20 =	simm.s32 $0x6  }
0x8: {  	s22 =	simm.s32 $0x7;
	s24 =	simm.s32 $0x8;
	s0 =	sand.u32 $0x1, s0  }
0x9: {  	s1 =	sshll.u32 s9, $0x1;
	s7 =	smul.u32 $0x4E20, s9;
	[smem:$0x7FF] =	sst s3  }
0xa: {  	s4 =	sadd.s32 $0x16000, s5;
	s29 =	sshll.u32 s9, $0x6;
	s1 =	sor.u32 s0, s1  }
0xb: {  	s6 =	smul.u32 $0x4E200, s0;
	_ =	strace $0x8000004A;
	s0 =	ssub.s32 $0x2, s0  }
0xc: {  	s1 =	smul.u32 $0x2710, s1;
	s8 =	sshrl.u32 s0, $0x1;
	s26 =	sshrl.u32 s7, $0x3  }
0xd: {  	s11 =	sadd.s32 s7, s2;
	s6 =	sadd.s32 s7, s6;
	s0 =	ssub.s32 s0, s8  }
0xe: {  	s7 =	sadd.s32 s4, s26;
	s8 =	sor.u32 $0x1C0A, s29;
	s12 =	sshrl.u32 s11, $0x3  }
0xf: {  	s11 =	simm.s32 $0x4;
	s26 =	simm.s32 $0x0;
	s1 =	sshrl.u32 s1, $0x3  }
0x10: {  	s6 =	sshrl.u32 s6, $0x3;
	s10 =	smax.u32 s0, $0x1;
	s1 =	sadd.s32 s1, s5  }
0x11: {  	s0 =	simm.s32 $0x3;
	s5 =	sadd.s32 s6, s5;
	s25 =	sadd.s32 $0x2600, s1  }
0x12: {  	s1 =	sadd.s32 $0xC240, s1;
	s9 =	sadd.s32 $0x1FE00, s5;
	[dreg:$0x3] =	wrdreg s25  }
0x13: {  	[dreg:$0x4] =	wrdreg s1;
	s25 =	simm.s32 $0x8020;
	s1 =	simm.s32 $0x2  }
.LBB2_1:
0x14: {  	s5 =	rddreg [dreg:$0x3]  }
0x15: {  	[tilespmem:s3], [sflag:$0x9] =	stream.linear.gather [hbm4b:s5+s3], $0x2710, $0x38;
	[tilespmem:$0xEC40] =	vst v63  }
0x16: {  	s6 =	simm.s32 $0x2710;
	s5 =	rddreg [dreg:$0x4]  }
0x17: {  	[tilespmem:s6], [sflag:$0x9] =	stream.linear.gather [hbm4b:s5+s3], $0x2710, $0x38;
	[tilespmem:$0xEC40] =	vst v63  }
0x18: {  	[spmem:s12], [sflag:s8] =	dma.local [hbm:s7], $0x9C4  }
0x19: {  	_ =	swait.ge [sflag:s13], $0x9C4  }
0x1a: {  	[sflag:s13] =	ssyncset.done $0x0  }
0x1b: {  	[sflag:s13] =	ssyncadd.s32 $0xFFFFF63C  }
0x1c: {  	_ =	swait.ge [sflag:s14], $0x2710  }
0x1d: {  	[sflag:s14] =	ssyncset.done $0x0  }
0x1e: {  	[sflag:s14] =	ssyncadd.s32 $0xFFFFD8F0  }
0x1f: {  	_ =	swait.ge [sflag:s14], $0x2710  }
0x20: {  	[sflag:s14] =	ssyncset.done $0x0  }
0x21: {  	[sflag:s14] =	ssyncadd.s32 $0xFFFFD8F0  }
0x22: {  	[bflag:$0x0] =	sbarrier.arrive $0xFFFF  }
0x23: {  	[tilespmem:s16], [sflag:$0x1] =	stream.indirect.gather [hbm4b:s4+s15], $0x20, s3, s15, $0xb8;
	[tilespmem:$0xEC40] =	vst v63  }
0x24: {  	_ = 	snop  }
0x25: {  	[tilespmem:s17], [sflag:$0x2] =	stream.indirect.gather [hbm4b:s4+s15], $0x20, s15, s15, $0xb8;
	[tilespmem:$0xEC40] =	vst v63  }
0x26: {  	s6 =	simm.s32 $0xA0  }
0x27: {  	[tilespmem:s19], [sflag:$0x3] =	stream.indirect.gather [hbm4b:s4+s15], $0x20, s6, s15, $0xb8;
	[tilespmem:$0xEC40] =	vst v63  }
0x28: {  	s6 =	simm.s32 $0xF0  }
0x29: {  	[tilespmem:s21], [sflag:$0x4] =	stream.indirect.gather [hbm4b:s4+s15], $0x20, s6, s15, $0xb8;
	[tilespmem:$0xEC40] =	vst v63  }
0x2a: {  	s6 =	simm.s32 $0x140  }
0x2b: {  	[tilespmem:s23], [sflag:$0x5] =	stream.indirect.gather [hbm4b:s4+s15], $0x20, s6, s15, $0xb8;
	[tilespmem:$0xEC40] =	vst v63  }
0x2c: {  	s6 =	simm.s32 $0x190  }
0x2d: {  	[tilespmem:s25], [sflag:$0x6] =	stream.indirect.gather [hbm4b:s4+s15], $0x20, s6, s15, $0xb8;
	[tilespmem:$0xEC40] =	vst v63  }
0x2e: {  	s6 =	simm.s32 $0x1E0  }
0x2f: {  	[tilespmem:s28], [sflag:$0x7] =	stream.indirect.gather [hbm4b:s4+s15], $0x20, s6, s15, $0xb8;
	[tilespmem:$0xEC40] =	vst v63  }
0x30: {  	s6 =	simm.s32 $0x230  }
0x31: {  	[tilespmem:s30], [sflag:$0x8] =	stream.indirect.gather [hbm4b:s4+s15], $0x20, s6, s15, $0xb8;
	[tilespmem:$0xEC40] =	vst v63  }
0x32: {  	_ =	swait.ge [sflag:s31], $0xA00  }
0x33: {  	[sflag:s31] =	ssyncset.done $0x0  }
0x34: {  	s6 =	simm.s32 $0x2710;
	[sflag:s31] =	ssyncadd.s32 $0xFFFFF600  }
0x35: {  	[spmem:s2] =	stream.indirect.scatter.add.f32 [tilespmem:s16], [sflag:$0x1], $0x20, s6, s15, $0xb8;
	[tilespmem:$0xEC40] =	vst v63  }
0x36: {  	_ =	swait.ge [sflag:s1], $0xA00  }
0x37: {  	[sflag:s1] =	ssyncset.done $0x0  }
0x38: {  	s6 =	simm.s32 $0x2760;
	[sflag:s1] =	ssyncadd.s32 $0xFFFFF600  }
0x39: {  	[spmem:s2] =	stream.indirect.scatter.add.f32 [tilespmem:s17], [sflag:$0x2], $0x20, s6, s15, $0xb8;
	[tilespmem:$0xEC40] =	vst v63  }
0x3a: {  	_ =	swait.ge [sflag:s0], $0xA00  }
0x3b: {  	[sflag:s0] =	ssyncset.done $0x0  }
0x3c: {  	s6 =	simm.s32 $0x27B0;
	[sflag:s0] =	ssyncadd.s32 $0xFFFFF600  }
0x3d: {  	[spmem:s2] =	stream.indirect.scatter.add.f32 [tilespmem:s19], [sflag:$0x3], $0x20, s6, s15, $0xb8;
	[tilespmem:$0xEC40] =	vst v63  }
0x3e: {  	_ =	swait.ge [sflag:s11], $0xA00  }
0x3f: {  	[sflag:s11] =	ssyncset.done $0x0  }
0x40: {  	s6 =	simm.s32 $0x2800;
	[sflag:s11] =	ssyncadd.s32 $0xFFFFF600  }
0x41: {  	[spmem:s2] =	stream.indirect.scatter.add.f32 [tilespmem:s21], [sflag:$0x4], $0x20, s6, s15, $0xb8;
	[tilespmem:$0xEC40] =	vst v63  }
0x42: {  	_ =	swait.ge [sflag:s18], $0xA00  }
0x43: {  	[sflag:s18] =	ssyncset.done $0x0  }
0x44: {  	s6 =	simm.s32 $0x2850;
	[sflag:s18] =	ssyncadd.s32 $0xFFFFF600  }
0x45: {  	[spmem:s2] =	stream.indirect.scatter.add.f32 [tilespmem:s23], [sflag:$0x5], $0x20, s6, s15, $0xb8;
	[tilespmem:$0xEC40] =	vst v63  }
0x46: {  	_ =	swait.ge [sflag:s20], $0xA00  }
0x47: {  	[sflag:s20] =	ssyncset.done $0x0  }
0x48: {  	s6 =	simm.s32 $0x28A0;
	[sflag:s20] =	ssyncadd.s32 $0xFFFFF600  }
0x49: {  	[spmem:s2] =	stream.indirect.scatter.add.f32 [tilespmem:s25], [sflag:$0x6], $0x20, s6, s15, $0xb8;
	[tilespmem:$0xEC40] =	vst v63  }
0x4a: {  	_ =	swait.ge [sflag:s22], $0xA00  }
0x4b: {  	[sflag:s22] =	ssyncset.done $0x0  }
0x4c: {  	s6 =	simm.s32 $0x28F0;
	[sflag:s22] =	ssyncadd.s32 $0xFFFFF600  }
0x4d: {  	[spmem:s2] =	stream.indirect.scatter.add.f32 [tilespmem:s28], [sflag:$0x7], $0x20, s6, s15, $0xb8;
	[tilespmem:$0xEC40] =	vst v63  }
0x4e: {  	_ =	swait.ge [sflag:s24], $0xA00  }
0x4f: {  	[sflag:s24] =	ssyncset.done $0x0  }
0x50: {  	s6 =	simm.s32 $0x2940;
	[sflag:s24] =	ssyncadd.s32 $0xFFFFF600  }
0x51: {  	[spmem:s2] =	stream.indirect.scatter.add.f32 [tilespmem:s30], [sflag:$0x8], $0x20, s6, s15, $0xb8;
	[tilespmem:$0xEC40] =	vst v63  }
0x52: {  	_ =	swait.ge [sflag:s31], $0xA00  }
0x53: {  	[sflag:s31] =	ssyncset.done $0x0  }
0x54: {  	s6 =	simm.s32 $0x280;
	[sflag:s31] =	ssyncadd.s32 $0xFFFFF600  }
0x55: {  	[tilespmem:s16], [sflag:$0x1] =	stream.indirect.gather [hbm4b:s4+s15], $0x20, s6, s15, $0xb8;
	[tilespmem:$0xEC40] =	vst v63  }
0x56: {  	_ =	swait.ge [sflag:s1], $0xA00  }
0x57: {  	[sflag:s1] =	ssyncset.done $0x0  }
0x58: {  	s6 =	simm.s32 $0x2D0;
	[sflag:s1] =	ssyncadd.s32 $0xFFFFF600  }
0x59: {  	[tilespmem:s17], [sflag:$0x2] =	stream.indirect.gather [hbm4b:s4+s15], $0x20, s6, s15, $0xb8;
	[tilespmem:$0xEC40] =	vst v63  }
0x5a: {  	_ =	swait.ge [sflag:s0], $0xA00  }
0x5b: {  	[sflag:s0] =	ssyncset.done $0x0  }
0x5c: {  	s6 =	simm.s32 $0x320;
	[sflag:s0] =	ssyncadd.s32 $0xFFFFF600  }
0x5d: {  	[tilespmem:s19], [sflag:$0x3] =	stream.indirect.gather [hbm4b:s4+s15], $0x20, s6, s15, $0xb8;
	[tilespmem:$0xEC40] =	vst v63  }
0x5e: {  	_ =	swait.ge [sflag:s11], $0xA00  }
0x5f: {  	[sflag:s11] =	ssyncset.done $0x0  }
0x60: {  	s6 =	simm.s32 $0x370;
	[sflag:s11] =	ssyncadd.s32 $0xFFFFF600  }
0x61: {  	[tilespmem:s21], [sflag:$0x4] =	stream.indirect.gather [hbm4b:s4+s15], $0x20, s6, s15, $0xb8;
	[tilespmem:$0xEC40] =	vst v63  }
0x62: {  	_ =	swait.ge [sflag:s18], $0xA00  }
0x63: {  	[sflag:s18] =	ssyncset.done $0x0  }
0x64: {  	s6 =	simm.s32 $0x3C0;
	[sflag:s18] =	ssyncadd.s32 $0xFFFFF600  }
0x65: {  	[tilespmem:s23], [sflag:$0x5] =	stream.indirect.gather [hbm4b:s4+s15], $0x20, s6, s15, $0xb8;
	[tilespmem:$0xEC40] =	vst v63  }
0x66: {  	_ =	swait.ge [sflag:s20], $0xA00  }
0x67: {  	[sflag:s20] =	ssyncset.done $0x0  }
0x68: {  	s6 =	simm.s32 $0x410;
	[sflag:s20] =	ssyncadd.s32 $0xFFFFF600  }
0x69: {  	[tilespmem:s25], [sflag:$0x6] =	stream.indirect.gather [hbm4b:s4+s15], $0x20, s6, s15, $0xb8;
	[tilespmem:$0xEC40] =	vst v63  }
0x6a: {  	_ =	swait.ge [sflag:s22], $0xA00  }
0x6b: {  	[sflag:s22] =	ssyncset.done $0x0  }
0x6c: {  	s6 =	simm.s32 $0x460;
	[sflag:s22] =	ssyncadd.s32 $0xFFFFF600  }
0x6d: {  	[tilespmem:s28], [sflag:$0x7] =	stream.indirect.gather [hbm4b:s4+s15], $0x20, s6, s15, $0xb8;
	[tilespmem:$0xEC40] =	vst v63  }
0x6e: {  	_ =	swait.ge [sflag:s24], $0xA00  }
0x6f: {  	[sflag:s24] =	ssyncset.done $0x0  }
0x70: {  	s29 =	simm.s32 $0xA00;
	s5 =	simm.s32 $0x4B0;
	[sflag:s24] =	ssyncadd.s32 $0xFFFFF600  }
.LBB2_2:
0x71: {  	[tilespmem:s30], [sflag:$0x8] =	stream.indirect.gather [hbm4b:s4+s15], $0x20, s5, s15, $0xb8;
	[tilespmem:$0xEC40] =	vst v63  }
0x72: {  	s5 =	smov.u32 s29  }
0x73: {  	p0 =	sne.s32 s29, $0x8200;
	s29 =	sadd.s32 $0xA00, s29;
	_ =	swait.ge [sflag:s31], $0xA00  }
0x74: {  	s5 =	sshra.s32 s5, $0x2;
	[sflag:s31] =	ssyncset.done $0x0  }
0x75: {  	s6 =	sadd.s32 $0x2710, s5;
	[sflag:s31] =	ssyncadd.s32 $0xFFFFF600  }
0x76: {  	[spmem:s2] =	stream.indirect.scatter.add.f32 [tilespmem:s16], [sflag:$0x1], $0x20, s6, s15, $0xb8;
	[tilespmem:$0xEC40] =	vst v63  }
0x77: {  	_ =	swait.ge [sflag:s1], $0xA00  }
0x78: {  	[sflag:s1] =	ssyncset.done $0x0  }
0x79: {  	s6 =	sadd.s32 $0x2760, s5;
	[sflag:s1] =	ssyncadd.s32 $0xFFFFF600  }
0x7a: {  	[spmem:s2] =	stream.indirect.scatter.add.f32 [tilespmem:s17], [sflag:$0x2], $0x20, s6, s15, $0xb8;
	[tilespmem:$0xEC40] =	vst v63  }
0x7b: {  	_ =	swait.ge [sflag:s0], $0xA00  }
0x7c: {  	[sflag:s0] =	ssyncset.done $0x0  }
0x7d: {  	s6 =	sadd.s32 $0x27B0, s5;
	[sflag:s0] =	ssyncadd.s32 $0xFFFFF600  }
0x7e: {  	[spmem:s2] =	stream.indirect.scatter.add.f32 [tilespmem:s19], [sflag:$0x3], $0x20, s6, s15, $0xb8;
	[tilespmem:$0xEC40] =	vst v63  }
0x7f: {  	_ =	swait.ge [sflag:s11], $0xA00  }
0x80: {  	[sflag:s11] =	ssyncset.done $0x0  }
0x81: {  	s6 =	sadd.s32 $0x2800, s5;
	[sflag:s11] =	ssyncadd.s32 $0xFFFFF600  }
0x82: {  	[spmem:s2] =	stream.indirect.scatter.add.f32 [tilespmem:s21], [sflag:$0x4], $0x20, s6, s15, $0xb8;
	[tilespmem:$0xEC40] =	vst v63  }
0x83: {  	_ =	swait.ge [sflag:s18], $0xA00  }
0x84: {  	[sflag:s18] =	ssyncset.done $0x0  }
0x85: {  	s6 =	sadd.s32 $0x2850, s5;
	[sflag:s18] =	ssyncadd.s32 $0xFFFFF600  }
0x86: {  	[spmem:s2] =	stream.indirect.scatter.add.f32 [tilespmem:s23], [sflag:$0x5], $0x20, s6, s15, $0xb8;
	[tilespmem:$0xEC40] =	vst v63  }
0x87: {  	_ =	swait.ge [sflag:s20], $0xA00  }
0x88: {  	[sflag:s20] =	ssyncset.done $0x0  }
0x89: {  	s6 =	sadd.s32 $0x28A0, s5;
	[sflag:s20] =	ssyncadd.s32 $0xFFFFF600  }
0x8a: {  	[spmem:s2] =	stream.indirect.scatter.add.f32 [tilespmem:s25], [sflag:$0x6], $0x20, s6, s15, $0xb8;
	[tilespmem:$0xEC40] =	vst v63  }
0x8b: {  	_ =	swait.ge [sflag:s22], $0xA00  }
0x8c: {  	[sflag:s22] =	ssyncset.done $0x0  }
0x8d: {  	s6 =	sadd.s32 $0x28F0, s5;
	[sflag:s22] =	ssyncadd.s32 $0xFFFFF600  }
0x8e: {  	[spmem:s2] =	stream.indirect.scatter.add.f32 [tilespmem:s28], [sflag:$0x7], $0x20, s6, s15, $0xb8;
	[tilespmem:$0xEC40] =	vst v63  }
0x8f: {  	_ =	swait.ge [sflag:s24], $0xA00  }
0x90: {  	[sflag:s24] =	ssyncset.done $0x0  }
0x91: {  	s6 =	sadd.s32 $0x2940, s5;
	[sflag:s24] =	ssyncadd.s32 $0xFFFFF600  }
0x92: {  	[spmem:s2] =	stream.indirect.scatter.add.f32 [tilespmem:s30], [sflag:$0x8], $0x20, s6, s15, $0xb8;
	[tilespmem:$0xEC40] =	vst v63  }
0x93: {  	_ =	swait.ge [sflag:s31], $0xA00  }
0x94: {  	[sflag:s31] =	ssyncset.done $0x0  }
0x95: {  	s6 =	sadd.s32 $0x280, s5;
	[sflag:s31] =	ssyncadd.s32 $0xFFFFF600  }
0x96: {  	[tilespmem:s16], [sflag:$0x1] =	stream.indirect.gather [hbm4b:s4+s15], $0x20, s6, s15, $0xb8;
	[tilespmem:$0xEC40] =	vst v63  }
0x97: {  	_ =	swait.ge [sflag:s1], $0xA00  }
0x98: {  	[sflag:s1] =	ssyncset.done $0x0  }
0x99: {  	s6 =	sadd.s32 $0x2D0, s5;
	[sflag:s1] =	ssyncadd.s32 $0xFFFFF600  }
0x9a: {  	[tilespmem:s17], [sflag:$0x2] =	stream.indirect.gather [hbm4b:s4+s15], $0x20, s6, s15, $0xb8;
	[tilespmem:$0xEC40] =	vst v63  }
0x9b: {  	_ =	swait.ge [sflag:s0], $0xA00  }
0x9c: {  	[sflag:s0] =	ssyncset.done $0x0  }
0x9d: {  	s6 =	sadd.s32 $0x320, s5;
	[sflag:s0] =	ssyncadd.s32 $0xFFFFF600  }
0x9e: {  	[tilespmem:s19], [sflag:$0x3] =	stream.indirect.gather [hbm4b:s4+s15], $0x20, s6, s15, $0xb8;
	[tilespmem:$0xEC40] =	vst v63  }
0x9f: {  	_ =	swait.ge [sflag:s11], $0xA00  }
0xa0: {  	[sflag:s11] =	ssyncset.done $0x0  }
0xa1: {  	s6 =	sadd.s32 $0x370, s5;
	[sflag:s11] =	ssyncadd.s32 $0xFFFFF600  }
0xa2: {  	[tilespmem:s21], [sflag:$0x4] =	stream.indirect.gather [hbm4b:s4+s15], $0x20, s6, s15, $0xb8;
	[tilespmem:$0xEC40] =	vst v63  }
0xa3: {  	_ =	swait.ge [sflag:s18], $0xA00  }
0xa4: {  	[sflag:s18] =	ssyncset.done $0x0  }
0xa5: {  	s6 =	sadd.s32 $0x3C0, s5;
	[sflag:s18] =	ssyncadd.s32 $0xFFFFF600  }
0xa6: {  	[tilespmem:s23], [sflag:$0x5] =	stream.indirect.gather [hbm4b:s4+s15], $0x20, s6, s15, $0xb8;
	[tilespmem:$0xEC40] =	vst v63  }
0xa7: {  	_ =	swait.ge [sflag:s20], $0xA00  }
0xa8: {  	[sflag:s20] =	ssyncset.done $0x0  }
0xa9: {  	s6 =	sadd.s32 $0x410, s5;
	[sflag:s20] =	ssyncadd.s32 $0xFFFFF600  }
0xaa: {  	[tilespmem:s25], [sflag:$0x6] =	stream.indirect.gather [hbm4b:s4+s15], $0x20, s6, s15, $0xb8;
	[tilespmem:$0xEC40] =	vst v63  }
0xab: {  	_ =	swait.ge [sflag:s22], $0xA00  }
0xac: {  	[sflag:s22] =	ssyncset.done $0x0  }
.Ltmp0:
0xad: {  	s6 =	sadd.s32 $0x460, s5;
	[sflag:s22] =	ssyncadd.s32 $0xFFFFF600;
	(pc) =	sbr.rel @p0 .LBB2_2-.Ltmp0, $4  }
0xae: {  	[tilespmem:s28], [sflag:$0x7] =	stream.indirect.gather [hbm4b:s4+s15], $0x20, s6, s15, $0xb8;
	[tilespmem:$0xEC40] =	vst v63  }
0xaf: {  	_ =	swait.ge [sflag:s24], $0xA00  }
0xb0: {  	[sflag:s24] =	ssyncset.done $0x0  }
0xb1: {  	s5 =	sadd.s32 $0x4B0, s5;
	[sflag:s24] =	ssyncadd.s32 $0xFFFFF600  }
0xb2: {  	[tilespmem:s30], [sflag:$0x8] =	stream.indirect.gather [hbm4b:s4+s15], $0x20, s5, s15, $0xb8;
	[tilespmem:$0xEC40] =	vst v63  }
0xb3: {  	_ =	swait.ge [sflag:s31], $0xA00  }
0xb4: {  	[sflag:s31] =	ssyncset.done $0x0  }
0xb5: {  	s6 =	simm.s32 $0x4A10;
	[sflag:s31] =	ssyncadd.s32 $0xFFFFF600  }
0xb6: {  	[spmem:s2] =	stream.indirect.scatter.add.f32 [tilespmem:s16], [sflag:$0x1], $0x20, s6, s15, $0xb8;
	[tilespmem:$0xEC40] =	vst v63  }
0xb7: {  	_ =	swait.ge [sflag:s1], $0xA00  }
0xb8: {  	[sflag:s1] =	ssyncset.done $0x0  }
0xb9: {  	s29 =	simm.s32 $0x4A60;
	[sflag:s1] =	ssyncadd.s32 $0xFFFFF600  }
0xba: {  	[spmem:s2] =	stream.indirect.scatter.add.f32 [tilespmem:s17], [sflag:$0x2], $0x20, s29, s15, $0xb8;
	[tilespmem:$0xEC40] =	vst v63  }
0xbb: {  	_ =	swait.ge [sflag:s0], $0xA00  }
0xbc: {  	[sflag:s0] =	ssyncset.done $0x0  }
0xbd: {  	s6 =	simm.s32 $0x4AB0;
	[sflag:s0] =	ssyncadd.s32 $0xFFFFF600  }
0xbe: {  	[spmem:s2] =	stream.indirect.scatter.add.f32 [tilespmem:s19], [sflag:$0x3], $0x20, s6, s15, $0xb8;
	[tilespmem:$0xEC40] =	vst v63  }
0xbf: {  	_ =	swait.ge [sflag:s11], $0xA00  }
0xc0: {  	[sflag:s11] =	ssyncset.done $0x0  }
0xc1: {  	s29 =	simm.s32 $0x4B00;
	[sflag:s11] =	ssyncadd.s32 $0xFFFFF600  }
0xc2: {  	[spmem:s2] =	stream.indirect.scatter.add.f32 [tilespmem:s21], [sflag:$0x4], $0x20, s29, s15, $0xb8;
	[tilespmem:$0xEC40] =	vst v63  }
0xc3: {  	_ =	swait.ge [sflag:s18], $0xA00  }
0xc4: {  	[sflag:s18] =	ssyncset.done $0x0  }
0xc5: {  	s6 =	simm.s32 $0x4B50;
	[sflag:s18] =	ssyncadd.s32 $0xFFFFF600  }
0xc6: {  	[spmem:s2] =	stream.indirect.scatter.add.f32 [tilespmem:s23], [sflag:$0x5], $0x20, s6, s15, $0xb8;
	[tilespmem:$0xEC40] =	vst v63  }
0xc7: {  	_ =	swait.ge [sflag:s20], $0xA00  }
0xc8: {  	[sflag:s20] =	ssyncset.done $0x0  }
0xc9: {  	s29 =	simm.s32 $0x4BA0;
	[sflag:s20] =	ssyncadd.s32 $0xFFFFF600  }
0xca: {  	[spmem:s2] =	stream.indirect.scatter.add.f32 [tilespmem:s25], [sflag:$0x6], $0x20, s29, s15, $0xb8;
	[tilespmem:$0xEC40] =	vst v63  }
0xcb: {  	_ =	swait.ge [sflag:s22], $0xA00  }
0xcc: {  	[sflag:s22] =	ssyncset.done $0x0  }
0xcd: {  	s6 =	simm.s32 $0x4BF0;
	[sflag:s22] =	ssyncadd.s32 $0xFFFFF600  }
0xce: {  	[spmem:s2] =	stream.indirect.scatter.add.f32 [tilespmem:s28], [sflag:$0x7], $0x20, s6, s15, $0xb8;
	[tilespmem:$0xEC40] =	vst v63  }
0xcf: {  	_ =	swait.ge [sflag:s24], $0xA00  }
0xd0: {  	[sflag:s24] =	ssyncset.done $0x0  }
0xd1: {  	s29 =	simm.s32 $0x4C40;
	[sflag:s24] =	ssyncadd.s32 $0xFFFFF600  }
0xd2: {  	[spmem:s2] =	stream.indirect.scatter.add.f32 [tilespmem:s30], [sflag:$0x8], $0x20, s29, s15, $0xb8;
	[tilespmem:$0xEC40] =	vst v63  }
0xd3: {  	_ =	swait.ge [sflag:s31], $0xA00  }
0xd4: {  	[sflag:s31] =	ssyncset.done $0x0  }
0xd5: {  	s6 =	simm.s32 $0x2580;
	[sflag:s31] =	ssyncadd.s32 $0xFFFFF600  }
0xd6: {  	[tilespmem:s16], [sflag:$0x1] =	stream.indirect.gather [hbm4b:s4+s15], $0x20, s6, s15, $0xb8;
	[tilespmem:$0xEC40] =	vst v63  }
0xd7: {  	_ =	swait.ge [sflag:s1], $0xA00  }
0xd8: {  	[sflag:s1] =	ssyncset.done $0x0  }
0xd9: {  	s29 =	simm.s32 $0x25D0;
	[sflag:s1] =	ssyncadd.s32 $0xFFFFF600  }
0xda: {  	[tilespmem:s17], [sflag:$0x2] =	stream.indirect.gather [hbm4b:s4+s15], $0x20, s29, s15, $0xb8;
	[tilespmem:$0xEC40] =	vst v63  }
0xdb: {  	_ =	swait.ge [sflag:s0], $0xA00  }
0xdc: {  	[sflag:s0] =	ssyncset.done $0x0  }
0xdd: {  	s6 =	simm.s32 $0x2620;
	[sflag:s0] =	ssyncadd.s32 $0xFFFFF600  }
0xde: {  	[tilespmem:s19], [sflag:$0x3] =	stream.indirect.gather [hbm4b:s4+s15], $0x20, s6, s15, $0xb8;
	[tilespmem:$0xEC40] =	vst v63  }
0xdf: {  	_ =	swait.ge [sflag:s11], $0xA00  }
0xe0: {  	[sflag:s11] =	ssyncset.done $0x0  }
0xe1: {  	s29 =	simm.s32 $0x2670;
	[sflag:s11] =	ssyncadd.s32 $0xFFFFF600  }
0xe2: {  	[tilespmem:s21], [sflag:$0x4] =	stream.indirect.gather [hbm4b:s4+s15], $0x20, s29, s15, $0xb8;
	[tilespmem:$0xEC40] =	vst v63  }
0xe3: {  	_ =	swait.ge [sflag:s18], $0xA00  }
0xe4: {  	[sflag:s18] =	ssyncset.done $0x0  }
0xe5: {  	s6 =	simm.s32 $0x26C0;
	[sflag:s18] =	ssyncadd.s32 $0xFFFFF600  }
0xe6: {  	[tilespmem:s23], [sflag:$0x5] =	stream.indirect.gather [hbm4b:s4+s15], $0x20, s6, s15, $0xb8;
	[tilespmem:$0xEC40] =	vst v63  }
0xe7: {  	_ =	swait.ge [sflag:s31], $0xA00  }
0xe8: {  	[sflag:s31] =	ssyncset.done $0x0  }
0xe9: {  	s29 =	simm.s32 $0x4C90;
	[sflag:s31] =	ssyncadd.s32 $0xFFFFF600  }
0xea: {  	[spmem:s2] =	stream.indirect.scatter.add.f32 [tilespmem:s16], [sflag:$0x1], $0x20, s29, s15, $0xb8;
	[tilespmem:$0xEC40] =	vst v63  }
0xeb: {  	_ =	swait.ge [sflag:s1], $0xA00  }
0xec: {  	[sflag:s1] =	ssyncset.done $0x0  }
0xed: {  	s6 =	simm.s32 $0x4CE0;
	[sflag:s1] =	ssyncadd.s32 $0xFFFFF600  }
0xee: {  	[spmem:s2] =	stream.indirect.scatter.add.f32 [tilespmem:s17], [sflag:$0x2], $0x20, s6, s15, $0xb8;
	[tilespmem:$0xEC40] =	vst v63  }
0xef: {  	_ =	swait.ge [sflag:s0], $0xA00  }
0xf0: {  	[sflag:s0] =	ssyncset.done $0x0  }
0xf1: {  	s29 =	simm.s32 $0x4D30;
	[sflag:s0] =	ssyncadd.s32 $0xFFFFF600  }
0xf2: {  	[spmem:s2] =	stream.indirect.scatter.add.f32 [tilespmem:s19], [sflag:$0x3], $0x20, s29, s15, $0xb8;
	[tilespmem:$0xEC40] =	vst v63  }
0xf3: {  	_ =	swait.ge [sflag:s11], $0xA00  }
0xf4: {  	[sflag:s11] =	ssyncset.done $0x0  }
0xf5: {  	s6 =	simm.s32 $0x4D80;
	[sflag:s11] =	ssyncadd.s32 $0xFFFFF600  }
0xf6: {  	[spmem:s2] =	stream.indirect.scatter.add.f32 [tilespmem:s21], [sflag:$0x4], $0x20, s6, s15, $0xb8;
	[tilespmem:$0xEC40] =	vst v63  }
0xf7: {  	_ =	swait.ge [sflag:s18], $0xA00  }
0xf8: {  	[sflag:s18] =	ssyncset.done $0x0  }
0xf9: {  	s29 =	simm.s32 $0x4DD0;
	[sflag:s18] =	ssyncadd.s32 $0xFFFFF600  }
0xfa: {  	[spmem:s2] =	stream.indirect.scatter.add.f32 [tilespmem:s23], [sflag:$0x5], $0x20, s29, s15, $0xb8;
	[tilespmem:$0xEC40] =	vst v63  }
0xfb: {  	_ =	swait.ge [sflag:s31], $0xA00  }
0xfc: {  	[sflag:s31] =	ssyncset.done $0x0  }
0xfd: {  	[sflag:s31] =	ssyncadd.s32 $0xFFFFF600  }
0xfe: {  	_ =	swait.ge [sflag:s1], $0xA00  }
0xff: {  	[sflag:s1] =	ssyncset.done $0x0  }
0x100: {  	[sflag:s1] =	ssyncadd.s32 $0xFFFFF600  }
0x101: {  	_ =	swait.ge [sflag:s0], $0xA00  }
0x102: {  	[sflag:s0] =	ssyncset.done $0x0  }
0x103: {  	[sflag:s0] =	ssyncadd.s32 $0xFFFFF600  }
0x104: {  	_ =	swait.ge [sflag:s11], $0xA00  }
0x105: {  	[sflag:s11] =	ssyncset.done $0x0  }
0x106: {  	[sflag:s11] =	ssyncadd.s32 $0xFFFFF600  }
0x107: {  	_ =	swait.ge [sflag:s18], $0xA00  }
0x108: {  	[sflag:s18] =	ssyncset.done $0x0  }
0x109: {  	[sflag:s18] =	ssyncadd.s32 $0xFFFFF600  }
0x10a: {  	_ =	swait.ge [sflag:s20], $0xA00  }
0x10b: {  	[sflag:s20] =	ssyncset.done $0x0  }
0x10c: {  	[sflag:s20] =	ssyncadd.s32 $0xFFFFF600  }
0x10d: {  	_ =	swait.ge [sflag:s22], $0xA00  }
0x10e: {  	[sflag:s22] =	ssyncset.done $0x0  }
0x10f: {  	[sflag:s22] =	ssyncadd.s32 $0xFFFFF600  }
0x110: {  	_ =	swait.ge [sflag:s24], $0xA00  }
0x111: {  	s26 =	sadd.s32 $0x1, s26;
	[sflag:s24] =	ssyncset.done $0x0  }
0x112: {  	p0 =	sne.s32 s26, s10;
	[sflag:s24] =	ssyncadd.s32 $0xFFFFF600  }
.Ltmp1:
0x113: {  	[bflag:$0x0] =	sbarrier.arrive $0xFFFF;
	(pc) =	sbr.rel @p0 .LBB2_1-.Ltmp1, $4  }
0x114: {  	[hbm:s9], [sflag:s8] =	dma.local [spmem:s12], $0x9C4  }
0x115: {  	_ =	swait.ge [sflag:s13], $0x9C4  }
0x116: {  	[sflag:s13] =	ssyncset.done $0x0  }
0x117: {  	[sflag:s13] =	ssyncadd.s32 $0xFFFFF63C  }
0x118: {  	_ =	sfence.sel $0x180000  }
0x119: {  	[bflag:$0x0] =	sbarrier.arrive $0xFFFF  }
0x11a: {  	_ =	strace $0x9000004A  }
0x11b: {  	s0 =	stileid.u32;
	[bflag:$0x2] =	sbarrier.arrive $0xFFFF  }
0x11c: {  	p0 =	sne.s32 s0, $0x0;
	s0 =	rddreg [dreg:$0x2]  }
0x11d: {  	s0 =	sadd.s32 @!p0 $0x100000, s0  }
0x11e: {  	[sflag:s0] =	ssyncadd.tile.s32 @!p0 $0x1;
	_ =	shalt  }
.Lfunc_end2:
_tile_overlayer_lowered:
.L_overlay_start_2:
0x11f: {  	(tag) =	ssettag $0x2  }
0x120: {  	s0 =	rddreg [dreg:$0x0];
	s2 =	stileid.u32  }
0x121: {  	s1 =	rddreg [dreg:$0x1];
	p0 =	sne.s32 s2, $0x0  }
0x122: {  	s3 =	rddreg [dreg:$0x2];
	[bflag:$0x3] =	sbarrier.arrive $0xFFFF;
	s2 =	simm.s32 @!p0 $0x1C0A  }
0x123: {  	[timem:s3], [sflag:s2] =	dma.local @!p0 [hbm:s0], s1  }
0x124: {  	s0 =	simm.s32 @!p0 $0xA  }
0x125: {  	_ =	swait.ge @!p0 [sflag:s0], s1  }
0x126: {  	s1 =	ssub.s32 @!p0 $0x0, s1;
	[sflag:s0] =	ssyncset.done @!p0 $0x0  }
0x127: {  	[sflag:s0] =	ssyncadd.s32 @!p0 s1  }
0x128: {  	[bflag:$0x3] =	sbarrier.arrive $0xFFFF  }
0x129: {  	_ =	shalt  }

</sc_bundles>
